<compile_context>
chip_gen: v7x
topology: tpu7x:2x2x1
jax: 0.10.2.dev20260603
libtpu: 0.0.44.dev20260713+nightly
codegen_flags: <defaults>
</compile_context>

<pallas_src>
import functools

import jax
import jax.numpy as jnp
from jax import lax
from jax.experimental import pallas as pl
from jax.experimental.pallas import tpu as pltpu
from jax.experimental.pallas import tpu_sc as plsc

L = 16
NC, NS = 2, 16
NW = NC * NS
NROW = 66
G = 5


@functools.lru_cache(maxsize=None)
def _sc_edge_filter(n_nodes: int, n_edges: int, batch: int):
    assert n_edges % NW == 0
    ept = n_edges // NW
    K = L
    for cand in range(min(2000, ept), L - 1, -L):
        if ept % cand == 0:
            K = cand
            break
    n_chunks = ept // K
    assert n_chunks % 2 == 0 and (K // L) % G == 0
    assert batch == 64
    PEND = K + 2 * L

    mesh = plsc.VectorSubcoreMesh(core_axis_name="c", subcore_axis_name="s")

    @functools.partial(
        pl.kernel,
        mesh=mesh,
        compiler_params=pltpu.CompilerParams(
            needs_layout_passes=False, use_tc_tiling_on_sc=False),
        out_type=[
            jax.ShapeDtypeStruct((NW, NROW, 8), jnp.float32),
            jax.ShapeDtypeStruct((batch,), jnp.int32),
            jax.ShapeDtypeStruct((batch, 8), jnp.float32),
        ],
        scratch_types=[
            pltpu.VMEM((n_nodes,), jnp.int32),
            pltpu.VMEM((K,), jnp.int32),
            pltpu.VMEM((K,), jnp.int32),
            pltpu.VMEM((K,), jnp.float32),
            pltpu.VMEM((K,), jnp.int32),
            pltpu.VMEM((K,), jnp.int32),
            pltpu.VMEM((K,), jnp.float32),
            pltpu.VMEM((PEND,), jnp.int32),
            pltpu.VMEM((PEND,), jnp.float32),
            pltpu.VMEM((PEND,), jnp.int32),
            pltpu.VMEM((NROW, 8), jnp.float32),
            pltpu.VMEM((batch,), jnp.int32),
            pltpu.VMEM((batch,), jnp.int32),
            pltpu.VMEM((L,), jnp.int32),
            pltpu.VMEM((L,), jnp.float32),
            pltpu.VMEM((L,), jnp.int32),
            pltpu.VMEM((L, 8), jnp.float32),
            pltpu.VMEM((batch, 8), jnp.float32),
            pltpu.VMEM((batch,), jnp.int32),
            pltpu.SMEM((1,), jnp.int32),
            pltpu.SemaphoreType.DMA,
            pltpu.SemaphoreType.DMA,
            pltpu.SemaphoreType.DMA,
        ],
    )
    def k(ei_hbm, w_hbm, nf_hbm, bp_hbm, ti_hbm,
          out_agg, out_wmap, out_nft,
          table, dstA, srcA, wA, dstB, srcB, wB,
          pend_src, pend_w, pend_sl, agg, tgt, tis,
          idxs, ws, sls, rows, nfts, wmaps, cnt_ref, semA, semB, semG):
        wid = lax.axis_index("s") * NC + lax.axis_index("c")
        iota = lax.iota(jnp.int32, L)
        col = iota & 7
        half = iota >> 3
        m_lo = iota < 8
        m_hi = iota >= 8
        zf = jnp.zeros((L,), jnp.float32)
        zi = jnp.zeros((L,), jnp.int32)
        sent = jnp.full((L,), 64, jnp.int32)

        for g in range(NROW * 8 // L):
            flat = iota + g * L
            plsc.store_scatter(agg, [flat >> 3, flat & 7], zf)

        pltpu.sync_copy(bp_hbm.at[pl.ds(0, batch)], tgt)
        pltpu.sync_copy(ti_hbm, tis)
        for g in range(batch // L):
            tv = tgt[pl.ds(g * L, L)] + tis[pl.ds(g * L, L)]
            tgt[pl.ds(g * L, L)] = tv
            plsc.store_scatter(table, [tv], iota + g * L)
        cnt_ref[0] = 0

        base0 = wid * ept
        bufs = ((dstA, srcA, wA, semA), (dstB, srcB, wB, semB))

        def issue(c, b):
            base = base0 + c * K
            d, s, w, sem = bufs[b]
            pltpu.async_copy(ei_hbm.at[1, pl.ds(base, K)], d, sem)
            pltpu.async_copy(ei_hbm.at[0, pl.ds(base, K)], s, sem)
            pltpu.async_copy(w_hbm.at[pl.ds(base, K)], w, sem)

        def wait(c, b):
            base = base0 + c * K
            d, s, w, sem = bufs[b]
            pltpu.make_async_copy(ei_hbm.at[1, pl.ds(base, K)], d, sem).wait()
            pltpu.make_async_copy(ei_hbm.at[0, pl.ds(base, K)], s, sem).wait()
            pltpu.make_async_copy(w_hbm.at[pl.ds(base, K)], w, sem).wait()

        def drain_group(g, carry):
            off = g * L
            idxs[...] = pend_src[pl.ds(off, L)]
            wv = pend_w[pl.ds(off, L)]
            slv = pend_sl[pl.ds(off, L)]
            ws[...] = wv
            sls[...] = slv
            pltpu.async_copy(nf_hbm.at[idxs], rows, semG).wait()
            for p in range(8):
                r = half + 2 * p
                wb = plsc.load_gather(ws, [r])
                sb = plsc.load_gather(sls, [r])
                vals = plsc.load_gather(rows, [r, col])
                contrib = vals * wb
                plsc.addupdate_scatter(agg, [sb, col], contrib, mask=m_lo)
                plsc.addupdate_scatter(agg, [sb, col], contrib, mask=m_hi)
            return carry

        def drain_partial():
            cnt = cnt_ref[0]
            ng = cnt // L

            @pl.when(ng > 0)
            def _():
                lax.fori_loop(0, ng, drain_group, None)
                pend_src[pl.ds(0, L)] = pend_src[pl.ds(ng * L, L)]
                pend_w[pl.ds(0, L)] = pend_w[pl.ds(ng * L, L)]
                pend_sl[pl.ds(0, L)] = pend_sl[pl.ds(ng * L, L)]
                cnt_ref[0] = cnt - ng * L

        def scan(b):
            d, s, w, _ = bufs[b]

            def grp(j, carry):
                i0 = j * G
                dvs, s6s, ms = [], [], []
                for q in range(G):
                    dv = d[pl.ds((i0 + q) * L, L)]
                    s6 = plsc.load_gather(table, [dv]) & 63
                    m = plsc.load_gather(tgt, [s6]) == dv
                    dvs.append(dv)
                    s6s.append(s6)
                    ms.append(m)
                anym = ms[0]
                for q in range(1, G):
                    anym = anym | ms[q]

                @pl.when(jnp.any(anym))
                def _():
                    for q in range(G):
                        m = ms[q]

                        @pl.when(jnp.any(m))
                        def _q():
                            cnt = cnt_ref[0]
                            sv = s[pl.ds((i0 + q) * L, L)]
                            wv = w[pl.ds((i0 + q) * L, L)]
                            plsc.store_compressed(
                                pend_src.at[pl.ds(cnt, L)], sv, mask=m)
                            plsc.store_compressed(
                                pend_w.at[pl.ds(cnt, L)], wv, mask=m)
                            plsc.store_compressed(
                                pend_sl.at[pl.ds(cnt, L)], s6s[q], mask=m)
                            cnt_ref[0] = cnt + jnp.sum(m.astype(jnp.int32))

                return carry
            lax.fori_loop(0, (K // L) // G, grp, None)
            drain_partial()

        issue(0, 0)

        def body(i, carry):
            c = 2 * i
            issue(c + 1, 1)
            wait(c, 0)
            scan(0)

            @pl.when(c + 2 < n_chunks)
            def _():
                issue(c + 2, 0)
            wait(c + 1, 1)
            scan(1)
            return carry
        lax.fori_loop(0, n_chunks // 2, body, None)

        cnt = cnt_ref[0]
        pend_src[pl.ds(cnt, L)] = zi
        pend_w[pl.ds(cnt, L)] = zf
        pend_sl[pl.ds(cnt, L)] = sent
        lax.fori_loop(0, (cnt + L - 1) // L, drain_group, None)

        pltpu.sync_copy(agg, out_agg.at[wid])

        @pl.when(wid == 0)
        def _emit():
            for g in range(batch // L):
                tv = tgt[pl.ds(g * L, L)]
                wmaps[pl.ds(g * L, L)] = plsc.load_gather(table, [tv]) & 63
            pltpu.sync_copy(wmaps, out_wmap)
            pltpu.async_copy(nf_hbm.at[tgt], nfts, semG).wait()
            pltpu.sync_copy(nfts, out_nft)

    return k


def _tc_tail_body(pagg, wmap, nft, ei, W1, b1, Wa, ba, Wp1, bp1,
                  Wp2, bp2, out):
    agg = jnp.sum(pagg[...], axis=0)
    b = wmap.shape[0]
    onehot = (wmap[...][:, None]
              == lax.broadcasted_iota(jnp.int32, (b, NROW), 1)
              ).astype(jnp.float32)
    agg_b = jnp.dot(onehot, agg, preferred_element_type=jnp.float32)
    deg_b = agg_b[:, 5:6]
    x = nft[...][:, :5] + agg_b[:, :5] / (deg_b + 1e-6)
    h = jnp.maximum(
        jnp.dot(x, W1[...], preferred_element_type=jnp.float32) + b1[...], 0.0)
    enr = jnp.maximum(
        jnp.dot(ei[...], Wa[...], preferred_element_type=jnp.float32)
        + ba[...] + h, 0.0)
    hid = jnp.maximum(
        jnp.dot(enr, Wp1[...], preferred_element_type=jnp.float32)
        + bp1[...], 0.0)
    out[...] = jnp.dot(hid, Wp2[...], preferred_element_type=jnp.float32) \
        + bp2[...]


@jax.jit
def kernel(e_i, node_feature, edge_index, edge_weight, batch_ptr, target_idx,
           W1, b1, Wa, ba, Wp1, bp1, Wp2, bp2):
    n, _ = node_feature.shape
    e = edge_weight.shape[0]
    b = e_i.shape[0]
    nf_pad = jnp.concatenate(
        [node_feature,
         jnp.ones((n, 1), jnp.float32),
         jnp.zeros((n, 2), jnp.float32)], axis=1)

    pagg, wmap, nft = _sc_edge_filter(n, e, b)(
        edge_index, edge_weight, nf_pad, batch_ptr, target_idx)

    pred = pl.pallas_call(
        _tc_tail_body,
        out_shape=jax.ShapeDtypeStruct((b, 1), jnp.float32),
    )(pagg, wmap, nft, e_i, W1, b1, Wa, ba, Wp1, bp1, Wp2, bp2)
    return pred

# --- scband reference (transcript-rebuilt; emitter-appended) ---
"""Pipeline reference for scband-tsfm-32719060861135 (READ-ONLY COPY).

The authoritative reference and input builder live on the scoring server;
editing this copy changes nothing except your own understanding.
"""

import jax, jax.numpy as jnp
import numpy as np

N_NODES = 100000
N_EDGES = 3200000
BATCH = 64
IN_DIM = 5
HID = 256
EMB = 12288
HEAD_HID = 128
HORIZON = 1


def setup_inputs(seed: int = 0) -> dict:
    key = jax.random.key(seed)
    ks = jax.random.split(key, 16)
    node_feature = jax.random.normal(ks[0], (N_NODES, IN_DIM), dtype=jnp.float32)
    edge_index = jax.random.randint(ks[1], (2, N_EDGES), 0, N_NODES, dtype=jnp.int32)
    edge_weight = jax.random.uniform(ks[2], (N_EDGES,), dtype=jnp.float32)
    e_i = jax.random.normal(ks[3], (BATCH, EMB), dtype=jnp.float32)
    batch_ptr = jnp.sort(jax.random.randint(ks[4], (BATCH + 1,), 0, N_NODES - 100, dtype=jnp.int32))
    target_idx = jax.random.randint(ks[5], (BATCH,), 0, 100, dtype=jnp.int32)
    # learned parameters
    W1 = jax.random.normal(ks[6], (IN_DIM, HID), dtype=jnp.float32) * 0.1
    b1 = jnp.zeros((HID,), dtype=jnp.float32)
    Wa = jax.random.normal(ks[7], (EMB, HID), dtype=jnp.float32) * 0.01
    ba = jnp.zeros((HID,), dtype=jnp.float32)
    Wp1 = jax.random.normal(ks[8], (HID, HEAD_HID), dtype=jnp.float32) * 0.05
    bp1 = jnp.zeros((HEAD_HID,), dtype=jnp.float32)
    Wp2 = jax.random.normal(ks[9], (HEAD_HID, HORIZON), dtype=jnp.float32) * 0.05
    bp2 = jnp.zeros((HORIZON,), dtype=jnp.float32)
    return {
        'e_i': e_i,
        'node_feature': node_feature,
        'edge_index': edge_index,
        'edge_weight': edge_weight,
        'batch_ptr': batch_ptr,
        'target_idx': target_idx,
        'W1': W1, 'b1': b1,
        'Wa': Wa, 'ba': ba,
        'Wp1': Wp1, 'bp1': bp1,
        'Wp2': Wp2, 'bp2': bp2,
    }


def reference(e_i, node_feature, edge_index, edge_weight, batch_ptr, target_idx,
              W1, b1, Wa, ba, Wp1, bp1, Wp2, bp2):
    n = node_feature.shape[0]
    src = edge_index[0]
    dst = edge_index[1]
    # GraphModule: weighted message passing (gather -> scatter-add) + linear + relu
    msg = node_feature[src] * edge_weight[:, None]
    agg = jax.ops.segment_sum(msg, dst, num_segments=n)
    deg = jax.ops.segment_sum(edge_weight, dst, num_segments=n)
    h_i = jax.nn.relu((node_feature + agg / (deg[:, None] + 1e-6)) @ W1 + b1)
    # gather per-graph target node embeddings using batch_ptr + local target idx
    target_h = h_i[batch_ptr[:-1] + target_idx]
    # Adapter: project LLM embedding to graph dim and fuse
    enriched = jax.nn.relu(e_i @ Wa + ba + target_h)
    # PredictionHead: MLP
    hid = jax.nn.relu(enriched @ Wp1 + bp1)
    pred = hid @ Wp2 + bp2
    return pred

if __name__ == "__main__":
    import jax
    _d = setup_inputs()
    print(jax.jit(kernel)(*tuple(_d.values())))

</pallas_src>

<mosaic_0001>
#map = affine_map<(d0, d1) -> (0, 0)>
#map1 = affine_map<(d0, d1) -> (0)>
#map2 = affine_map<(d0, d1) -> (0, 0, 0)>
module attributes {stable_mosaic.version = 14 : i64} {
  func.func @k(%arg0: i32, %arg1: i32, %arg2: memref<2x3200000xi32, #tpu.memory_space<hbm>>, %arg3: memref<3200000xf32, #tpu.memory_space<hbm>>, %arg4: memref<100000x8xf32, #tpu.memory_space<hbm>>, %arg5: memref<65xi32, #tpu.memory_space<hbm>>, %arg6: memref<64xi32, #tpu.memory_space<hbm>>, %arg7: memref<32x66x8xf32, #tpu.memory_space<hbm>>, %arg8: memref<64xi32, #tpu.memory_space<hbm>>, %arg9: memref<64x8xf32, #tpu.memory_space<hbm>>, %arg10: memref<100000xi32, #tpu.memory_space<vmem>>, %arg11: memref<2000xi32, #tpu.memory_space<vmem>>, %arg12: memref<2000xi32, #tpu.memory_space<vmem>>, %arg13: memref<2000xf32, #tpu.memory_space<vmem>>, %arg14: memref<2000xi32, #tpu.memory_space<vmem>>, %arg15: memref<2000xi32, #tpu.memory_space<vmem>>, %arg16: memref<2000xf32, #tpu.memory_space<vmem>>, %arg17: memref<2032xi32, #tpu.memory_space<vmem>>, %arg18: memref<2032xf32, #tpu.memory_space<vmem>>, %arg19: memref<2032xi32, #tpu.memory_space<vmem>>, %arg20: memref<66x8xf32, #tpu.memory_space<vmem>>, %arg21: memref<64xi32, #tpu.memory_space<vmem>>, %arg22: memref<64xi32, #tpu.memory_space<vmem>>, %arg23: memref<16xi32, #tpu.memory_space<vmem>>, %arg24: memref<16xf32, #tpu.memory_space<vmem>>, %arg25: memref<16xi32, #tpu.memory_space<vmem>>, %arg26: memref<16x8xf32, #tpu.memory_space<vmem>>, %arg27: memref<64x8xf32, #tpu.memory_space<vmem>>, %arg28: memref<64xi32, #tpu.memory_space<vmem>>, %arg29: memref<1xi32, #tpu.memory_space<smem>>, %arg30: memref<!tpu.dma_semaphore, #tpu.memory_space<semaphore_mem>>, %arg31: memref<!tpu.dma_semaphore, #tpu.memory_space<semaphore_mem>>, %arg32: memref<!tpu.dma_semaphore, #tpu.memory_space<semaphore_mem>>) attributes {dimension_semantics = [#tpu.dimension_semantics<core_parallel>, #tpu.dimension_semantics<subcore_parallel>], iteration_bounds = array<i64: 2, 16>, scalar_prefetch = 0 : i64, scratch_operands = 23 : i64, tpu.core_type = #tpu.core_type<sc_vector_subcore>, window_params = [{transform_indices = #map}, {transform_indices = #map1}, {transform_indices = #map}, {transform_indices = #map1}, {transform_indices = #map1}, {transform_indices = #map2}, {transform_indices = #map1}, {transform_indices = #map}]} {
    %mul3A = arith.constant 2 : i32
    %mul3A_0 = arith.muli %arg1, %mul3A : i32
    %add3A = arith.addi %mul3A_0, %arg0 : i32
    %iota3A = tpu.iota {dimensions = array<i32: 0>} : vector<16xi32>
    %and3A = arith.constant 7 : i32
    %and3A_1 = vector.broadcast %and3A : i32 to vector<16xi32>
    %and3A_2 = arith.andi %iota3A, %and3A_1 : vector<16xi32>
    %shift_right_arithmetic3A = arith.constant 3 : i32
    %shift_right_arithmetic3A_3 = vector.broadcast %shift_right_arithmetic3A : i32 to vector<16xi32>
    %shift_right_arithmetic3A_4 = arith.shrsi %iota3A, %shift_right_arithmetic3A_3 : vector<16xi32>
    %lt3A = arith.constant 8 : i32
    %lt3A_5 = vector.broadcast %lt3A : i32 to vector<16xi32>
    %lt3A_6 = arith.cmpi slt, %iota3A, %lt3A_5 : vector<16xi32>
    %ge3A = arith.constant 8 : i32
    %ge3A_7 = vector.broadcast %ge3A : i32 to vector<16xi32>
    %ge3A_8 = arith.cmpi sge, %iota3A, %ge3A_7 : vector<16xi32>
    %broadcast_in_dim3A = arith.constant 0.000000e+00 : f32
    %broadcast_in_dim3A_9 = vector.broadcast %broadcast_in_dim3A : f32 to vector<16xf32>
    %broadcast_in_dim3A_10 = arith.constant 0 : i32
    %broadcast_in_dim3A_11 = vector.broadcast %broadcast_in_dim3A_10 : i32 to vector<16xi32>
    %broadcast_in_dim3A_12 = arith.constant 64 : i32
    %broadcast_in_dim3A_13 = vector.broadcast %broadcast_in_dim3A_12 : i32 to vector<16xi32>
    %add3A_14 = arith.constant 0 : i32
    %add3A_15 = vector.broadcast %add3A_14 : i32 to vector<16xi32>
    %add3A_16 = arith.addi %iota3A, %add3A_15 : vector<16xi32>
    %shift_right_arithmetic3A_17 = arith.constant 3 : i32
    %shift_right_arithmetic3A_18 = vector.broadcast %shift_right_arithmetic3A_17 : i32 to vector<16xi32>
    %shift_right_arithmetic3A_19 = arith.shrsi %add3A_16, %shift_right_arithmetic3A_18 : vector<16xi32>
    %and3A_20 = arith.constant 7 : i32
    %and3A_21 = vector.broadcast %and3A_20 : i32 to vector<16xi32>
    %and3A_22 = arith.andi %add3A_16, %and3A_21 : vector<16xi32>
    tpu.vector_store_idx %arg20[%shift_right_arithmetic3A_19, %and3A_22], %broadcast_in_dim3A_9 : memref<66x8xf32, #tpu.memory_space<vmem>>[vector<16xi32>, vector<16xi32>], vector<16xf32>,
    %add3A_23 = arith.constant 16 : i32
    %add3A_24 = vector.broadcast %add3A_23 : i32 to vector<16xi32>
    %add3A_25 = arith.addi %iota3A, %add3A_24 : vector<16xi32>
    %shift_right_arithmetic3A_26 = arith.constant 3 : i32
    %shift_right_arithmetic3A_27 = vector.broadcast %shift_right_arithmetic3A_26 : i32 to vector<16xi32>
    %shift_right_arithmetic3A_28 = arith.shrsi %add3A_25, %shift_right_arithmetic3A_27 : vector<16xi32>
    %and3A_29 = arith.constant 7 : i32
    %and3A_30 = vector.broadcast %and3A_29 : i32 to vector<16xi32>
    %and3A_31 = arith.andi %add3A_25, %and3A_30 : vector<16xi32>
    tpu.vector_store_idx %arg20[%shift_right_arithmetic3A_28, %and3A_31], %broadcast_in_dim3A_9 : memref<66x8xf32, #tpu.memory_space<vmem>>[vector<16xi32>, vector<16xi32>], vector<16xf32>,
    %add3A_32 = arith.constant 32 : i32
    %add3A_33 = vector.broadcast %add3A_32 : i32 to vector<16xi32>
    %add3A_34 = arith.addi %iota3A, %add3A_33 : vector<16xi32>
    %shift_right_arithmetic3A_35 = arith.constant 3 : i32
    %shift_right_arithmetic3A_36 = vector.broadcast %shift_right_arithmetic3A_35 : i32 to vector<16xi32>
    %shift_right_arithmetic3A_37 = arith.shrsi %add3A_34, %shift_right_arithmetic3A_36 : vector<16xi32>
    %and3A_38 = arith.constant 7 : i32
    %and3A_39 = vector.broadcast %and3A_38 : i32 to vector<16xi32>
    %and3A_40 = arith.andi %add3A_34, %and3A_39 : vector<16xi32>
    tpu.vector_store_idx %arg20[%shift_right_arithmetic3A_37, %and3A_40], %broadcast_in_dim3A_9 : memref<66x8xf32, #tpu.memory_space<vmem>>[vector<16xi32>, vector<16xi32>], vector<16xf32>,
    %add3A_41 = arith.constant 48 : i32
    %add3A_42 = vector.broadcast %add3A_41 : i32 to vector<16xi32>
    %add3A_43 = arith.addi %iota3A, %add3A_42 : vector<16xi32>
    %shift_right_arithmetic3A_44 = arith.constant 3 : i32
    %shift_right_arithmetic3A_45 = vector.broadcast %shift_right_arithmetic3A_44 : i32 to vector<16xi32>
    %shift_right_arithmetic3A_46 = arith.shrsi %add3A_43, %shift_right_arithmetic3A_45 : vector<16xi32>
    %and3A_47 = arith.constant 7 : i32
    %and3A_48 = vector.broadcast %and3A_47 : i32 to vector<16xi32>
    %and3A_49 = arith.andi %add3A_43, %and3A_48 : vector<16xi32>
    tpu.vector_store_idx %arg20[%shift_right_arithmetic3A_46, %and3A_49], %broadcast_in_dim3A_9 : memref<66x8xf32, #tpu.memory_space<vmem>>[vector<16xi32>, vector<16xi32>], vector<16xf32>,
    %add3A_50 = arith.constant 64 : i32
    %add3A_51 = vector.broadcast %add3A_50 : i32 to vector<16xi32>
    %add3A_52 = arith.addi %iota3A, %add3A_51 : vector<16xi32>
    %shift_right_arithmetic3A_53 = arith.constant 3 : i32
    %shift_right_arithmetic3A_54 = vector.broadcast %shift_right_arithmetic3A_53 : i32 to vector<16xi32>
    %shift_right_arithmetic3A_55 = arith.shrsi %add3A_52, %shift_right_arithmetic3A_54 : vector<16xi32>
    %and3A_56 = arith.constant 7 : i32
    %and3A_57 = vector.broadcast %and3A_56 : i32 to vector<16xi32>
    %and3A_58 = arith.andi %add3A_52, %and3A_57 : vector<16xi32>
    tpu.vector_store_idx %arg20[%shift_right_arithmetic3A_55, %and3A_58], %broadcast_in_dim3A_9 : memref<66x8xf32, #tpu.memory_space<vmem>>[vector<16xi32>, vector<16xi32>], vector<16xf32>,
    %add3A_59 = arith.constant 80 : i32
    %add3A_60 = vector.broadcast %add3A_59 : i32 to vector<16xi32>
    %add3A_61 = arith.addi %iota3A, %add3A_60 : vector<16xi32>
    %shift_right_arithmetic3A_62 = arith.constant 3 : i32
    %shift_right_arithmetic3A_63 = vector.broadcast %shift_right_arithmetic3A_62 : i32 to vector<16xi32>
    %shift_right_arithmetic3A_64 = arith.shrsi %add3A_61, %shift_right_arithmetic3A_63 : vector<16xi32>
    %and3A_65 = arith.constant 7 : i32
    %and3A_66 = vector.broadcast %and3A_65 : i32 to vector<16xi32>
    %and3A_67 = arith.andi %add3A_61, %and3A_66 : vector<16xi32>
    tpu.vector_store_idx %arg20[%shift_right_arithmetic3A_64, %and3A_67], %broadcast_in_dim3A_9 : memref<66x8xf32, #tpu.memory_space<vmem>>[vector<16xi32>, vector<16xi32>], vector<16xf32>,
    %add3A_68 = arith.constant 96 : i32
    %add3A_69 = vector.broadcast %add3A_68 : i32 to vector<16xi32>
    %add3A_70 = arith.addi %iota3A, %add3A_69 : vector<16xi32>
    %shift_right_arithmetic3A_71 = arith.constant 3 : i32
    %shift_right_arithmetic3A_72 = vector.broadcast %shift_right_arithmetic3A_71 : i32 to vector<16xi32>
    %shift_right_arithmetic3A_73 = arith.shrsi %add3A_70, %shift_right_arithmetic3A_72 : vector<16xi32>
    %and3A_74 = arith.constant 7 : i32
    %and3A_75 = vector.broadcast %and3A_74 : i32 to vector<16xi32>
    %and3A_76 = arith.andi %add3A_70, %and3A_75 : vector<16xi32>
    tpu.vector_store_idx %arg20[%shift_right_arithmetic3A_73, %and3A_76], %broadcast_in_dim3A_9 : memref<66x8xf32, #tpu.memory_space<vmem>>[vector<16xi32>, vector<16xi32>], vector<16xf32>,
    %add3A_77 = arith.constant 112 : i32
    %add3A_78 = vector.broadcast %add3A_77 : i32 to vector<16xi32>
    %add3A_79 = arith.addi %iota3A, %add3A_78 : vector<16xi32>
    %shift_right_arithmetic3A_80 = arith.constant 3 : i32
    %shift_right_arithmetic3A_81 = vector.broadcast %shift_right_arithmetic3A_80 : i32 to vector<16xi32>
    %shift_right_arithmetic3A_82 = arith.shrsi %add3A_79, %shift_right_arithmetic3A_81 : vector<16xi32>
    %and3A_83 = arith.constant 7 : i32
    %and3A_84 = vector.broadcast %and3A_83 : i32 to vector<16xi32>
    %and3A_85 = arith.andi %add3A_79, %and3A_84 : vector<16xi32>
    tpu.vector_store_idx %arg20[%shift_right_arithmetic3A_82, %and3A_85], %broadcast_in_dim3A_9 : memref<66x8xf32, #tpu.memory_space<vmem>>[vector<16xi32>, vector<16xi32>], vector<16xf32>,
    %add3A_86 = arith.constant 128 : i32
    %add3A_87 = vector.broadcast %add3A_86 : i32 to vector<16xi32>
    %add3A_88 = arith.addi %iota3A, %add3A_87 : vector<16xi32>
    %shift_right_arithmetic3A_89 = arith.constant 3 : i32
    %shift_right_arithmetic3A_90 = vector.broadcast %shift_right_arithmetic3A_89 : i32 to vector<16xi32>
    %shift_right_arithmetic3A_91 = arith.shrsi %add3A_88, %shift_right_arithmetic3A_90 : vector<16xi32>
    %and3A_92 = arith.constant 7 : i32
    %and3A_93 = vector.broadcast %and3A_92 : i32 to vector<16xi32>
    %and3A_94 = arith.andi %add3A_88, %and3A_93 : vector<16xi32>
    tpu.vector_store_idx %arg20[%shift_right_arithmetic3A_91, %and3A_94], %broadcast_in_dim3A_9 : memref<66x8xf32, #tpu.memory_space<vmem>>[vector<16xi32>, vector<16xi32>], vector<16xf32>,
    %add3A_95 = arith.constant 144 : i32
    %add3A_96 = vector.broadcast %add3A_95 : i32 to vector<16xi32>
    %add3A_97 = arith.addi %iota3A, %add3A_96 : vector<16xi32>
    %shift_right_arithmetic3A_98 = arith.constant 3 : i32
    %shift_right_arithmetic3A_99 = vector.broadcast %shift_right_arithmetic3A_98 : i32 to vector<16xi32>
    %shift_right_arithmetic3A_100 = arith.shrsi %add3A_97, %shift_right_arithmetic3A_99 : vector<16xi32>
    %and3A_101 = arith.constant 7 : i32
    %and3A_102 = vector.broadcast %and3A_101 : i32 to vector<16xi32>
    %and3A_103 = arith.andi %add3A_97, %and3A_102 : vector<16xi32>
    tpu.vector_store_idx %arg20[%shift_right_arithmetic3A_100, %and3A_103], %broadcast_in_dim3A_9 : memref<66x8xf32, #tpu.memory_space<vmem>>[vector<16xi32>, vector<16xi32>], vector<16xf32>,
    %add3A_104 = arith.constant 160 : i32
    %add3A_105 = vector.broadcast %add3A_104 : i32 to vector<16xi32>
    %add3A_106 = arith.addi %iota3A, %add3A_105 : vector<16xi32>
    %shift_right_arithmetic3A_107 = arith.constant 3 : i32
    %shift_right_arithmetic3A_108 = vector.broadcast %shift_right_arithmetic3A_107 : i32 to vector<16xi32>
    %shift_right_arithmetic3A_109 = arith.shrsi %add3A_106, %shift_right_arithmetic3A_108 : vector<16xi32>
    %and3A_110 = arith.constant 7 : i32
    %and3A_111 = vector.broadcast %and3A_110 : i32 to vector<16xi32>
    %and3A_112 = arith.andi %add3A_106, %and3A_111 : vector<16xi32>
    tpu.vector_store_idx %arg20[%shift_right_arithmetic3A_109, %and3A_112], %broadcast_in_dim3A_9 : memref<66x8xf32, #tpu.memory_space<vmem>>[vector<16xi32>, vector<16xi32>], vector<16xf32>,
    %add3A_113 = arith.constant 176 : i32
    %add3A_114 = vector.broadcast %add3A_113 : i32 to vector<16xi32>
    %add3A_115 = arith.addi %iota3A, %add3A_114 : vector<16xi32>
    %shift_right_arithmetic3A_116 = arith.constant 3 : i32
    %shift_right_arithmetic3A_117 = vector.broadcast %shift_right_arithmetic3A_116 : i32 to vector<16xi32>
    %shift_right_arithmetic3A_118 = arith.shrsi %add3A_115, %shift_right_arithmetic3A_117 : vector<16xi32>
    %and3A_119 = arith.constant 7 : i32
    %and3A_120 = vector.broadcast %and3A_119 : i32 to vector<16xi32>
    %and3A_121 = arith.andi %add3A_115, %and3A_120 : vector<16xi32>
    tpu.vector_store_idx %arg20[%shift_right_arithmetic3A_118, %and3A_121], %broadcast_in_dim3A_9 : memref<66x8xf32, #tpu.memory_space<vmem>>[vector<16xi32>, vector<16xi32>], vector<16xf32>,
    %add3A_122 = arith.constant 192 : i32
    %add3A_123 = vector.broadcast %add3A_122 : i32 to vector<16xi32>
    %add3A_124 = arith.addi %iota3A, %add3A_123 : vector<16xi32>
    %shift_right_arithmetic3A_125 = arith.constant 3 : i32
    %shift_right_arithmetic3A_126 = vector.broadcast %shift_right_arithmetic3A_125 : i32 to vector<16xi32>
    %shift_right_arithmetic3A_127 = arith.shrsi %add3A_124, %shift_right_arithmetic3A_126 : vector<16xi32>
    %and3A_128 = arith.constant 7 : i32
    %and3A_129 = vector.broadcast %and3A_128 : i32 to vector<16xi32>
    %and3A_130 = arith.andi %add3A_124, %and3A_129 : vector<16xi32>
    tpu.vector_store_idx %arg20[%shift_right_arithmetic3A_127, %and3A_130], %broadcast_in_dim3A_9 : memref<66x8xf32, #tpu.memory_space<vmem>>[vector<16xi32>, vector<16xi32>], vector<16xf32>,
    %add3A_131 = arith.constant 208 : i32
    %add3A_132 = vector.broadcast %add3A_131 : i32 to vector<16xi32>
    %add3A_133 = arith.addi %iota3A, %add3A_132 : vector<16xi32>
    %shift_right_arithmetic3A_134 = arith.constant 3 : i32
    %shift_right_arithmetic3A_135 = vector.broadcast %shift_right_arithmetic3A_134 : i32 to vector<16xi32>
    %shift_right_arithmetic3A_136 = arith.shrsi %add3A_133, %shift_right_arithmetic3A_135 : vector<16xi32>
    %and3A_137 = arith.constant 7 : i32
    %and3A_138 = vector.broadcast %and3A_137 : i32 to vector<16xi32>
    %and3A_139 = arith.andi %add3A_133, %and3A_138 : vector<16xi32>
    tpu.vector_store_idx %arg20[%shift_right_arithmetic3A_136, %and3A_139], %broadcast_in_dim3A_9 : memref<66x8xf32, #tpu.memory_space<vmem>>[vector<16xi32>, vector<16xi32>], vector<16xf32>,
    %add3A_140 = arith.constant 224 : i32
    %add3A_141 = vector.broadcast %add3A_140 : i32 to vector<16xi32>
    %add3A_142 = arith.addi %iota3A, %add3A_141 : vector<16xi32>
    %shift_right_arithmetic3A_143 = arith.constant 3 : i32
    %shift_right_arithmetic3A_144 = vector.broadcast %shift_right_arithmetic3A_143 : i32 to vector<16xi32>
    %shift_right_arithmetic3A_145 = arith.shrsi %add3A_142, %shift_right_arithmetic3A_144 : vector<16xi32>
    %and3A_146 = arith.constant 7 : i32
    %and3A_147 = vector.broadcast %and3A_146 : i32 to vector<16xi32>
    %and3A_148 = arith.andi %add3A_142, %and3A_147 : vector<16xi32>
    tpu.vector_store_idx %arg20[%shift_right_arithmetic3A_145, %and3A_148], %broadcast_in_dim3A_9 : memref<66x8xf32, #tpu.memory_space<vmem>>[vector<16xi32>, vector<16xi32>], vector<16xf32>,
    %add3A_149 = arith.constant 240 : i32
    %add3A_150 = vector.broadcast %add3A_149 : i32 to vector<16xi32>
    %add3A_151 = arith.addi %iota3A, %add3A_150 : vector<16xi32>
    %shift_right_arithmetic3A_152 = arith.constant 3 : i32
    %shift_right_arithmetic3A_153 = vector.broadcast %shift_right_arithmetic3A_152 : i32 to vector<16xi32>
    %shift_right_arithmetic3A_154 = arith.shrsi %add3A_151, %shift_right_arithmetic3A_153 : vector<16xi32>
    %and3A_155 = arith.constant 7 : i32
    %and3A_156 = vector.broadcast %and3A_155 : i32 to vector<16xi32>
    %and3A_157 = arith.andi %add3A_151, %and3A_156 : vector<16xi32>
    tpu.vector_store_idx %arg20[%shift_right_arithmetic3A_154, %and3A_157], %broadcast_in_dim3A_9 : memref<66x8xf32, #tpu.memory_space<vmem>>[vector<16xi32>, vector<16xi32>], vector<16xf32>,
    %add3A_158 = arith.constant 256 : i32
    %add3A_159 = vector.broadcast %add3A_158 : i32 to vector<16xi32>
    %add3A_160 = arith.addi %iota3A, %add3A_159 : vector<16xi32>
    %shift_right_arithmetic3A_161 = arith.constant 3 : i32
    %shift_right_arithmetic3A_162 = vector.broadcast %shift_right_arithmetic3A_161 : i32 to vector<16xi32>
    %shift_right_arithmetic3A_163 = arith.shrsi %add3A_160, %shift_right_arithmetic3A_162 : vector<16xi32>
    %and3A_164 = arith.constant 7 : i32
    %and3A_165 = vector.broadcast %and3A_164 : i32 to vector<16xi32>
    %and3A_166 = arith.andi %add3A_160, %and3A_165 : vector<16xi32>
    tpu.vector_store_idx %arg20[%shift_right_arithmetic3A_163, %and3A_166], %broadcast_in_dim3A_9 : memref<66x8xf32, #tpu.memory_space<vmem>>[vector<16xi32>, vector<16xi32>], vector<16xf32>,
    %add3A_167 = arith.constant 272 : i32
    %add3A_168 = vector.broadcast %add3A_167 : i32 to vector<16xi32>
    %add3A_169 = arith.addi %iota3A, %add3A_168 : vector<16xi32>
    %shift_right_arithmetic3A_170 = arith.constant 3 : i32
    %shift_right_arithmetic3A_171 = vector.broadcast %shift_right_arithmetic3A_170 : i32 to vector<16xi32>
    %shift_right_arithmetic3A_172 = arith.shrsi %add3A_169, %shift_right_arithmetic3A_171 : vector<16xi32>
    %and3A_173 = arith.constant 7 : i32
    %and3A_174 = vector.broadcast %and3A_173 : i32 to vector<16xi32>
    %and3A_175 = arith.andi %add3A_169, %and3A_174 : vector<16xi32>
    tpu.vector_store_idx %arg20[%shift_right_arithmetic3A_172, %and3A_175], %broadcast_in_dim3A_9 : memref<66x8xf32, #tpu.memory_space<vmem>>[vector<16xi32>, vector<16xi32>], vector<16xf32>,
    %add3A_176 = arith.constant 288 : i32
    %add3A_177 = vector.broadcast %add3A_176 : i32 to vector<16xi32>
    %add3A_178 = arith.addi %iota3A, %add3A_177 : vector<16xi32>
    %shift_right_arithmetic3A_179 = arith.constant 3 : i32
    %shift_right_arithmetic3A_180 = vector.broadcast %shift_right_arithmetic3A_179 : i32 to vector<16xi32>
    %shift_right_arithmetic3A_181 = arith.shrsi %add3A_178, %shift_right_arithmetic3A_180 : vector<16xi32>
    %and3A_182 = arith.constant 7 : i32
    %and3A_183 = vector.broadcast %and3A_182 : i32 to vector<16xi32>
    %and3A_184 = arith.andi %add3A_178, %and3A_183 : vector<16xi32>
    tpu.vector_store_idx %arg20[%shift_right_arithmetic3A_181, %and3A_184], %broadcast_in_dim3A_9 : memref<66x8xf32, #tpu.memory_space<vmem>>[vector<16xi32>, vector<16xi32>], vector<16xf32>,
    %add3A_185 = arith.constant 304 : i32
    %add3A_186 = vector.broadcast %add3A_185 : i32 to vector<16xi32>
    %add3A_187 = arith.addi %iota3A, %add3A_186 : vector<16xi32>
    %shift_right_arithmetic3A_188 = arith.constant 3 : i32
    %shift_right_arithmetic3A_189 = vector.broadcast %shift_right_arithmetic3A_188 : i32 to vector<16xi32>
    %shift_right_arithmetic3A_190 = arith.shrsi %add3A_187, %shift_right_arithmetic3A_189 : vector<16xi32>
    %and3A_191 = arith.constant 7 : i32
    %and3A_192 = vector.broadcast %and3A_191 : i32 to vector<16xi32>
    %and3A_193 = arith.andi %add3A_187, %and3A_192 : vector<16xi32>
    tpu.vector_store_idx %arg20[%shift_right_arithmetic3A_190, %and3A_193], %broadcast_in_dim3A_9 : memref<66x8xf32, #tpu.memory_space<vmem>>[vector<16xi32>, vector<16xi32>], vector<16xf32>,
    %add3A_194 = arith.constant 320 : i32
    %add3A_195 = vector.broadcast %add3A_194 : i32 to vector<16xi32>
    %add3A_196 = arith.addi %iota3A, %add3A_195 : vector<16xi32>
    %shift_right_arithmetic3A_197 = arith.constant 3 : i32
    %shift_right_arithmetic3A_198 = vector.broadcast %shift_right_arithmetic3A_197 : i32 to vector<16xi32>
    %shift_right_arithmetic3A_199 = arith.shrsi %add3A_196, %shift_right_arithmetic3A_198 : vector<16xi32>
    %and3A_200 = arith.constant 7 : i32
    %and3A_201 = vector.broadcast %and3A_200 : i32 to vector<16xi32>
    %and3A_202 = arith.andi %add3A_196, %and3A_201 : vector<16xi32>
    tpu.vector_store_idx %arg20[%shift_right_arithmetic3A_199, %and3A_202], %broadcast_in_dim3A_9 : memref<66x8xf32, #tpu.memory_space<vmem>>[vector<16xi32>, vector<16xi32>], vector<16xf32>,
    %add3A_203 = arith.constant 336 : i32
    %add3A_204 = vector.broadcast %add3A_203 : i32 to vector<16xi32>
    %add3A_205 = arith.addi %iota3A, %add3A_204 : vector<16xi32>
    %shift_right_arithmetic3A_206 = arith.constant 3 : i32
    %shift_right_arithmetic3A_207 = vector.broadcast %shift_right_arithmetic3A_206 : i32 to vector<16xi32>
    %shift_right_arithmetic3A_208 = arith.shrsi %add3A_205, %shift_right_arithmetic3A_207 : vector<16xi32>
    %and3A_209 = arith.constant 7 : i32
    %and3A_210 = vector.broadcast %and3A_209 : i32 to vector<16xi32>
    %and3A_211 = arith.andi %add3A_205, %and3A_210 : vector<16xi32>
    tpu.vector_store_idx %arg20[%shift_right_arithmetic3A_208, %and3A_211], %broadcast_in_dim3A_9 : memref<66x8xf32, #tpu.memory_space<vmem>>[vector<16xi32>, vector<16xi32>], vector<16xf32>,
    %add3A_212 = arith.constant 352 : i32
    %add3A_213 = vector.broadcast %add3A_212 : i32 to vector<16xi32>
    %add3A_214 = arith.addi %iota3A, %add3A_213 : vector<16xi32>
    %shift_right_arithmetic3A_215 = arith.constant 3 : i32
    %shift_right_arithmetic3A_216 = vector.broadcast %shift_right_arithmetic3A_215 : i32 to vector<16xi32>
    %shift_right_arithmetic3A_217 = arith.shrsi %add3A_214, %shift_right_arithmetic3A_216 : vector<16xi32>
    %and3A_218 = arith.constant 7 : i32
    %and3A_219 = vector.broadcast %and3A_218 : i32 to vector<16xi32>
    %and3A_220 = arith.andi %add3A_214, %and3A_219 : vector<16xi32>
    tpu.vector_store_idx %arg20[%shift_right_arithmetic3A_217, %and3A_220], %broadcast_in_dim3A_9 : memref<66x8xf32, #tpu.memory_space<vmem>>[vector<16xi32>, vector<16xi32>], vector<16xf32>,
    %add3A_221 = arith.constant 368 : i32
    %add3A_222 = vector.broadcast %add3A_221 : i32 to vector<16xi32>
    %add3A_223 = arith.addi %iota3A, %add3A_222 : vector<16xi32>
    %shift_right_arithmetic3A_224 = arith.constant 3 : i32
    %shift_right_arithmetic3A_225 = vector.broadcast %shift_right_arithmetic3A_224 : i32 to vector<16xi32>
    %shift_right_arithmetic3A_226 = arith.shrsi %add3A_223, %shift_right_arithmetic3A_225 : vector<16xi32>
    %and3A_227 = arith.constant 7 : i32
    %and3A_228 = vector.broadcast %and3A_227 : i32 to vector<16xi32>
    %and3A_229 = arith.andi %add3A_223, %and3A_228 : vector<16xi32>
    tpu.vector_store_idx %arg20[%shift_right_arithmetic3A_226, %and3A_229], %broadcast_in_dim3A_9 : memref<66x8xf32, #tpu.memory_space<vmem>>[vector<16xi32>, vector<16xi32>], vector<16xf32>,
    %add3A_230 = arith.constant 384 : i32
    %add3A_231 = vector.broadcast %add3A_230 : i32 to vector<16xi32>
    %add3A_232 = arith.addi %iota3A, %add3A_231 : vector<16xi32>
    %shift_right_arithmetic3A_233 = arith.constant 3 : i32
    %shift_right_arithmetic3A_234 = vector.broadcast %shift_right_arithmetic3A_233 : i32 to vector<16xi32>
    %shift_right_arithmetic3A_235 = arith.shrsi %add3A_232, %shift_right_arithmetic3A_234 : vector<16xi32>
    %and3A_236 = arith.constant 7 : i32
    %and3A_237 = vector.broadcast %and3A_236 : i32 to vector<16xi32>
    %and3A_238 = arith.andi %add3A_232, %and3A_237 : vector<16xi32>
    tpu.vector_store_idx %arg20[%shift_right_arithmetic3A_235, %and3A_238], %broadcast_in_dim3A_9 : memref<66x8xf32, #tpu.memory_space<vmem>>[vector<16xi32>, vector<16xi32>], vector<16xf32>,
    %add3A_239 = arith.constant 400 : i32
    %add3A_240 = vector.broadcast %add3A_239 : i32 to vector<16xi32>
    %add3A_241 = arith.addi %iota3A, %add3A_240 : vector<16xi32>
    %shift_right_arithmetic3A_242 = arith.constant 3 : i32
    %shift_right_arithmetic3A_243 = vector.broadcast %shift_right_arithmetic3A_242 : i32 to vector<16xi32>
    %shift_right_arithmetic3A_244 = arith.shrsi %add3A_241, %shift_right_arithmetic3A_243 : vector<16xi32>
    %and3A_245 = arith.constant 7 : i32
    %and3A_246 = vector.broadcast %and3A_245 : i32 to vector<16xi32>
    %and3A_247 = arith.andi %add3A_241, %and3A_246 : vector<16xi32>
    tpu.vector_store_idx %arg20[%shift_right_arithmetic3A_244, %and3A_247], %broadcast_in_dim3A_9 : memref<66x8xf32, #tpu.memory_space<vmem>>[vector<16xi32>, vector<16xi32>], vector<16xf32>,
    %add3A_248 = arith.constant 416 : i32
    %add3A_249 = vector.broadcast %add3A_248 : i32 to vector<16xi32>
    %add3A_250 = arith.addi %iota3A, %add3A_249 : vector<16xi32>
    %shift_right_arithmetic3A_251 = arith.constant 3 : i32
    %shift_right_arithmetic3A_252 = vector.broadcast %shift_right_arithmetic3A_251 : i32 to vector<16xi32>
    %shift_right_arithmetic3A_253 = arith.shrsi %add3A_250, %shift_right_arithmetic3A_252 : vector<16xi32>
    %and3A_254 = arith.constant 7 : i32
    %and3A_255 = vector.broadcast %and3A_254 : i32 to vector<16xi32>
    %and3A_256 = arith.andi %add3A_250, %and3A_255 : vector<16xi32>
    tpu.vector_store_idx %arg20[%shift_right_arithmetic3A_253, %and3A_256], %broadcast_in_dim3A_9 : memref<66x8xf32, #tpu.memory_space<vmem>>[vector<16xi32>, vector<16xi32>], vector<16xf32>,
    %add3A_257 = arith.constant 432 : i32
    %add3A_258 = vector.broadcast %add3A_257 : i32 to vector<16xi32>
    %add3A_259 = arith.addi %iota3A, %add3A_258 : vector<16xi32>
    %shift_right_arithmetic3A_260 = arith.constant 3 : i32
    %shift_right_arithmetic3A_261 = vector.broadcast %shift_right_arithmetic3A_260 : i32 to vector<16xi32>
    %shift_right_arithmetic3A_262 = arith.shrsi %add3A_259, %shift_right_arithmetic3A_261 : vector<16xi32>
    %and3A_263 = arith.constant 7 : i32
    %and3A_264 = vector.broadcast %and3A_263 : i32 to vector<16xi32>
    %and3A_265 = arith.andi %add3A_259, %and3A_264 : vector<16xi32>
    tpu.vector_store_idx %arg20[%shift_right_arithmetic3A_262, %and3A_265], %broadcast_in_dim3A_9 : memref<66x8xf32, #tpu.memory_space<vmem>>[vector<16xi32>, vector<16xi32>], vector<16xf32>,
    %add3A_266 = arith.constant 448 : i32
    %add3A_267 = vector.broadcast %add3A_266 : i32 to vector<16xi32>
    %add3A_268 = arith.addi %iota3A, %add3A_267 : vector<16xi32>
    %shift_right_arithmetic3A_269 = arith.constant 3 : i32
    %shift_right_arithmetic3A_270 = vector.broadcast %shift_right_arithmetic3A_269 : i32 to vector<16xi32>
    %shift_right_arithmetic3A_271 = arith.shrsi %add3A_268, %shift_right_arithmetic3A_270 : vector<16xi32>
    %and3A_272 = arith.constant 7 : i32
    %and3A_273 = vector.broadcast %and3A_272 : i32 to vector<16xi32>
    %and3A_274 = arith.andi %add3A_268, %and3A_273 : vector<16xi32>
    tpu.vector_store_idx %arg20[%shift_right_arithmetic3A_271, %and3A_274], %broadcast_in_dim3A_9 : memref<66x8xf32, #tpu.memory_space<vmem>>[vector<16xi32>, vector<16xi32>], vector<16xf32>,
    %add3A_275 = arith.constant 464 : i32
    %add3A_276 = vector.broadcast %add3A_275 : i32 to vector<16xi32>
    %add3A_277 = arith.addi %iota3A, %add3A_276 : vector<16xi32>
    %shift_right_arithmetic3A_278 = arith.constant 3 : i32
    %shift_right_arithmetic3A_279 = vector.broadcast %shift_right_arithmetic3A_278 : i32 to vector<16xi32>
    %shift_right_arithmetic3A_280 = arith.shrsi %add3A_277, %shift_right_arithmetic3A_279 : vector<16xi32>
    %and3A_281 = arith.constant 7 : i32
    %and3A_282 = vector.broadcast %and3A_281 : i32 to vector<16xi32>
    %and3A_283 = arith.andi %add3A_277, %and3A_282 : vector<16xi32>
    tpu.vector_store_idx %arg20[%shift_right_arithmetic3A_280, %and3A_283], %broadcast_in_dim3A_9 : memref<66x8xf32, #tpu.memory_space<vmem>>[vector<16xi32>, vector<16xi32>], vector<16xf32>,
    %add3A_284 = arith.constant 480 : i32
    %add3A_285 = vector.broadcast %add3A_284 : i32 to vector<16xi32>
    %add3A_286 = arith.addi %iota3A, %add3A_285 : vector<16xi32>
    %shift_right_arithmetic3A_287 = arith.constant 3 : i32
    %shift_right_arithmetic3A_288 = vector.broadcast %shift_right_arithmetic3A_287 : i32 to vector<16xi32>
    %shift_right_arithmetic3A_289 = arith.shrsi %add3A_286, %shift_right_arithmetic3A_288 : vector<16xi32>
    %and3A_290 = arith.constant 7 : i32
    %and3A_291 = vector.broadcast %and3A_290 : i32 to vector<16xi32>
    %and3A_292 = arith.andi %add3A_286, %and3A_291 : vector<16xi32>
    tpu.vector_store_idx %arg20[%shift_right_arithmetic3A_289, %and3A_292], %broadcast_in_dim3A_9 : memref<66x8xf32, #tpu.memory_space<vmem>>[vector<16xi32>, vector<16xi32>], vector<16xf32>,
    %add3A_293 = arith.constant 496 : i32
    %add3A_294 = vector.broadcast %add3A_293 : i32 to vector<16xi32>
    %add3A_295 = arith.addi %iota3A, %add3A_294 : vector<16xi32>
    %shift_right_arithmetic3A_296 = arith.constant 3 : i32
    %shift_right_arithmetic3A_297 = vector.broadcast %shift_right_arithmetic3A_296 : i32 to vector<16xi32>
    %shift_right_arithmetic3A_298 = arith.shrsi %add3A_295, %shift_right_arithmetic3A_297 : vector<16xi32>
    %and3A_299 = arith.constant 7 : i32
    %and3A_300 = vector.broadcast %and3A_299 : i32 to vector<16xi32>
    %and3A_301 = arith.andi %add3A_295, %and3A_300 : vector<16xi32>
    tpu.vector_store_idx %arg20[%shift_right_arithmetic3A_298, %and3A_301], %broadcast_in_dim3A_9 : memref<66x8xf32, #tpu.memory_space<vmem>>[vector<16xi32>, vector<16xi32>], vector<16xf32>,
    %add3A_302 = arith.constant 512 : i32
    %add3A_303 = vector.broadcast %add3A_302 : i32 to vector<16xi32>
    %add3A_304 = arith.addi %iota3A, %add3A_303 : vector<16xi32>
    %shift_right_arithmetic3A_305 = arith.constant 3 : i32
    %shift_right_arithmetic3A_306 = vector.broadcast %shift_right_arithmetic3A_305 : i32 to vector<16xi32>
    %shift_right_arithmetic3A_307 = arith.shrsi %add3A_304, %shift_right_arithmetic3A_306 : vector<16xi32>
    %and3A_308 = arith.constant 7 : i32
    %and3A_309 = vector.broadcast %and3A_308 : i32 to vector<16xi32>
    %and3A_310 = arith.andi %add3A_304, %and3A_309 : vector<16xi32>
    tpu.vector_store_idx %arg20[%shift_right_arithmetic3A_307, %and3A_310], %broadcast_in_dim3A_9 : memref<66x8xf32, #tpu.memory_space<vmem>>[vector<16xi32>, vector<16xi32>], vector<16xf32>,
    "tpu.region"() ({
      %run_scoped3A = tpu.sem_alloc : memref<!tpu.dma_semaphore, #tpu.memory_space<semaphore_mem>>
      %dma_start3A_412 = arith.constant 0 : i32
      %dma_start3A_413 = tpu.memref_slice %arg5[%dma_start3A_412] : memref<65xi32, #tpu.memory_space<hbm>> -> memref<64xi32, #tpu.memory_space<hbm>>
      %dma_start3A_414 = arith.constant 0 : i32
      %dma_start3A_415 = tpu.memref_slice %arg5[%dma_start3A_414] : memref<65xi32, #tpu.memory_space<hbm>> -> memref<64xi32, #tpu.memory_space<hbm>>
      tpu.enqueue_dma source(%dma_start3A_415 : memref<64xi32, #tpu.memory_space<hbm>>) target(%arg21 : memref<64xi32, #tpu.memory_space<vmem>>) target_semaphore(%run_scoped3A : memref<!tpu.dma_semaphore, #tpu.memory_space<semaphore_mem>>)
      %dma_wait3A = arith.constant 0 : i32
      %dma_wait3A_416 = tpu.memref_slice %arg5[%dma_wait3A] : memref<65xi32, #tpu.memory_space<hbm>> -> memref<64xi32, #tpu.memory_space<hbm>>
      %dma_wait3A_417 = arith.constant 0 : i32
      %dma_wait3A_418 = tpu.memref_slice %arg5[%dma_wait3A_417] : memref<65xi32, #tpu.memory_space<hbm>> -> memref<64xi32, #tpu.memory_space<hbm>>
      tpu.wait_dma2 semaphore(%run_scoped3A : memref<!tpu.dma_semaphore, #tpu.memory_space<semaphore_mem>>) src(%dma_wait3A_418 : memref<64xi32, #tpu.memory_space<hbm>>) dst(%arg21 : memref<64xi32, #tpu.memory_space<vmem>>)
      tpu.yield
    }) : () -> ()
    "tpu.region"() ({
      %run_scoped3A = tpu.sem_alloc : memref<!tpu.dma_semaphore, #tpu.memory_space<semaphore_mem>>
      tpu.enqueue_dma source(%arg6 : memref<64xi32, #tpu.memory_space<hbm>>) target(%arg22 : memref<64xi32, #tpu.memory_space<vmem>>) target_semaphore(%run_scoped3A : memref<!tpu.dma_semaphore, #tpu.memory_space<semaphore_mem>>)
      tpu.wait_dma2 semaphore(%run_scoped3A : memref<!tpu.dma_semaphore, #tpu.memory_space<semaphore_mem>>) src(%arg6 : memref<64xi32, #tpu.memory_space<hbm>>) dst(%arg22 : memref<64xi32, #tpu.memory_space<vmem>>)
      tpu.yield
    }) : () -> ()
    %get3A = arith.constant 0 : index
    %get3A_311 = tpu.vector_load %arg21[%get3A] {strides = array<i32>} : memref<64xi32, #tpu.memory_space<vmem>>, vector<16xi32>,
    %get3A_312 = arith.constant 0 : index
    %get3A_313 = tpu.vector_load %arg22[%get3A_312] {strides = array<i32>} : memref<64xi32, #tpu.memory_space<vmem>>, vector<16xi32>,
    %add3A_314 = arith.addi %get3A_311, %get3A_313 : vector<16xi32>
    %swap3A = arith.constant 0 : index
    %swap3A_315 = tpu.vector_load %arg21[%swap3A] {strides = array<i32>} : memref<64xi32, #tpu.memory_space<vmem>>, vector<16xi32>,
    tpu.vector_store %arg21[%swap3A], %add3A_314 {strides = array<i32>} : memref<64xi32, #tpu.memory_space<vmem>>, vector<16xi32>,
    %add3A_316 = arith.constant 0 : i32
    %add3A_317 = vector.broadcast %add3A_316 : i32 to vector<16xi32>
    %add3A_318 = arith.addi %iota3A, %add3A_317 : vector<16xi32>
    tpu.vector_store_idx %arg10[%add3A_314], %add3A_318 : memref<100000xi32, #tpu.memory_space<vmem>>[vector<16xi32>], vector<16xi32>,
    %get3A_319 = arith.constant 16 : index
    %get3A_320 = tpu.vector_load %arg21[%get3A_319] {strides = array<i32>} : memref<64xi32, #tpu.memory_space<vmem>>, vector<16xi32>,
    %get3A_321 = arith.constant 16 : index
    %get3A_322 = tpu.vector_load %arg22[%get3A_321] {strides = array<i32>} : memref<64xi32, #tpu.memory_space<vmem>>, vector<16xi32>,
    %add3A_323 = arith.addi %get3A_320, %get3A_322 : vector<16xi32>
    %swap3A_324 = arith.constant 16 : index
    %swap3A_325 = tpu.vector_load %arg21[%swap3A_324] {strides = array<i32>} : memref<64xi32, #tpu.memory_space<vmem>>, vector<16xi32>,
    tpu.vector_store %arg21[%swap3A_324], %add3A_323 {strides = array<i32>} : memref<64xi32, #tpu.memory_space<vmem>>, vector<16xi32>,
    %add3A_326 = arith.constant 16 : i32
    %add3A_327 = vector.broadcast %add3A_326 : i32 to vector<16xi32>
    %add3A_328 = arith.addi %iota3A, %add3A_327 : vector<16xi32>
    tpu.vector_store_idx %arg10[%add3A_323], %add3A_328 : memref<100000xi32, #tpu.memory_space<vmem>>[vector<16xi32>], vector<16xi32>,
    %get3A_329 = arith.constant 32 : index
    %get3A_330 = tpu.vector_load %arg21[%get3A_329] {strides = array<i32>} : memref<64xi32, #tpu.memory_space<vmem>>, vector<16xi32>,
    %get3A_331 = arith.constant 32 : index
    %get3A_332 = tpu.vector_load %arg22[%get3A_331] {strides = array<i32>} : memref<64xi32, #tpu.memory_space<vmem>>, vector<16xi32>,
    %add3A_333 = arith.addi %get3A_330, %get3A_332 : vector<16xi32>
    %swap3A_334 = arith.constant 32 : index
    %swap3A_335 = tpu.vector_load %arg21[%swap3A_334] {strides = array<i32>} : memref<64xi32, #tpu.memory_space<vmem>>, vector<16xi32>,
    tpu.vector_store %arg21[%swap3A_334], %add3A_333 {strides = array<i32>} : memref<64xi32, #tpu.memory_space<vmem>>, vector<16xi32>,
    %add3A_336 = arith.constant 32 : i32
    %add3A_337 = vector.broadcast %add3A_336 : i32 to vector<16xi32>
    %add3A_338 = arith.addi %iota3A, %add3A_337 : vector<16xi32>
    tpu.vector_store_idx %arg10[%add3A_333], %add3A_338 : memref<100000xi32, #tpu.memory_space<vmem>>[vector<16xi32>], vector<16xi32>,
    %get3A_339 = arith.constant 48 : index
    %get3A_340 = tpu.vector_load %arg21[%get3A_339] {strides = array<i32>} : memref<64xi32, #tpu.memory_space<vmem>>, vector<16xi32>,
    %get3A_341 = arith.constant 48 : index
    %get3A_342 = tpu.vector_load %arg22[%get3A_341] {strides = array<i32>} : memref<64xi32, #tpu.memory_space<vmem>>, vector<16xi32>,
    %add3A_343 = arith.addi %get3A_340, %get3A_342 : vector<16xi32>
    %swap3A_344 = arith.constant 48 : index
    %swap3A_345 = tpu.vector_load %arg21[%swap3A_344] {strides = array<i32>} : memref<64xi32, #tpu.memory_space<vmem>>, vector<16xi32>,
    tpu.vector_store %arg21[%swap3A_344], %add3A_343 {strides = array<i32>} : memref<64xi32, #tpu.memory_space<vmem>>, vector<16xi32>,
    %add3A_346 = arith.constant 48 : i32
    %add3A_347 = vector.broadcast %add3A_346 : i32 to vector<16xi32>
    %add3A_348 = arith.addi %iota3A, %add3A_347 : vector<16xi32>
    tpu.vector_store_idx %arg10[%add3A_343], %add3A_348 : memref<100000xi32, #tpu.memory_space<vmem>>[vector<16xi32>], vector<16xi32>,
    %swap3A_349 = arith.constant 0 : i32
    %swap3A_350 = arith.constant 0 : i32
    %swap3A_351 = arith.index_cast %swap3A_350 : i32 to index
    %swap3A_352 = memref.load %arg29[%swap3A_351] : memref<1xi32, #tpu.memory_space<smem>>
    memref.store %swap3A_349, %arg29[%swap3A_351] : memref<1xi32, #tpu.memory_space<smem>>
    %mul3A_353 = arith.constant 100000 : i32
    %mul3A_354 = arith.muli %add3A, %mul3A_353 : i32
    %add3A_355 = arith.constant 0 : i32
    %add3A_356 = arith.addi %mul3A_354, %add3A_355 : i32
    %dma_start3A = arith.constant 1 : i32
    %dma_start3A_357 = tpu.memref_slice %arg2[%dma_start3A, %add3A_356] : memref<2x3200000xi32, #tpu.memory_space<hbm>> -> memref<1x2000xi32, #tpu.memory_space<hbm>>
    %dma_start3A_358 = tpu.memref_squeeze %dma_start3A_357 : memref<1x2000xi32, #tpu.memory_space<hbm>> -> memref<2000xi32, #tpu.memory_space<hbm>>
    %dma_start3A_359 = tpu.memref_slice %arg2[%dma_start3A, %add3A_356] : memref<2x3200000xi32, #tpu.memory_space<hbm>> -> memref<1x2000xi32, #tpu.memory_space<hbm>>
    %dma_start3A_360 = tpu.memref_squeeze %dma_start3A_359 : memref<1x2000xi32, #tpu.memory_space<hbm>> -> memref<2000xi32, #tpu.memory_space<hbm>>
    tpu.enqueue_dma source(%dma_start3A_360 : memref<2000xi32, #tpu.memory_space<hbm>>) target(%arg11 : memref<2000xi32, #tpu.memory_space<vmem>>) target_semaphore(%arg30 : memref<!tpu.dma_semaphore, #tpu.memory_space<semaphore_mem>>)
    %dma_start3A_361 = arith.constant 0 : i32
    %dma_start3A_362 = tpu.memref_slice %arg2[%dma_start3A_361, %add3A_356] : memref<2x3200000xi32, #tpu.memory_space<hbm>> -> memref<1x2000xi32, #tpu.memory_space<hbm>>
    %dma_start3A_363 = tpu.memref_squeeze %dma_start3A_362 : memref<1x2000xi32, #tpu.memory_space<hbm>> -> memref<2000xi32, #tpu.memory_space<hbm>>
    %dma_start3A_364 = tpu.memref_slice %arg2[%dma_start3A_361, %add3A_356] : memref<2x3200000xi32, #tpu.memory_space<hbm>> -> memref<1x2000xi32, #tpu.memory_space<hbm>>
    %dma_start3A_365 = tpu.memref_squeeze %dma_start3A_364 : memref<1x2000xi32, #tpu.memory_space<hbm>> -> memref<2000xi32, #tpu.memory_space<hbm>>
    tpu.enqueue_dma source(%dma_start3A_365 : memref<2000xi32, #tpu.memory_space<hbm>>) target(%arg12 : memref<2000xi32, #tpu.memory_space<vmem>>) target_semaphore(%arg30 : memref<!tpu.dma_semaphore, #tpu.memory_space<semaphore_mem>>)
    %dma_start3A_366 = tpu.memref_slice %arg3[%add3A_356] : memref<3200000xf32, #tpu.memory_space<hbm>> -> memref<2000xf32, #tpu.memory_space<hbm>>
    %dma_start3A_367 = tpu.memref_slice %arg3[%add3A_356] : memref<3200000xf32, #tpu.memory_space<hbm>> -> memref<2000xf32, #tpu.memory_space<hbm>>
    tpu.enqueue_dma source(%dma_start3A_367 : memref<2000xf32, #tpu.memory_space<hbm>>) target(%arg13 : memref<2000xf32, #tpu.memory_space<vmem>>) target_semaphore(%arg30 : memref<!tpu.dma_semaphore, #tpu.memory_space<semaphore_mem>>)
    %scan3A = arith.constant 0 : i32
    %scan3A_368 = arith.constant 25 : i32
    %scan3A_369 = arith.addi %scan3A, %scan3A_368 : i32
    %scan3A_370 = arith.constant 1 : i32
    scf.for %scan3A_412 = %scan3A to %scan3A_369 step %scan3A_370  : i32 {
      %mul3A_413 = arith.constant 2 : i32
      %mul3A_414 = arith.muli %mul3A_413, %scan3A_412 : i32
      %add3A_415 = arith.constant 1 : i32
      %add3A_416 = arith.addi %mul3A_414, %add3A_415 : i32
      %mul3A_417 = arith.constant 2000 : i32
      %mul3A_418 = arith.muli %add3A_416, %mul3A_417 : i32
      %add3A_419 = arith.addi %mul3A_354, %mul3A_418 : i32
      %dma_start3A_420 = arith.constant 1 : i32
      %dma_start3A_421 = tpu.memref_slice %arg2[%dma_start3A_420, %add3A_419] : memref<2x3200000xi32, #tpu.memory_space<hbm>> -> memref<1x2000xi32, #tpu.memory_space<hbm>>
      %dma_start3A_422 = tpu.memref_squeeze %dma_start3A_421 : memref<1x2000xi32, #tpu.memory_space<hbm>> -> memref<2000xi32, #tpu.memory_space<hbm>>
      %dma_start3A_423 = tpu.memref_slice %arg2[%dma_start3A_420, %add3A_419] : memref<2x3200000xi32, #tpu.memory_space<hbm>> -> memref<1x2000xi32, #tpu.memory_space<hbm>>
      %dma_start3A_424 = tpu.memref_squeeze %dma_start3A_423 : memref<1x2000xi32, #tpu.memory_space<hbm>> -> memref<2000xi32, #tpu.memory_space<hbm>>
      tpu.enqueue_dma source(%dma_start3A_424 : memref<2000xi32, #tpu.memory_space<hbm>>) target(%arg14 : memref<2000xi32, #tpu.memory_space<vmem>>) target_semaphore(%arg31 : memref<!tpu.dma_semaphore, #tpu.memory_space<semaphore_mem>>)
      %dma_start3A_425 = arith.constant 0 : i32
      %dma_start3A_426 = tpu.memref_slice %arg2[%dma_start3A_425, %add3A_419] : memref<2x3200000xi32, #tpu.memory_space<hbm>> -> memref<1x2000xi32, #tpu.memory_space<hbm>>
      %dma_start3A_427 = tpu.memref_squeeze %dma_start3A_426 : memref<1x2000xi32, #tpu.memory_space<hbm>> -> memref<2000xi32, #tpu.memory_space<hbm>>
      %dma_start3A_428 = tpu.memref_slice %arg2[%dma_start3A_425, %add3A_419] : memref<2x3200000xi32, #tpu.memory_space<hbm>> -> memref<1x2000xi32, #tpu.memory_space<hbm>>
      %dma_start3A_429 = tpu.memref_squeeze %dma_start3A_428 : memref<1x2000xi32, #tpu.memory_space<hbm>> -> memref<2000xi32, #tpu.memory_space<hbm>>
      tpu.enqueue_dma source(%dma_start3A_429 : memref<2000xi32, #tpu.memory_space<hbm>>) target(%arg15 : memref<2000xi32, #tpu.memory_space<vmem>>) target_semaphore(%arg31 : memref<!tpu.dma_semaphore, #tpu.memory_space<semaphore_mem>>)
      %dma_start3A_430 = tpu.memref_slice %arg3[%add3A_419] : memref<3200000xf32, #tpu.memory_space<hbm>> -> memref<2000xf32, #tpu.memory_space<hbm>>
      %dma_start3A_431 = tpu.memref_slice %arg3[%add3A_419] : memref<3200000xf32, #tpu.memory_space<hbm>> -> memref<2000xf32, #tpu.memory_space<hbm>>
      tpu.enqueue_dma source(%dma_start3A_431 : memref<2000xf32, #tpu.memory_space<hbm>>) target(%arg16 : memref<2000xf32, #tpu.memory_space<vmem>>) target_semaphore(%arg31 : memref<!tpu.dma_semaphore, #tpu.memory_space<semaphore_mem>>)
      %mul3A_432 = arith.constant 2000 : i32
      %mul3A_433 = arith.muli %mul3A_414, %mul3A_432 : i32
      %add3A_434 = arith.addi %mul3A_354, %mul3A_433 : i32
      %dma_wait3A = arith.constant 1 : i32
      %dma_wait3A_435 = tpu.memref_slice %arg2[%dma_wait3A, %add3A_434] : memref<2x3200000xi32, #tpu.memory_space<hbm>> -> memref<1x2000xi32, #tpu.memory_space<hbm>>
      %dma_wait3A_436 = tpu.memref_squeeze %dma_wait3A_435 : memref<1x2000xi32, #tpu.memory_space<hbm>> -> memref<2000xi32, #tpu.memory_space<hbm>>
      %dma_wait3A_437 = tpu.memref_slice %arg2[%dma_wait3A, %add3A_434] : memref<2x3200000xi32, #tpu.memory_space<hbm>> -> memref<1x2000xi32, #tpu.memory_space<hbm>>
      %dma_wait3A_438 = tpu.memref_squeeze %dma_wait3A_437 : memref<1x2000xi32, #tpu.memory_space<hbm>> -> memref<2000xi32, #tpu.memory_space<hbm>>
      tpu.wait_dma2 semaphore(%arg30 : memref<!tpu.dma_semaphore, #tpu.memory_space<semaphore_mem>>) src(%dma_wait3A_438 : memref<2000xi32, #tpu.memory_space<hbm>>) dst(%arg11 : memref<2000xi32, #tpu.memory_space<vmem>>)
      %dma_wait3A_439 = arith.constant 0 : i32
      %dma_wait3A_440 = tpu.memref_slice %arg2[%dma_wait3A_439, %add3A_434] : memref<2x3200000xi32, #tpu.memory_space<hbm>> -> memref<1x2000xi32, #tpu.memory_space<hbm>>
      %dma_wait3A_441 = tpu.memref_squeeze %dma_wait3A_440 : memref<1x2000xi32, #tpu.memory_space<hbm>> -> memref<2000xi32, #tpu.memory_space<hbm>>
      %dma_wait3A_442 = tpu.memref_slice %arg2[%dma_wait3A_439, %add3A_434] : memref<2x3200000xi32, #tpu.memory_space<hbm>> -> memref<1x2000xi32, #tpu.memory_space<hbm>>
      %dma_wait3A_443 = tpu.memref_squeeze %dma_wait3A_442 : memref<1x2000xi32, #tpu.memory_space<hbm>> -> memref<2000xi32, #tpu.memory_space<hbm>>
      tpu.wait_dma2 semaphore(%arg30 : memref<!tpu.dma_semaphore, #tpu.memory_space<semaphore_mem>>) src(%dma_wait3A_443 : memref<2000xi32, #tpu.memory_space<hbm>>) dst(%arg12 : memref<2000xi32, #tpu.memory_space<vmem>>)
      %dma_wait3A_444 = tpu.memref_slice %arg3[%add3A_434] : memref<3200000xf32, #tpu.memory_space<hbm>> -> memref<2000xf32, #tpu.memory_space<hbm>>
      %dma_wait3A_445 = tpu.memref_slice %arg3[%add3A_434] : memref<3200000xf32, #tpu.memory_space<hbm>> -> memref<2000xf32, #tpu.memory_space<hbm>>
      tpu.wait_dma2 semaphore(%arg30 : memref<!tpu.dma_semaphore, #tpu.memory_space<semaphore_mem>>) src(%dma_wait3A_445 : memref<2000xf32, #tpu.memory_space<hbm>>) dst(%arg13 : memref<2000xf32, #tpu.memory_space<vmem>>)
      %scan3A_446 = arith.constant 0 : i32
      %scan3A_447 = arith.constant 25 : i32
      %scan3A_448 = arith.addi %scan3A_446, %scan3A_447 : i32
      %scan3A_449 = arith.constant 1 : i32
      scf.for %scan3A_543 = %scan3A_446 to %scan3A_448 step %scan3A_449  : i32 {
        %mul3A_544 = arith.constant 5 : i32
        %mul3A_545 = arith.muli %scan3A_543, %mul3A_544 : i32
        %add3A_546 = arith.constant 0 : i32
        %add3A_547 = arith.addi %mul3A_545, %add3A_546 : i32
        %mul3A_548 = arith.constant 16 : i32
        %mul3A_549 = arith.muli %add3A_547, %mul3A_548 : i32
        %get3A_550 = arith.index_cast %mul3A_549 : i32 to index
        %get3A_551 = tpu.vector_load %arg11[%get3A_550] {strides = array<i32>} : memref<2000xi32, #tpu.memory_space<vmem>>, vector<16xi32>,
        %gather3A = tpu.vector_load_idx %arg10[%get3A_551] : memref<100000xi32, #tpu.memory_space<vmem>>[vector<16xi32>], vector<16xi32>,
        %and3A_552 = arith.constant 63 : i32
        %and3A_553 = vector.broadcast %and3A_552 : i32 to vector<16xi32>
        %and3A_554 = arith.andi %gather3A, %and3A_553 : vector<16xi32>
        %gather3A_555 = tpu.vector_load_idx %arg21[%and3A_554] : memref<64xi32, #tpu.memory_space<vmem>>[vector<16xi32>], vector<16xi32>,
        %eq3A_556 = arith.cmpi eq, %gather3A_555, %get3A_551 : vector<16xi32>
        %add3A_557 = arith.constant 1 : i32
        %add3A_558 = arith.addi %mul3A_545, %add3A_557 : i32
        %mul3A_559 = arith.constant 16 : i32
        %mul3A_560 = arith.muli %add3A_558, %mul3A_559 : i32
        %get3A_561 = arith.index_cast %mul3A_560 : i32 to index
        %get3A_562 = tpu.vector_load %arg11[%get3A_561] {strides = array<i32>} : memref<2000xi32, #tpu.memory_space<vmem>>, vector<16xi32>,
        %gather3A_563 = tpu.vector_load_idx %arg10[%get3A_562] : memref<100000xi32, #tpu.memory_space<vmem>>[vector<16xi32>], vector<16xi32>,
        %and3A_564 = arith.constant 63 : i32
        %and3A_565 = vector.broadcast %and3A_564 : i32 to vector<16xi32>
        %and3A_566 = arith.andi %gather3A_563, %and3A_565 : vector<16xi32>
        %gather3A_567 = tpu.vector_load_idx %arg21[%and3A_566] : memref<64xi32, #tpu.memory_space<vmem>>[vector<16xi32>], vector<16xi32>,
        %eq3A_568 = arith.cmpi eq, %gather3A_567, %get3A_562 : vector<16xi32>
        %add3A_569 = arith.constant 2 : i32
        %add3A_570 = arith.addi %mul3A_545, %add3A_569 : i32
        %mul3A_571 = arith.constant 16 : i32
        %mul3A_572 = arith.muli %add3A_570, %mul3A_571 : i32
        %get3A_573 = arith.index_cast %mul3A_572 : i32 to index
        %get3A_574 = tpu.vector_load %arg11[%get3A_573] {strides = array<i32>} : memref<2000xi32, #tpu.memory_space<vmem>>, vector<16xi32>,
        %gather3A_575 = tpu.vector_load_idx %arg10[%get3A_574] : memref<100000xi32, #tpu.memory_space<vmem>>[vector<16xi32>], vector<16xi32>,
        %and3A_576 = arith.constant 63 : i32
        %and3A_577 = vector.broadcast %and3A_576 : i32 to vector<16xi32>
        %and3A_578 = arith.andi %gather3A_575, %and3A_577 : vector<16xi32>
        %gather3A_579 = tpu.vector_load_idx %arg21[%and3A_578] : memref<64xi32, #tpu.memory_space<vmem>>[vector<16xi32>], vector<16xi32>,
        %eq3A_580 = arith.cmpi eq, %gather3A_579, %get3A_574 : vector<16xi32>
        %add3A_581 = arith.constant 3 : i32
        %add3A_582 = arith.addi %mul3A_545, %add3A_581 : i32
        %mul3A_583 = arith.constant 16 : i32
        %mul3A_584 = arith.muli %add3A_582, %mul3A_583 : i32
        %get3A_585 = arith.index_cast %mul3A_584 : i32 to index
        %get3A_586 = tpu.vector_load %arg11[%get3A_585] {strides = array<i32>} : memref<2000xi32, #tpu.memory_space<vmem>>, vector<16xi32>,
        %gather3A_587 = tpu.vector_load_idx %arg10[%get3A_586] : memref<100000xi32, #tpu.memory_space<vmem>>[vector<16xi32>], vector<16xi32>,
        %and3A_588 = arith.constant 63 : i32
        %and3A_589 = vector.broadcast %and3A_588 : i32 to vector<16xi32>
        %and3A_590 = arith.andi %gather3A_587, %and3A_589 : vector<16xi32>
        %gather3A_591 = tpu.vector_load_idx %arg21[%and3A_590] : memref<64xi32, #tpu.memory_space<vmem>>[vector<16xi32>], vector<16xi32>,
        %eq3A_592 = arith.cmpi eq, %gather3A_591, %get3A_586 : vector<16xi32>
        %add3A_593 = arith.constant 4 : i32
        %add3A_594 = arith.addi %mul3A_545, %add3A_593 : i32
        %mul3A_595 = arith.constant 16 : i32
        %mul3A_596 = arith.muli %add3A_594, %mul3A_595 : i32
        %get3A_597 = arith.index_cast %mul3A_596 : i32 to index
        %get3A_598 = tpu.vector_load %arg11[%get3A_597] {strides = array<i32>} : memref<2000xi32, #tpu.memory_space<vmem>>, vector<16xi32>,
        %gather3A_599 = tpu.vector_load_idx %arg10[%get3A_598] : memref<100000xi32, #tpu.memory_space<vmem>>[vector<16xi32>], vector<16xi32>,
        %and3A_600 = arith.constant 63 : i32
        %and3A_601 = vector.broadcast %and3A_600 : i32 to vector<16xi32>
        %and3A_602 = arith.andi %gather3A_599, %and3A_601 : vector<16xi32>
        %gather3A_603 = tpu.vector_load_idx %arg21[%and3A_602] : memref<64xi32, #tpu.memory_space<vmem>>[vector<16xi32>], vector<16xi32>,
        %eq3A_604 = arith.cmpi eq, %gather3A_603, %get3A_598 : vector<16xi32>
        %or3A = arith.ori %eq3A_556, %eq3A_568 : vector<16xi1>
        %or3A_605 = arith.ori %or3A, %eq3A_580 : vector<16xi1>
        %or3A_606 = arith.ori %or3A_605, %eq3A_592 : vector<16xi1>
        %or3A_607 = arith.ori %or3A_606, %eq3A_604 : vector<16xi1>
        %reduce_or3A = arith.constant 1.000000e+00 : f32
        %reduce_or3A_608 = arith.constant 0.000000e+00 : f32
        %reduce_or3A_609 = vector.broadcast %reduce_or3A : f32 to vector<16xf32>
        %reduce_or3A_610 = vector.broadcast %reduce_or3A_608 : f32 to vector<16xf32>
        %reduce_or3A_611 = arith.select %or3A_607, %reduce_or3A_609, %reduce_or3A_610 : vector<16xi1>, vector<16xf32>
        %reduce_or3A_612 = arith.constant true
        %reduce_or3A_613 = vector.broadcast %reduce_or3A_612 : i1 to vector<16xi1>
        %reduce_or3A_614 = tpu.scan <max>, %reduce_or3A_611 masked %reduce_or3A_613 : vector<16xf32>, vector<16xi1> -> vector<16xf32>
        %reduce_or3A_615 = vector.extract %reduce_or3A_614[15] : f32 from vector<16xf32>
        %reduce_or3A_616 = arith.constant 0.000000e+00 : f32
        %reduce_or3A_617 = arith.cmpf ogt, %reduce_or3A_615, %reduce_or3A_616 : f32
        %convert_element_type3A_618 = arith.extui %reduce_or3A_617 : i1 to i32
        %cond3A_619 = arith.constant 0 : i32
        %cond3A_620 = arith.cmpi ne, %convert_element_type3A_618, %cond3A_619 : i32
        scf.if %cond3A_620 {
          %reduce_or3A_621 = arith.constant 1.000000e+00 : f32
          %reduce_or3A_622 = arith.constant 0.000000e+00 : f32
          %reduce_or3A_623 = vector.broadcast %reduce_or3A_621 : f32 to vector<16xf32>
          %reduce_or3A_624 = vector.broadcast %reduce_or3A_622 : f32 to vector<16xf32>
          %reduce_or3A_625 = arith.select %eq3A_556, %reduce_or3A_623, %reduce_or3A_624 : vector<16xi1>, vector<16xf32>
          %reduce_or3A_626 = arith.constant true
          %reduce_or3A_627 = vector.broadcast %reduce_or3A_626 : i1 to vector<16xi1>
          %reduce_or3A_628 = tpu.scan <max>, %reduce_or3A_625 masked %reduce_or3A_627 : vector<16xf32>, vector<16xi1> -> vector<16xf32>
          %reduce_or3A_629 = vector.extract %reduce_or3A_628[15] : f32 from vector<16xf32>
          %reduce_or3A_630 = arith.constant 0.000000e+00 : f32
          %reduce_or3A_631 = arith.cmpf ogt, %reduce_or3A_629, %reduce_or3A_630 : f32
          %convert_element_type3A_632 = arith.extui %reduce_or3A_631 : i1 to i32
          %cond3A_633 = arith.constant 0 : i32
          %cond3A_634 = arith.cmpi ne, %convert_element_type3A_632, %cond3A_633 : i32
          scf.if %cond3A_634 {
            %get3A_691 = arith.constant 0 : i32
            %get3A_692 = arith.index_cast %get3A_691 : i32 to index
            %get3A_693 = memref.load %arg29[%get3A_692] : memref<1xi32, #tpu.memory_space<smem>>
            %add3A_694 = arith.constant 0 : i32
            %add3A_695 = arith.addi %mul3A_545, %add3A_694 : i32
            %mul3A_696 = arith.constant 16 : i32
            %mul3A_697 = arith.muli %add3A_695, %mul3A_696 : i32
            %get3A_698 = arith.index_cast %mul3A_697 : i32 to index
            %get3A_699 = tpu.vector_load %arg12[%get3A_698] {strides = array<i32>} : memref<2000xi32, #tpu.memory_space<vmem>>, vector<16xi32>,
            %add3A_700 = arith.constant 0 : i32
            %add3A_701 = arith.addi %mul3A_545, %add3A_700 : i32
            %mul3A_702 = arith.constant 16 : i32
            %mul3A_703 = arith.muli %add3A_701, %mul3A_702 : i32
            %get3A_704 = arith.index_cast %mul3A_703 : i32 to index
            %get3A_705 = tpu.vector_load %arg13[%get3A_704] {strides = array<i32>} : memref<2000xf32, #tpu.memory_space<vmem>>, vector<16xf32>,
            %swap3A_706 = arith.index_cast %get3A_693 : i32 to index
            %swap3A_707 = tpu.vector_load %arg17[%swap3A_706] masked %eq3A_556 {strides = array<i32>} : memref<2032xi32, #tpu.memory_space<vmem>>, vector<16xi32>, vector<16xi1>
            tpu.vector_store %arg17[%swap3A_706], %get3A_699 masked %eq3A_556 {strides = array<i32>} : memref<2032xi32, #tpu.memory_space<vmem>>, vector<16xi32>, vector<16xi1>
            %swap3A_708 = arith.index_cast %get3A_693 : i32 to index
            %swap3A_709 = tpu.vector_load %arg18[%swap3A_708] masked %eq3A_556 {strides = array<i32>} : memref<2032xf32, #tpu.memory_space<vmem>>, vector<16xf32>, vector<16xi1>
            tpu.vector_store %arg18[%swap3A_708], %get3A_705 masked %eq3A_556 {strides = array<i32>} : memref<2032xf32, #tpu.memory_space<vmem>>, vector<16xf32>, vector<16xi1>
            %swap3A_710 = arith.index_cast %get3A_693 : i32 to index
            %swap3A_711 = tpu.vector_load %arg19[%swap3A_710] masked %eq3A_556 {strides = array<i32>} : memref<2032xi32, #tpu.memory_space<vmem>>, vector<16xi32>, vector<16xi1>
            tpu.vector_store %arg19[%swap3A_710], %and3A_554 masked %eq3A_556 {strides = array<i32>} : memref<2032xi32, #tpu.memory_space<vmem>>, vector<16xi32>, vector<16xi1>
            %convert_element_type3A_712 = arith.extui %eq3A_556 : vector<16xi1> to vector<16xi32>
            %reduce_sum3A = arith.constant true
            %reduce_sum3A_713 = vector.broadcast %reduce_sum3A : i1 to vector<16xi1>
            %reduce_sum3A_714 = tpu.scan <sum>, %convert_element_type3A_712 masked %reduce_sum3A_713 : vector<16xi32>, vector<16xi1> -> vector<16xi32>
            %reduce_sum3A_715 = vector.extract %reduce_sum3A_714[15] : i32 from vector<16xi32>
            %add3A_716 = arith.addi %get3A_693, %reduce_sum3A_715 : i32
            %swap3A_717 = arith.constant 0 : i32
            %swap3A_718 = arith.index_cast %swap3A_717 : i32 to index
            %swap3A_719 = memref.load %arg29[%swap3A_718] : memref<1xi32, #tpu.memory_space<smem>>
            memref.store %add3A_716, %arg29[%swap3A_718] : memref<1xi32, #tpu.memory_space<smem>>
          } else {
          }
          %reduce_or3A_635 = arith.constant 1.000000e+00 : f32
          %reduce_or3A_636 = arith.constant 0.000000e+00 : f32
          %reduce_or3A_637 = vector.broadcast %reduce_or3A_635 : f32 to vector<16xf32>
          %reduce_or3A_638 = vector.broadcast %reduce_or3A_636 : f32 to vector<16xf32>
          %reduce_or3A_639 = arith.select %eq3A_568, %reduce_or3A_637, %reduce_or3A_638 : vector<16xi1>, vector<16xf32>
          %reduce_or3A_640 = arith.constant true
          %reduce_or3A_641 = vector.broadcast %reduce_or3A_640 : i1 to vector<16xi1>
          %reduce_or3A_642 = tpu.scan <max>, %reduce_or3A_639 masked %reduce_or3A_641 : vector<16xf32>, vector<16xi1> -> vector<16xf32>
          %reduce_or3A_643 = vector.extract %reduce_or3A_642[15] : f32 from vector<16xf32>
          %reduce_or3A_644 = arith.constant 0.000000e+00 : f32
          %reduce_or3A_645 = arith.cmpf ogt, %reduce_or3A_643, %reduce_or3A_644 : f32
          %convert_element_type3A_646 = arith.extui %reduce_or3A_645 : i1 to i32
          %cond3A_647 = arith.constant 0 : i32
          %cond3A_648 = arith.cmpi ne, %convert_element_type3A_646, %cond3A_647 : i32
          scf.if %cond3A_648 {
            %get3A_691 = arith.constant 0 : i32
            %get3A_692 = arith.index_cast %get3A_691 : i32 to index
            %get3A_693 = memref.load %arg29[%get3A_692] : memref<1xi32, #tpu.memory_space<smem>>
            %add3A_694 = arith.constant 1 : i32
            %add3A_695 = arith.addi %mul3A_545, %add3A_694 : i32
            %mul3A_696 = arith.constant 16 : i32
            %mul3A_697 = arith.muli %add3A_695, %mul3A_696 : i32
            %get3A_698 = arith.index_cast %mul3A_697 : i32 to index
            %get3A_699 = tpu.vector_load %arg12[%get3A_698] {strides = array<i32>} : memref<2000xi32, #tpu.memory_space<vmem>>, vector<16xi32>,
            %add3A_700 = arith.constant 1 : i32
            %add3A_701 = arith.addi %mul3A_545, %add3A_700 : i32
            %mul3A_702 = arith.constant 16 : i32
            %mul3A_703 = arith.muli %add3A_701, %mul3A_702 : i32
            %get3A_704 = arith.index_cast %mul3A_703 : i32 to index
            %get3A_705 = tpu.vector_load %arg13[%get3A_704] {strides = array<i32>} : memref<2000xf32, #tpu.memory_space<vmem>>, vector<16xf32>,
            %swap3A_706 = arith.index_cast %get3A_693 : i32 to index
            %swap3A_707 = tpu.vector_load %arg17[%swap3A_706] masked %eq3A_568 {strides = array<i32>} : memref<2032xi32, #tpu.memory_space<vmem>>, vector<16xi32>, vector<16xi1>
            tpu.vector_store %arg17[%swap3A_706], %get3A_699 masked %eq3A_568 {strides = array<i32>} : memref<2032xi32, #tpu.memory_space<vmem>>, vector<16xi32>, vector<16xi1>
            %swap3A_708 = arith.index_cast %get3A_693 : i32 to index
            %swap3A_709 = tpu.vector_load %arg18[%swap3A_708] masked %eq3A_568 {strides = array<i32>} : memref<2032xf32, #tpu.memory_space<vmem>>, vector<16xf32>, vector<16xi1>
            tpu.vector_store %arg18[%swap3A_708], %get3A_705 masked %eq3A_568 {strides = array<i32>} : memref<2032xf32, #tpu.memory_space<vmem>>, vector<16xf32>, vector<16xi1>
            %swap3A_710 = arith.index_cast %get3A_693 : i32 to index
            %swap3A_711 = tpu.vector_load %arg19[%swap3A_710] masked %eq3A_568 {strides = array<i32>} : memref<2032xi32, #tpu.memory_space<vmem>>, vector<16xi32>, vector<16xi1>
            tpu.vector_store %arg19[%swap3A_710], %and3A_566 masked %eq3A_568 {strides = array<i32>} : memref<2032xi32, #tpu.memory_space<vmem>>, vector<16xi32>, vector<16xi1>
            %convert_element_type3A_712 = arith.extui %eq3A_568 : vector<16xi1> to vector<16xi32>
            %reduce_sum3A = arith.constant true
            %reduce_sum3A_713 = vector.broadcast %reduce_sum3A : i1 to vector<16xi1>
            %reduce_sum3A_714 = tpu.scan <sum>, %convert_element_type3A_712 masked %reduce_sum3A_713 : vector<16xi32>, vector<16xi1> -> vector<16xi32>
            %reduce_sum3A_715 = vector.extract %reduce_sum3A_714[15] : i32 from vector<16xi32>
            %add3A_716 = arith.addi %get3A_693, %reduce_sum3A_715 : i32
            %swap3A_717 = arith.constant 0 : i32
            %swap3A_718 = arith.index_cast %swap3A_717 : i32 to index
            %swap3A_719 = memref.load %arg29[%swap3A_718] : memref<1xi32, #tpu.memory_space<smem>>
            memref.store %add3A_716, %arg29[%swap3A_718] : memref<1xi32, #tpu.memory_space<smem>>
          } else {
          }
          %reduce_or3A_649 = arith.constant 1.000000e+00 : f32
          %reduce_or3A_650 = arith.constant 0.000000e+00 : f32
          %reduce_or3A_651 = vector.broadcast %reduce_or3A_649 : f32 to vector<16xf32>
          %reduce_or3A_652 = vector.broadcast %reduce_or3A_650 : f32 to vector<16xf32>
          %reduce_or3A_653 = arith.select %eq3A_580, %reduce_or3A_651, %reduce_or3A_652 : vector<16xi1>, vector<16xf32>
          %reduce_or3A_654 = arith.constant true
          %reduce_or3A_655 = vector.broadcast %reduce_or3A_654 : i1 to vector<16xi1>
          %reduce_or3A_656 = tpu.scan <max>, %reduce_or3A_653 masked %reduce_or3A_655 : vector<16xf32>, vector<16xi1> -> vector<16xf32>
          %reduce_or3A_657 = vector.extract %reduce_or3A_656[15] : f32 from vector<16xf32>
          %reduce_or3A_658 = arith.constant 0.000000e+00 : f32
          %reduce_or3A_659 = arith.cmpf ogt, %reduce_or3A_657, %reduce_or3A_658 : f32
          %convert_element_type3A_660 = arith.extui %reduce_or3A_659 : i1 to i32
          %cond3A_661 = arith.constant 0 : i32
          %cond3A_662 = arith.cmpi ne, %convert_element_type3A_660, %cond3A_661 : i32
          scf.if %cond3A_662 {
            %get3A_691 = arith.constant 0 : i32
            %get3A_692 = arith.index_cast %get3A_691 : i32 to index
            %get3A_693 = memref.load %arg29[%get3A_692] : memref<1xi32, #tpu.memory_space<smem>>
            %add3A_694 = arith.constant 2 : i32
            %add3A_695 = arith.addi %mul3A_545, %add3A_694 : i32
            %mul3A_696 = arith.constant 16 : i32
            %mul3A_697 = arith.muli %add3A_695, %mul3A_696 : i32
            %get3A_698 = arith.index_cast %mul3A_697 : i32 to index
            %get3A_699 = tpu.vector_load %arg12[%get3A_698] {strides = array<i32>} : memref<2000xi32, #tpu.memory_space<vmem>>, vector<16xi32>,
            %add3A_700 = arith.constant 2 : i32
            %add3A_701 = arith.addi %mul3A_545, %add3A_700 : i32
            %mul3A_702 = arith.constant 16 : i32
            %mul3A_703 = arith.muli %add3A_701, %mul3A_702 : i32
            %get3A_704 = arith.index_cast %mul3A_703 : i32 to index
            %get3A_705 = tpu.vector_load %arg13[%get3A_704] {strides = array<i32>} : memref<2000xf32, #tpu.memory_space<vmem>>, vector<16xf32>,
            %swap3A_706 = arith.index_cast %get3A_693 : i32 to index
            %swap3A_707 = tpu.vector_load %arg17[%swap3A_706] masked %eq3A_580 {strides = array<i32>} : memref<2032xi32, #tpu.memory_space<vmem>>, vector<16xi32>, vector<16xi1>
            tpu.vector_store %arg17[%swap3A_706], %get3A_699 masked %eq3A_580 {strides = array<i32>} : memref<2032xi32, #tpu.memory_space<vmem>>, vector<16xi32>, vector<16xi1>
            %swap3A_708 = arith.index_cast %get3A_693 : i32 to index
            %swap3A_709 = tpu.vector_load %arg18[%swap3A_708] masked %eq3A_580 {strides = array<i32>} : memref<2032xf32, #tpu.memory_space<vmem>>, vector<16xf32>, vector<16xi1>
            tpu.vector_store %arg18[%swap3A_708], %get3A_705 masked %eq3A_580 {strides = array<i32>} : memref<2032xf32, #tpu.memory_space<vmem>>, vector<16xf32>, vector<16xi1>
            %swap3A_710 = arith.index_cast %get3A_693 : i32 to index
            %swap3A_711 = tpu.vector_load %arg19[%swap3A_710] masked %eq3A_580 {strides = array<i32>} : memref<2032xi32, #tpu.memory_space<vmem>>, vector<16xi32>, vector<16xi1>
            tpu.vector_store %arg19[%swap3A_710], %and3A_578 masked %eq3A_580 {strides = array<i32>} : memref<2032xi32, #tpu.memory_space<vmem>>, vector<16xi32>, vector<16xi1>
            %convert_element_type3A_712 = arith.extui %eq3A_580 : vector<16xi1> to vector<16xi32>
            %reduce_sum3A = arith.constant true
            %reduce_sum3A_713 = vector.broadcast %reduce_sum3A : i1 to vector<16xi1>
            %reduce_sum3A_714 = tpu.scan <sum>, %convert_element_type3A_712 masked %reduce_sum3A_713 : vector<16xi32>, vector<16xi1> -> vector<16xi32>
            %reduce_sum3A_715 = vector.extract %reduce_sum3A_714[15] : i32 from vector<16xi32>
            %add3A_716 = arith.addi %get3A_693, %reduce_sum3A_715 : i32
            %swap3A_717 = arith.constant 0 : i32
            %swap3A_718 = arith.index_cast %swap3A_717 : i32 to index
            %swap3A_719 = memref.load %arg29[%swap3A_718] : memref<1xi32, #tpu.memory_space<smem>>
            memref.store %add3A_716, %arg29[%swap3A_718] : memref<1xi32, #tpu.memory_space<smem>>
          } else {
          }
          %reduce_or3A_663 = arith.constant 1.000000e+00 : f32
          %reduce_or3A_664 = arith.constant 0.000000e+00 : f32
          %reduce_or3A_665 = vector.broadcast %reduce_or3A_663 : f32 to vector<16xf32>
          %reduce_or3A_666 = vector.broadcast %reduce_or3A_664 : f32 to vector<16xf32>
          %reduce_or3A_667 = arith.select %eq3A_592, %reduce_or3A_665, %reduce_or3A_666 : vector<16xi1>, vector<16xf32>
          %reduce_or3A_668 = arith.constant true
          %reduce_or3A_669 = vector.broadcast %reduce_or3A_668 : i1 to vector<16xi1>
          %reduce_or3A_670 = tpu.scan <max>, %reduce_or3A_667 masked %reduce_or3A_669 : vector<16xf32>, vector<16xi1> -> vector<16xf32>
          %reduce_or3A_671 = vector.extract %reduce_or3A_670[15] : f32 from vector<16xf32>
          %reduce_or3A_672 = arith.constant 0.000000e+00 : f32
          %reduce_or3A_673 = arith.cmpf ogt, %reduce_or3A_671, %reduce_or3A_672 : f32
          %convert_element_type3A_674 = arith.extui %reduce_or3A_673 : i1 to i32
          %cond3A_675 = arith.constant 0 : i32
          %cond3A_676 = arith.cmpi ne, %convert_element_type3A_674, %cond3A_675 : i32
          scf.if %cond3A_676 {
            %get3A_691 = arith.constant 0 : i32
            %get3A_692 = arith.index_cast %get3A_691 : i32 to index
            %get3A_693 = memref.load %arg29[%get3A_692] : memref<1xi32, #tpu.memory_space<smem>>
            %add3A_694 = arith.constant 3 : i32
            %add3A_695 = arith.addi %mul3A_545, %add3A_694 : i32
            %mul3A_696 = arith.constant 16 : i32
            %mul3A_697 = arith.muli %add3A_695, %mul3A_696 : i32
            %get3A_698 = arith.index_cast %mul3A_697 : i32 to index
            %get3A_699 = tpu.vector_load %arg12[%get3A_698] {strides = array<i32>} : memref<2000xi32, #tpu.memory_space<vmem>>, vector<16xi32>,
            %add3A_700 = arith.constant 3 : i32
            %add3A_701 = arith.addi %mul3A_545, %add3A_700 : i32
            %mul3A_702 = arith.constant 16 : i32
            %mul3A_703 = arith.muli %add3A_701, %mul3A_702 : i32
            %get3A_704 = arith.index_cast %mul3A_703 : i32 to index
            %get3A_705 = tpu.vector_load %arg13[%get3A_704] {strides = array<i32>} : memref<2000xf32, #tpu.memory_space<vmem>>, vector<16xf32>,
            %swap3A_706 = arith.index_cast %get3A_693 : i32 to index
            %swap3A_707 = tpu.vector_load %arg17[%swap3A_706] masked %eq3A_592 {strides = array<i32>} : memref<2032xi32, #tpu.memory_space<vmem>>, vector<16xi32>, vector<16xi1>
            tpu.vector_store %arg17[%swap3A_706], %get3A_699 masked %eq3A_592 {strides = array<i32>} : memref<2032xi32, #tpu.memory_space<vmem>>, vector<16xi32>, vector<16xi1>
            %swap3A_708 = arith.index_cast %get3A_693 : i32 to index
            %swap3A_709 = tpu.vector_load %arg18[%swap3A_708] masked %eq3A_592 {strides = array<i32>} : memref<2032xf32, #tpu.memory_space<vmem>>, vector<16xf32>, vector<16xi1>
            tpu.vector_store %arg18[%swap3A_708], %get3A_705 masked %eq3A_592 {strides = array<i32>} : memref<2032xf32, #tpu.memory_space<vmem>>, vector<16xf32>, vector<16xi1>
            %swap3A_710 = arith.index_cast %get3A_693 : i32 to index
            %swap3A_711 = tpu.vector_load %arg19[%swap3A_710] masked %eq3A_592 {strides = array<i32>} : memref<2032xi32, #tpu.memory_space<vmem>>, vector<16xi32>, vector<16xi1>
            tpu.vector_store %arg19[%swap3A_710], %and3A_590 masked %eq3A_592 {strides = array<i32>} : memref<2032xi32, #tpu.memory_space<vmem>>, vector<16xi32>, vector<16xi1>
            %convert_element_type3A_712 = arith.extui %eq3A_592 : vector<16xi1> to vector<16xi32>
            %reduce_sum3A = arith.constant true
            %reduce_sum3A_713 = vector.broadcast %reduce_sum3A : i1 to vector<16xi1>
            %reduce_sum3A_714 = tpu.scan <sum>, %convert_element_type3A_712 masked %reduce_sum3A_713 : vector<16xi32>, vector<16xi1> -> vector<16xi32>
            %reduce_sum3A_715 = vector.extract %reduce_sum3A_714[15] : i32 from vector<16xi32>
            %add3A_716 = arith.addi %get3A_693, %reduce_sum3A_715 : i32
            %swap3A_717 = arith.constant 0 : i32
            %swap3A_718 = arith.index_cast %swap3A_717 : i32 to index
            %swap3A_719 = memref.load %arg29[%swap3A_718] : memref<1xi32, #tpu.memory_space<smem>>
            memref.store %add3A_716, %arg29[%swap3A_718] : memref<1xi32, #tpu.memory_space<smem>>
          } else {
          }
          %reduce_or3A_677 = arith.constant 1.000000e+00 : f32
          %reduce_or3A_678 = arith.constant 0.000000e+00 : f32
          %reduce_or3A_679 = vector.broadcast %reduce_or3A_677 : f32 to vector<16xf32>
          %reduce_or3A_680 = vector.broadcast %reduce_or3A_678 : f32 to vector<16xf32>
          %reduce_or3A_681 = arith.select %eq3A_604, %reduce_or3A_679, %reduce_or3A_680 : vector<16xi1>, vector<16xf32>
          %reduce_or3A_682 = arith.constant true
          %reduce_or3A_683 = vector.broadcast %reduce_or3A_682 : i1 to vector<16xi1>
          %reduce_or3A_684 = tpu.scan <max>, %reduce_or3A_681 masked %reduce_or3A_683 : vector<16xf32>, vector<16xi1> -> vector<16xf32>
          %reduce_or3A_685 = vector.extract %reduce_or3A_684[15] : f32 from vector<16xf32>
          %reduce_or3A_686 = arith.constant 0.000000e+00 : f32
          %reduce_or3A_687 = arith.cmpf ogt, %reduce_or3A_685, %reduce_or3A_686 : f32
          %convert_element_type3A_688 = arith.extui %reduce_or3A_687 : i1 to i32
          %cond3A_689 = arith.constant 0 : i32
          %cond3A_690 = arith.cmpi ne, %convert_element_type3A_688, %cond3A_689 : i32
          scf.if %cond3A_690 {
            %get3A_691 = arith.constant 0 : i32
            %get3A_692 = arith.index_cast %get3A_691 : i32 to index
            %get3A_693 = memref.load %arg29[%get3A_692] : memref<1xi32, #tpu.memory_space<smem>>
            %add3A_694 = arith.constant 4 : i32
            %add3A_695 = arith.addi %mul3A_545, %add3A_694 : i32
            %mul3A_696 = arith.constant 16 : i32
            %mul3A_697 = arith.muli %add3A_695, %mul3A_696 : i32
            %get3A_698 = arith.index_cast %mul3A_697 : i32 to index
            %get3A_699 = tpu.vector_load %arg12[%get3A_698] {strides = array<i32>} : memref<2000xi32, #tpu.memory_space<vmem>>, vector<16xi32>,
            %add3A_700 = arith.constant 4 : i32
            %add3A_701 = arith.addi %mul3A_545, %add3A_700 : i32
            %mul3A_702 = arith.constant 16 : i32
            %mul3A_703 = arith.muli %add3A_701, %mul3A_702 : i32
            %get3A_704 = arith.index_cast %mul3A_703 : i32 to index
            %get3A_705 = tpu.vector_load %arg13[%get3A_704] {strides = array<i32>} : memref<2000xf32, #tpu.memory_space<vmem>>, vector<16xf32>,
            %swap3A_706 = arith.index_cast %get3A_693 : i32 to index
            %swap3A_707 = tpu.vector_load %arg17[%swap3A_706] masked %eq3A_604 {strides = array<i32>} : memref<2032xi32, #tpu.memory_space<vmem>>, vector<16xi32>, vector<16xi1>
            tpu.vector_store %arg17[%swap3A_706], %get3A_699 masked %eq3A_604 {strides = array<i32>} : memref<2032xi32, #tpu.memory_space<vmem>>, vector<16xi32>, vector<16xi1>
            %swap3A_708 = arith.index_cast %get3A_693 : i32 to index
            %swap3A_709 = tpu.vector_load %arg18[%swap3A_708] masked %eq3A_604 {strides = array<i32>} : memref<2032xf32, #tpu.memory_space<vmem>>, vector<16xf32>, vector<16xi1>
            tpu.vector_store %arg18[%swap3A_708], %get3A_705 masked %eq3A_604 {strides = array<i32>} : memref<2032xf32, #tpu.memory_space<vmem>>, vector<16xf32>, vector<16xi1>
            %swap3A_710 = arith.index_cast %get3A_693 : i32 to index
            %swap3A_711 = tpu.vector_load %arg19[%swap3A_710] masked %eq3A_604 {strides = array<i32>} : memref<2032xi32, #tpu.memory_space<vmem>>, vector<16xi32>, vector<16xi1>
            tpu.vector_store %arg19[%swap3A_710], %and3A_602 masked %eq3A_604 {strides = array<i32>} : memref<2032xi32, #tpu.memory_space<vmem>>, vector<16xi32>, vector<16xi1>
            %convert_element_type3A_712 = arith.extui %eq3A_604 : vector<16xi1> to vector<16xi32>
            %reduce_sum3A = arith.constant true
            %reduce_sum3A_713 = vector.broadcast %reduce_sum3A : i1 to vector<16xi1>
            %reduce_sum3A_714 = tpu.scan <sum>, %convert_element_type3A_712 masked %reduce_sum3A_713 : vector<16xi32>, vector<16xi1> -> vector<16xi32>
            %reduce_sum3A_715 = vector.extract %reduce_sum3A_714[15] : i32 from vector<16xi32>
            %add3A_716 = arith.addi %get3A_693, %reduce_sum3A_715 : i32
            %swap3A_717 = arith.constant 0 : i32
            %swap3A_718 = arith.index_cast %swap3A_717 : i32 to index
            %swap3A_719 = memref.load %arg29[%swap3A_718] : memref<1xi32, #tpu.memory_space<smem>>
            memref.store %add3A_716, %arg29[%swap3A_718] : memref<1xi32, #tpu.memory_space<smem>>
          } else {
          }
        } else {
        }
      }
      %scan3A_450 = arith.constant 25 : i32
      %get3A_451 = arith.constant 0 : i32
      %get3A_452 = arith.index_cast %get3A_451 : i32 to index
      %get3A_453 = memref.load %arg29[%get3A_452] : memref<1xi32, #tpu.memory_space<smem>>
      %jit3A_454 = arith.constant 16 : i32
      %div3A_455 = arith.divsi %get3A_453, %jit3A_454 : i32
      %sign3A_456 = arith.constant 0 : i32
      %sign3A_457 = arith.cmpi sgt, %get3A_453, %sign3A_456 : i32
      %sign3A_458 = arith.extui %sign3A_457 : i1 to i32
      %sign3A_459 = arith.constant 0 : i32
      %sign3A_460 = arith.cmpi slt, %get3A_453, %sign3A_459 : i32
      %sign3A_461 = arith.extui %sign3A_460 : i1 to i32
      %sign3A_462 = arith.subi %sign3A_458, %sign3A_461 : i32
      %sign3A_463 = arith.constant 0 : i32
      %sign3A_464 = arith.cmpi sgt, %jit3A_454, %sign3A_463 : i32
      %sign3A_465 = arith.extui %sign3A_464 : i1 to i32
      %sign3A_466 = arith.constant 0 : i32
      %sign3A_467 = arith.cmpi slt, %jit3A_454, %sign3A_466 : i32
      %sign3A_468 = arith.extui %sign3A_467 : i1 to i32
      %sign3A_469 = arith.subi %sign3A_465, %sign3A_468 : i32
      %ne3A_470 = arith.cmpi ne, %sign3A_462, %sign3A_469 : i32
      %rem3A_471 = arith.remsi %get3A_453, %jit3A_454 : i32
      %ne3A_472 = arith.constant 0 : i32
      %ne3A_473 = arith.cmpi ne, %rem3A_471, %ne3A_472 : i32
      %and3A_474 = arith.andi %ne3A_470, %ne3A_473 : i1
      %sub3A_475 = arith.constant 1 : i32
      %sub3A_476 = arith.subi %div3A_455, %sub3A_475 : i32
      %select_n3A_477 = arith.select %and3A_474, %sub3A_476, %div3A_455 : i32
      %gt3A = arith.constant 0 : i32
      %gt3A_478 = arith.cmpi sgt, %select_n3A_477, %gt3A : i32
      %convert_element_type3A_479 = arith.extui %gt3A_478 : i1 to i32
      %cond3A_480 = arith.constant 0 : i32
      %cond3A_481 = arith.cmpi ne, %convert_element_type3A_479, %cond3A_480 : i32
      scf.if %cond3A_481 {
        %while3A_543 = arith.constant 0 : i32
        %while3A_544 = arith.subi %select_n3A_477, %while3A_543 : i32
        %while3A_545 = arith.addi %while3A_543, %while3A_544 : i32
        %while3A_546 = arith.constant 1 : i32
        %while3A_547 = arith.divsi %while3A_544, %while3A_546 : i32
        %while3A_548 = arith.muli %while3A_547, %while3A_546 : i32
        %while3A_549 = arith.addi %while3A_543, %while3A_548 : i32
        %while3A_550 = arith.constant 1 : i32
        scf.for %while3A_576 = %while3A_543 to %while3A_549 step %while3A_550  : i32 {
          %mul3A_577 = arith.constant 16 : i32
          %mul3A_578 = arith.muli %while3A_576, %mul3A_577 : i32
          %get3A_579 = arith.index_cast %mul3A_578 : i32 to index
          %get3A_580 = tpu.vector_load %arg17[%get3A_579] {strides = array<i32>} : memref<2032xi32, #tpu.memory_space<vmem>>, vector<16xi32>,
          %swap3A_581 = arith.constant 0 : index
          %swap3A_582 = tpu.vector_load %arg23[%swap3A_581] {strides = array<i32>} : memref<16xi32, #tpu.memory_space<vmem>>, vector<16xi32>,
          tpu.vector_store %arg23[%swap3A_581], %get3A_580 {strides = array<i32>} : memref<16xi32, #tpu.memory_space<vmem>>, vector<16xi32>,
          %get3A_583 = arith.index_cast %mul3A_578 : i32 to index
          %get3A_584 = tpu.vector_load %arg18[%get3A_583] {strides = array<i32>} : memref<2032xf32, #tpu.memory_space<vmem>>, vector<16xf32>,
          %get3A_585 = arith.index_cast %mul3A_578 : i32 to index
          %get3A_586 = tpu.vector_load %arg19[%get3A_585] {strides = array<i32>} : memref<2032xi32, #tpu.memory_space<vmem>>, vector<16xi32>,
          %swap3A_587 = arith.constant 0 : index
          %swap3A_588 = tpu.vector_load %arg24[%swap3A_587] {strides = array<i32>} : memref<16xf32, #tpu.memory_space<vmem>>, vector<16xf32>,
          tpu.vector_store %arg24[%swap3A_587], %get3A_584 {strides = array<i32>} : memref<16xf32, #tpu.memory_space<vmem>>, vector<16xf32>,
          %swap3A_589 = arith.constant 0 : index
          %swap3A_590 = tpu.vector_load %arg25[%swap3A_589] {strides = array<i32>} : memref<16xi32, #tpu.memory_space<vmem>>, vector<16xi32>,
          tpu.vector_store %arg25[%swap3A_589], %get3A_586 {strides = array<i32>} : memref<16xi32, #tpu.memory_space<vmem>>, vector<16xi32>,
          %dma_start3A_591 = arith.constant 0 : i32
          %dma_start3A_592 = arith.constant 0 : i32
          %dma_start3A_593 = tpu.memref_slice %arg4[%dma_start3A_591, %dma_start3A_592] : memref<100000x8xf32, #tpu.memory_space<hbm>> -> memref<100000x8xf32, #tpu.memory_space<hbm>>
          tpu.enqueue_indirect_dma source(%dma_start3A_593 : memref<100000x8xf32, #tpu.memory_space<hbm>>) target(%arg26 : memref<16x8xf32, #tpu.memory_space<vmem>>) offsets(%arg23 : memref<16xi32, #tpu.memory_space<vmem>>) semaphore(%arg32 : memref<!tpu.dma_semaphore, #tpu.memory_space<semaphore_mem>>)
          %dma_wait3A_594 = arith.constant 0 : i32
          %dma_wait3A_595 = arith.constant 0 : i32
          %dma_wait3A_596 = tpu.memref_slice %arg4[%dma_wait3A_594, %dma_wait3A_595] : memref<100000x8xf32, #tpu.memory_space<hbm>> -> memref<100000x8xf32, #tpu.memory_space<hbm>>
          tpu.wait_indirect_dma semaphore(%arg32 : memref<!tpu.dma_semaphore, #tpu.memory_space<semaphore_mem>>) src(%dma_wait3A_596 : memref<100000x8xf32, #tpu.memory_space<hbm>>) dst(%arg26 : memref<16x8xf32, #tpu.memory_space<vmem>>)
          %add3A_597 = arith.constant 0 : i32
          %add3A_598 = vector.broadcast %add3A_597 : i32 to vector<16xi32>
          %add3A_599 = arith.addi %shift_right_arithmetic3A_4, %add3A_598 : vector<16xi32>
          %gather3A = tpu.vector_load_idx %arg24[%add3A_599] : memref<16xf32, #tpu.memory_space<vmem>>[vector<16xi32>], vector<16xf32>,
          %gather3A_600 = tpu.vector_load_idx %arg25[%add3A_599] : memref<16xi32, #tpu.memory_space<vmem>>[vector<16xi32>], vector<16xi32>,
          %gather3A_601 = tpu.vector_load_idx %arg26[%add3A_599, %and3A_2] : memref<16x8xf32, #tpu.memory_space<vmem>>[vector<16xi32>, vector<16xi32>], vector<16xf32>,
          %mul3A_602 = arith.mulf %gather3A_601, %gather3A : vector<16xf32>
          tpu.vector_store_idx %arg20[%gather3A_600, %and3A_2], %mul3A_602 masked %lt3A_6 {add = true} : memref<66x8xf32, #tpu.memory_space<vmem>>[vector<16xi32>, vector<16xi32>], vector<16xf32>, vector<16xi1>
          tpu.vector_store_idx %arg20[%gather3A_600, %and3A_2], %mul3A_602 masked %ge3A_8 {add = true} : memref<66x8xf32, #tpu.memory_space<vmem>>[vector<16xi32>, vector<16xi32>], vector<16xf32>, vector<16xi1>
          %add3A_603 = arith.constant 2 : i32
          %add3A_604 = vector.broadcast %add3A_603 : i32 to vector<16xi32>
          %add3A_605 = arith.addi %shift_right_arithmetic3A_4, %add3A_604 : vector<16xi32>
          %gather3A_606 = tpu.vector_load_idx %arg24[%add3A_605] : memref<16xf32, #tpu.memory_space<vmem>>[vector<16xi32>], vector<16xf32>,
          %gather3A_607 = tpu.vector_load_idx %arg25[%add3A_605] : memref<16xi32, #tpu.memory_space<vmem>>[vector<16xi32>], vector<16xi32>,
          %gather3A_608 = tpu.vector_load_idx %arg26[%add3A_605, %and3A_2] : memref<16x8xf32, #tpu.memory_space<vmem>>[vector<16xi32>, vector<16xi32>], vector<16xf32>,
          %mul3A_609 = arith.mulf %gather3A_608, %gather3A_606 : vector<16xf32>
          tpu.vector_store_idx %arg20[%gather3A_607, %and3A_2], %mul3A_609 masked %lt3A_6 {add = true} : memref<66x8xf32, #tpu.memory_space<vmem>>[vector<16xi32>, vector<16xi32>], vector<16xf32>, vector<16xi1>
          tpu.vector_store_idx %arg20[%gather3A_607, %and3A_2], %mul3A_609 masked %ge3A_8 {add = true} : memref<66x8xf32, #tpu.memory_space<vmem>>[vector<16xi32>, vector<16xi32>], vector<16xf32>, vector<16xi1>
          %add3A_610 = arith.constant 4 : i32
          %add3A_611 = vector.broadcast %add3A_610 : i32 to vector<16xi32>
          %add3A_612 = arith.addi %shift_right_arithmetic3A_4, %add3A_611 : vector<16xi32>
          %gather3A_613 = tpu.vector_load_idx %arg24[%add3A_612] : memref<16xf32, #tpu.memory_space<vmem>>[vector<16xi32>], vector<16xf32>,
          %gather3A_614 = tpu.vector_load_idx %arg25[%add3A_612] : memref<16xi32, #tpu.memory_space<vmem>>[vector<16xi32>], vector<16xi32>,
          %gather3A_615 = tpu.vector_load_idx %arg26[%add3A_612, %and3A_2] : memref<16x8xf32, #tpu.memory_space<vmem>>[vector<16xi32>, vector<16xi32>], vector<16xf32>,
          %mul3A_616 = arith.mulf %gather3A_615, %gather3A_613 : vector<16xf32>
          tpu.vector_store_idx %arg20[%gather3A_614, %and3A_2], %mul3A_616 masked %lt3A_6 {add = true} : memref<66x8xf32, #tpu.memory_space<vmem>>[vector<16xi32>, vector<16xi32>], vector<16xf32>, vector<16xi1>
          tpu.vector_store_idx %arg20[%gather3A_614, %and3A_2], %mul3A_616 masked %ge3A_8 {add = true} : memref<66x8xf32, #tpu.memory_space<vmem>>[vector<16xi32>, vector<16xi32>], vector<16xf32>, vector<16xi1>
          %add3A_617 = arith.constant 6 : i32
          %add3A_618 = vector.broadcast %add3A_617 : i32 to vector<16xi32>
          %add3A_619 = arith.addi %shift_right_arithmetic3A_4, %add3A_618 : vector<16xi32>
          %gather3A_620 = tpu.vector_load_idx %arg24[%add3A_619] : memref<16xf32, #tpu.memory_space<vmem>>[vector<16xi32>], vector<16xf32>,
          %gather3A_621 = tpu.vector_load_idx %arg25[%add3A_619] : memref<16xi32, #tpu.memory_space<vmem>>[vector<16xi32>], vector<16xi32>,
          %gather3A_622 = tpu.vector_load_idx %arg26[%add3A_619, %and3A_2] : memref<16x8xf32, #tpu.memory_space<vmem>>[vector<16xi32>, vector<16xi32>], vector<16xf32>,
          %mul3A_623 = arith.mulf %gather3A_622, %gather3A_620 : vector<16xf32>
          tpu.vector_store_idx %arg20[%gather3A_621, %and3A_2], %mul3A_623 masked %lt3A_6 {add = true} : memref<66x8xf32, #tpu.memory_space<vmem>>[vector<16xi32>, vector<16xi32>], vector<16xf32>, vector<16xi1>
          tpu.vector_store_idx %arg20[%gather3A_621, %and3A_2], %mul3A_623 masked %ge3A_8 {add = true} : memref<66x8xf32, #tpu.memory_space<vmem>>[vector<16xi32>, vector<16xi32>], vector<16xf32>, vector<16xi1>
          %add3A_624 = arith.constant 8 : i32
          %add3A_625 = vector.broadcast %add3A_624 : i32 to vector<16xi32>
          %add3A_626 = arith.addi %shift_right_arithmetic3A_4, %add3A_625 : vector<16xi32>
          %gather3A_627 = tpu.vector_load_idx %arg24[%add3A_626] : memref<16xf32, #tpu.memory_space<vmem>>[vector<16xi32>], vector<16xf32>,
          %gather3A_628 = tpu.vector_load_idx %arg25[%add3A_626] : memref<16xi32, #tpu.memory_space<vmem>>[vector<16xi32>], vector<16xi32>,
          %gather3A_629 = tpu.vector_load_idx %arg26[%add3A_626, %and3A_2] : memref<16x8xf32, #tpu.memory_space<vmem>>[vector<16xi32>, vector<16xi32>], vector<16xf32>,
          %mul3A_630 = arith.mulf %gather3A_629, %gather3A_627 : vector<16xf32>
          tpu.vector_store_idx %arg20[%gather3A_628, %and3A_2], %mul3A_630 masked %lt3A_6 {add = true} : memref<66x8xf32, #tpu.memory_space<vmem>>[vector<16xi32>, vector<16xi32>], vector<16xf32>, vector<16xi1>
          tpu.vector_store_idx %arg20[%gather3A_628, %and3A_2], %mul3A_630 masked %ge3A_8 {add = true} : memref<66x8xf32, #tpu.memory_space<vmem>>[vector<16xi32>, vector<16xi32>], vector<16xf32>, vector<16xi1>
          %add3A_631 = arith.constant 10 : i32
          %add3A_632 = vector.broadcast %add3A_631 : i32 to vector<16xi32>
          %add3A_633 = arith.addi %shift_right_arithmetic3A_4, %add3A_632 : vector<16xi32>
          %gather3A_634 = tpu.vector_load_idx %arg24[%add3A_633] : memref<16xf32, #tpu.memory_space<vmem>>[vector<16xi32>], vector<16xf32>,
          %gather3A_635 = tpu.vector_load_idx %arg25[%add3A_633] : memref<16xi32, #tpu.memory_space<vmem>>[vector<16xi32>], vector<16xi32>,
          %gather3A_636 = tpu.vector_load_idx %arg26[%add3A_633, %and3A_2] : memref<16x8xf32, #tpu.memory_space<vmem>>[vector<16xi32>, vector<16xi32>], vector<16xf32>,
          %mul3A_637 = arith.mulf %gather3A_636, %gather3A_634 : vector<16xf32>
          tpu.vector_store_idx %arg20[%gather3A_635, %and3A_2], %mul3A_637 masked %lt3A_6 {add = true} : memref<66x8xf32, #tpu.memory_space<vmem>>[vector<16xi32>, vector<16xi32>], vector<16xf32>, vector<16xi1>
          tpu.vector_store_idx %arg20[%gather3A_635, %and3A_2], %mul3A_637 masked %ge3A_8 {add = true} : memref<66x8xf32, #tpu.memory_space<vmem>>[vector<16xi32>, vector<16xi32>], vector<16xf32>, vector<16xi1>
          %add3A_638 = arith.constant 12 : i32
          %add3A_639 = vector.broadcast %add3A_638 : i32 to vector<16xi32>
          %add3A_640 = arith.addi %shift_right_arithmetic3A_4, %add3A_639 : vector<16xi32>
          %gather3A_641 = tpu.vector_load_idx %arg24[%add3A_640] : memref<16xf32, #tpu.memory_space<vmem>>[vector<16xi32>], vector<16xf32>,
          %gather3A_642 = tpu.vector_load_idx %arg25[%add3A_640] : memref<16xi32, #tpu.memory_space<vmem>>[vector<16xi32>], vector<16xi32>,
          %gather3A_643 = tpu.vector_load_idx %arg26[%add3A_640, %and3A_2] : memref<16x8xf32, #tpu.memory_space<vmem>>[vector<16xi32>, vector<16xi32>], vector<16xf32>,
          %mul3A_644 = arith.mulf %gather3A_643, %gather3A_641 : vector<16xf32>
          tpu.vector_store_idx %arg20[%gather3A_642, %and3A_2], %mul3A_644 masked %lt3A_6 {add = true} : memref<66x8xf32, #tpu.memory_space<vmem>>[vector<16xi32>, vector<16xi32>], vector<16xf32>, vector<16xi1>
          tpu.vector_store_idx %arg20[%gather3A_642, %and3A_2], %mul3A_644 masked %ge3A_8 {add = true} : memref<66x8xf32, #tpu.memory_space<vmem>>[vector<16xi32>, vector<16xi32>], vector<16xf32>, vector<16xi1>
          %add3A_645 = arith.constant 14 : i32
          %add3A_646 = vector.broadcast %add3A_645 : i32 to vector<16xi32>
          %add3A_647 = arith.addi %shift_right_arithmetic3A_4, %add3A_646 : vector<16xi32>
          %gather3A_648 = tpu.vector_load_idx %arg24[%add3A_647] : memref<16xf32, #tpu.memory_space<vmem>>[vector<16xi32>], vector<16xf32>,
          %gather3A_649 = tpu.vector_load_idx %arg25[%add3A_647] : memref<16xi32, #tpu.memory_space<vmem>>[vector<16xi32>], vector<16xi32>,
          %gather3A_650 = tpu.vector_load_idx %arg26[%add3A_647, %and3A_2] : memref<16x8xf32, #tpu.memory_space<vmem>>[vector<16xi32>, vector<16xi32>], vector<16xf32>,
          %mul3A_651 = arith.mulf %gather3A_650, %gather3A_648 : vector<16xf32>
          tpu.vector_store_idx %arg20[%gather3A_649, %and3A_2], %mul3A_651 masked %lt3A_6 {add = true} : memref<66x8xf32, #tpu.memory_space<vmem>>[vector<16xi32>, vector<16xi32>], vector<16xf32>, vector<16xi1>
          tpu.vector_store_idx %arg20[%gather3A_649, %and3A_2], %mul3A_651 masked %ge3A_8 {add = true} : memref<66x8xf32, #tpu.memory_space<vmem>>[vector<16xi32>, vector<16xi32>], vector<16xf32>, vector<16xi1>
        }
        %while3A_551 = arith.constant 1 : i32
        scf.for %while3A_576 = %while3A_549 to %while3A_545 step %while3A_551  : i32 {
          %mul3A_577 = arith.constant 16 : i32
          %mul3A_578 = arith.muli %while3A_576, %mul3A_577 : i32
          %get3A_579 = arith.index_cast %mul3A_578 : i32 to index
          %get3A_580 = tpu.vector_load %arg17[%get3A_579] {strides = array<i32>} : memref<2032xi32, #tpu.memory_space<vmem>>, vector<16xi32>,
          %swap3A_581 = arith.constant 0 : index
          %swap3A_582 = tpu.vector_load %arg23[%swap3A_581] {strides = array<i32>} : memref<16xi32, #tpu.memory_space<vmem>>, vector<16xi32>,
          tpu.vector_store %arg23[%swap3A_581], %get3A_580 {strides = array<i32>} : memref<16xi32, #tpu.memory_space<vmem>>, vector<16xi32>,
          %get3A_583 = arith.index_cast %mul3A_578 : i32 to index
          %get3A_584 = tpu.vector_load %arg18[%get3A_583] {strides = array<i32>} : memref<2032xf32, #tpu.memory_space<vmem>>, vector<16xf32>,
          %get3A_585 = arith.index_cast %mul3A_578 : i32 to index
          %get3A_586 = tpu.vector_load %arg19[%get3A_585] {strides = array<i32>} : memref<2032xi32, #tpu.memory_space<vmem>>, vector<16xi32>,
          %swap3A_587 = arith.constant 0 : index
          %swap3A_588 = tpu.vector_load %arg24[%swap3A_587] {strides = array<i32>} : memref<16xf32, #tpu.memory_space<vmem>>, vector<16xf32>,
          tpu.vector_store %arg24[%swap3A_587], %get3A_584 {strides = array<i32>} : memref<16xf32, #tpu.memory_space<vmem>>, vector<16xf32>,
          %swap3A_589 = arith.constant 0 : index
          %swap3A_590 = tpu.vector_load %arg25[%swap3A_589] {strides = array<i32>} : memref<16xi32, #tpu.memory_space<vmem>>, vector<16xi32>,
          tpu.vector_store %arg25[%swap3A_589], %get3A_586 {strides = array<i32>} : memref<16xi32, #tpu.memory_space<vmem>>, vector<16xi32>,
          %dma_start3A_591 = arith.constant 0 : i32
          %dma_start3A_592 = arith.constant 0 : i32
          %dma_start3A_593 = tpu.memref_slice %arg4[%dma_start3A_591, %dma_start3A_592] : memref<100000x8xf32, #tpu.memory_space<hbm>> -> memref<100000x8xf32, #tpu.memory_space<hbm>>
          tpu.enqueue_indirect_dma source(%dma_start3A_593 : memref<100000x8xf32, #tpu.memory_space<hbm>>) target(%arg26 : memref<16x8xf32, #tpu.memory_space<vmem>>) offsets(%arg23 : memref<16xi32, #tpu.memory_space<vmem>>) semaphore(%arg32 : memref<!tpu.dma_semaphore, #tpu.memory_space<semaphore_mem>>)
          %dma_wait3A_594 = arith.constant 0 : i32
          %dma_wait3A_595 = arith.constant 0 : i32
          %dma_wait3A_596 = tpu.memref_slice %arg4[%dma_wait3A_594, %dma_wait3A_595] : memref<100000x8xf32, #tpu.memory_space<hbm>> -> memref<100000x8xf32, #tpu.memory_space<hbm>>
          tpu.wait_indirect_dma semaphore(%arg32 : memref<!tpu.dma_semaphore, #tpu.memory_space<semaphore_mem>>) src(%dma_wait3A_596 : memref<100000x8xf32, #tpu.memory_space<hbm>>) dst(%arg26 : memref<16x8xf32, #tpu.memory_space<vmem>>)
          %add3A_597 = arith.constant 0 : i32
          %add3A_598 = vector.broadcast %add3A_597 : i32 to vector<16xi32>
          %add3A_599 = arith.addi %shift_right_arithmetic3A_4, %add3A_598 : vector<16xi32>
          %gather3A = tpu.vector_load_idx %arg24[%add3A_599] : memref<16xf32, #tpu.memory_space<vmem>>[vector<16xi32>], vector<16xf32>,
          %gather3A_600 = tpu.vector_load_idx %arg25[%add3A_599] : memref<16xi32, #tpu.memory_space<vmem>>[vector<16xi32>], vector<16xi32>,
          %gather3A_601 = tpu.vector_load_idx %arg26[%add3A_599, %and3A_2] : memref<16x8xf32, #tpu.memory_space<vmem>>[vector<16xi32>, vector<16xi32>], vector<16xf32>,
          %mul3A_602 = arith.mulf %gather3A_601, %gather3A : vector<16xf32>
          tpu.vector_store_idx %arg20[%gather3A_600, %and3A_2], %mul3A_602 masked %lt3A_6 {add = true} : memref<66x8xf32, #tpu.memory_space<vmem>>[vector<16xi32>, vector<16xi32>], vector<16xf32>, vector<16xi1>
          tpu.vector_store_idx %arg20[%gather3A_600, %and3A_2], %mul3A_602 masked %ge3A_8 {add = true} : memref<66x8xf32, #tpu.memory_space<vmem>>[vector<16xi32>, vector<16xi32>], vector<16xf32>, vector<16xi1>
          %add3A_603 = arith.constant 2 : i32
          %add3A_604 = vector.broadcast %add3A_603 : i32 to vector<16xi32>
          %add3A_605 = arith.addi %shift_right_arithmetic3A_4, %add3A_604 : vector<16xi32>
          %gather3A_606 = tpu.vector_load_idx %arg24[%add3A_605] : memref<16xf32, #tpu.memory_space<vmem>>[vector<16xi32>], vector<16xf32>,
          %gather3A_607 = tpu.vector_load_idx %arg25[%add3A_605] : memref<16xi32, #tpu.memory_space<vmem>>[vector<16xi32>], vector<16xi32>,
          %gather3A_608 = tpu.vector_load_idx %arg26[%add3A_605, %and3A_2] : memref<16x8xf32, #tpu.memory_space<vmem>>[vector<16xi32>, vector<16xi32>], vector<16xf32>,
          %mul3A_609 = arith.mulf %gather3A_608, %gather3A_606 : vector<16xf32>
          tpu.vector_store_idx %arg20[%gather3A_607, %and3A_2], %mul3A_609 masked %lt3A_6 {add = true} : memref<66x8xf32, #tpu.memory_space<vmem>>[vector<16xi32>, vector<16xi32>], vector<16xf32>, vector<16xi1>
          tpu.vector_store_idx %arg20[%gather3A_607, %and3A_2], %mul3A_609 masked %ge3A_8 {add = true} : memref<66x8xf32, #tpu.memory_space<vmem>>[vector<16xi32>, vector<16xi32>], vector<16xf32>, vector<16xi1>
          %add3A_610 = arith.constant 4 : i32
          %add3A_611 = vector.broadcast %add3A_610 : i32 to vector<16xi32>
          %add3A_612 = arith.addi %shift_right_arithmetic3A_4, %add3A_611 : vector<16xi32>
          %gather3A_613 = tpu.vector_load_idx %arg24[%add3A_612] : memref<16xf32, #tpu.memory_space<vmem>>[vector<16xi32>], vector<16xf32>,
          %gather3A_614 = tpu.vector_load_idx %arg25[%add3A_612] : memref<16xi32, #tpu.memory_space<vmem>>[vector<16xi32>], vector<16xi32>,
          %gather3A_615 = tpu.vector_load_idx %arg26[%add3A_612, %and3A_2] : memref<16x8xf32, #tpu.memory_space<vmem>>[vector<16xi32>, vector<16xi32>], vector<16xf32>,
          %mul3A_616 = arith.mulf %gather3A_615, %gather3A_613 : vector<16xf32>
          tpu.vector_store_idx %arg20[%gather3A_614, %and3A_2], %mul3A_616 masked %lt3A_6 {add = true} : memref<66x8xf32, #tpu.memory_space<vmem>>[vector<16xi32>, vector<16xi32>], vector<16xf32>, vector<16xi1>
          tpu.vector_store_idx %arg20[%gather3A_614, %and3A_2], %mul3A_616 masked %ge3A_8 {add = true} : memref<66x8xf32, #tpu.memory_space<vmem>>[vector<16xi32>, vector<16xi32>], vector<16xf32>, vector<16xi1>
          %add3A_617 = arith.constant 6 : i32
          %add3A_618 = vector.broadcast %add3A_617 : i32 to vector<16xi32>
          %add3A_619 = arith.addi %shift_right_arithmetic3A_4, %add3A_618 : vector<16xi32>
          %gather3A_620 = tpu.vector_load_idx %arg24[%add3A_619] : memref<16xf32, #tpu.memory_space<vmem>>[vector<16xi32>], vector<16xf32>,
          %gather3A_621 = tpu.vector_load_idx %arg25[%add3A_619] : memref<16xi32, #tpu.memory_space<vmem>>[vector<16xi32>], vector<16xi32>,
          %gather3A_622 = tpu.vector_load_idx %arg26[%add3A_619, %and3A_2] : memref<16x8xf32, #tpu.memory_space<vmem>>[vector<16xi32>, vector<16xi32>], vector<16xf32>,
          %mul3A_623 = arith.mulf %gather3A_622, %gather3A_620 : vector<16xf32>
          tpu.vector_store_idx %arg20[%gather3A_621, %and3A_2], %mul3A_623 masked %lt3A_6 {add = true} : memref<66x8xf32, #tpu.memory_space<vmem>>[vector<16xi32>, vector<16xi32>], vector<16xf32>, vector<16xi1>
          tpu.vector_store_idx %arg20[%gather3A_621, %and3A_2], %mul3A_623 masked %ge3A_8 {add = true} : memref<66x8xf32, #tpu.memory_space<vmem>>[vector<16xi32>, vector<16xi32>], vector<16xf32>, vector<16xi1>
          %add3A_624 = arith.constant 8 : i32
          %add3A_625 = vector.broadcast %add3A_624 : i32 to vector<16xi32>
          %add3A_626 = arith.addi %shift_right_arithmetic3A_4, %add3A_625 : vector<16xi32>
          %gather3A_627 = tpu.vector_load_idx %arg24[%add3A_626] : memref<16xf32, #tpu.memory_space<vmem>>[vector<16xi32>], vector<16xf32>,
          %gather3A_628 = tpu.vector_load_idx %arg25[%add3A_626] : memref<16xi32, #tpu.memory_space<vmem>>[vector<16xi32>], vector<16xi32>,
          %gather3A_629 = tpu.vector_load_idx %arg26[%add3A_626, %and3A_2] : memref<16x8xf32, #tpu.memory_space<vmem>>[vector<16xi32>, vector<16xi32>], vector<16xf32>,
          %mul3A_630 = arith.mulf %gather3A_629, %gather3A_627 : vector<16xf32>
          tpu.vector_store_idx %arg20[%gather3A_628, %and3A_2], %mul3A_630 masked %lt3A_6 {add = true} : memref<66x8xf32, #tpu.memory_space<vmem>>[vector<16xi32>, vector<16xi32>], vector<16xf32>, vector<16xi1>
          tpu.vector_store_idx %arg20[%gather3A_628, %and3A_2], %mul3A_630 masked %ge3A_8 {add = true} : memref<66x8xf32, #tpu.memory_space<vmem>>[vector<16xi32>, vector<16xi32>], vector<16xf32>, vector<16xi1>
          %add3A_631 = arith.constant 10 : i32
          %add3A_632 = vector.broadcast %add3A_631 : i32 to vector<16xi32>
          %add3A_633 = arith.addi %shift_right_arithmetic3A_4, %add3A_632 : vector<16xi32>
          %gather3A_634 = tpu.vector_load_idx %arg24[%add3A_633] : memref<16xf32, #tpu.memory_space<vmem>>[vector<16xi32>], vector<16xf32>,
          %gather3A_635 = tpu.vector_load_idx %arg25[%add3A_633] : memref<16xi32, #tpu.memory_space<vmem>>[vector<16xi32>], vector<16xi32>,
          %gather3A_636 = tpu.vector_load_idx %arg26[%add3A_633, %and3A_2] : memref<16x8xf32, #tpu.memory_space<vmem>>[vector<16xi32>, vector<16xi32>], vector<16xf32>,
          %mul3A_637 = arith.mulf %gather3A_636, %gather3A_634 : vector<16xf32>
          tpu.vector_store_idx %arg20[%gather3A_635, %and3A_2], %mul3A_637 masked %lt3A_6 {add = true} : memref<66x8xf32, #tpu.memory_space<vmem>>[vector<16xi32>, vector<16xi32>], vector<16xf32>, vector<16xi1>
          tpu.vector_store_idx %arg20[%gather3A_635, %and3A_2], %mul3A_637 masked %ge3A_8 {add = true} : memref<66x8xf32, #tpu.memory_space<vmem>>[vector<16xi32>, vector<16xi32>], vector<16xf32>, vector<16xi1>
          %add3A_638 = arith.constant 12 : i32
          %add3A_639 = vector.broadcast %add3A_638 : i32 to vector<16xi32>
          %add3A_640 = arith.addi %shift_right_arithmetic3A_4, %add3A_639 : vector<16xi32>
          %gather3A_641 = tpu.vector_load_idx %arg24[%add3A_640] : memref<16xf32, #tpu.memory_space<vmem>>[vector<16xi32>], vector<16xf32>,
          %gather3A_642 = tpu.vector_load_idx %arg25[%add3A_640] : memref<16xi32, #tpu.memory_space<vmem>>[vector<16xi32>], vector<16xi32>,
          %gather3A_643 = tpu.vector_load_idx %arg26[%add3A_640, %and3A_2] : memref<16x8xf32, #tpu.memory_space<vmem>>[vector<16xi32>, vector<16xi32>], vector<16xf32>,
          %mul3A_644 = arith.mulf %gather3A_643, %gather3A_641 : vector<16xf32>
          tpu.vector_store_idx %arg20[%gather3A_642, %and3A_2], %mul3A_644 masked %lt3A_6 {add = true} : memref<66x8xf32, #tpu.memory_space<vmem>>[vector<16xi32>, vector<16xi32>], vector<16xf32>, vector<16xi1>
          tpu.vector_store_idx %arg20[%gather3A_642, %and3A_2], %mul3A_644 masked %ge3A_8 {add = true} : memref<66x8xf32, #tpu.memory_space<vmem>>[vector<16xi32>, vector<16xi32>], vector<16xf32>, vector<16xi1>
          %add3A_645 = arith.constant 14 : i32
          %add3A_646 = vector.broadcast %add3A_645 : i32 to vector<16xi32>
          %add3A_647 = arith.addi %shift_right_arithmetic3A_4, %add3A_646 : vector<16xi32>
          %gather3A_648 = tpu.vector_load_idx %arg24[%add3A_647] : memref<16xf32, #tpu.memory_space<vmem>>[vector<16xi32>], vector<16xf32>,
          %gather3A_649 = tpu.vector_load_idx %arg25[%add3A_647] : memref<16xi32, #tpu.memory_space<vmem>>[vector<16xi32>], vector<16xi32>,
          %gather3A_650 = tpu.vector_load_idx %arg26[%add3A_647, %and3A_2] : memref<16x8xf32, #tpu.memory_space<vmem>>[vector<16xi32>, vector<16xi32>], vector<16xf32>,
          %mul3A_651 = arith.mulf %gather3A_650, %gather3A_648 : vector<16xf32>
          tpu.vector_store_idx %arg20[%gather3A_649, %and3A_2], %mul3A_651 masked %lt3A_6 {add = true} : memref<66x8xf32, #tpu.memory_space<vmem>>[vector<16xi32>, vector<16xi32>], vector<16xf32>, vector<16xi1>
          tpu.vector_store_idx %arg20[%gather3A_649, %and3A_2], %mul3A_651 masked %ge3A_8 {add = true} : memref<66x8xf32, #tpu.memory_space<vmem>>[vector<16xi32>, vector<16xi32>], vector<16xf32>, vector<16xi1>
        }
        %mul3A_552 = arith.constant 16 : i32
        %mul3A_553 = arith.muli %select_n3A_477, %mul3A_552 : i32
        %get3A_554 = arith.index_cast %mul3A_553 : i32 to index
        %get3A_555 = tpu.vector_load %arg17[%get3A_554] {strides = array<i32>} : memref<2032xi32, #tpu.memory_space<vmem>>, vector<16xi32>,
        %swap3A_556 = arith.constant 0 : index
        %swap3A_557 = tpu.vector_load %arg17[%swap3A_556] {strides = array<i32>} : memref<2032xi32, #tpu.memory_space<vmem>>, vector<16xi32>,
        tpu.vector_store %arg17[%swap3A_556], %get3A_555 {strides = array<i32>} : memref<2032xi32, #tpu.memory_space<vmem>>, vector<16xi32>,
        %mul3A_558 = arith.constant 16 : i32
        %mul3A_559 = arith.muli %select_n3A_477, %mul3A_558 : i32
        %get3A_560 = arith.index_cast %mul3A_559 : i32 to index
        %get3A_561 = tpu.vector_load %arg18[%get3A_560] {strides = array<i32>} : memref<2032xf32, #tpu.memory_space<vmem>>, vector<16xf32>,
        %swap3A_562 = arith.constant 0 : index
        %swap3A_563 = tpu.vector_load %arg18[%swap3A_562] {strides = array<i32>} : memref<2032xf32, #tpu.memory_space<vmem>>, vector<16xf32>,
        tpu.vector_store %arg18[%swap3A_562], %get3A_561 {strides = array<i32>} : memref<2032xf32, #tpu.memory_space<vmem>>, vector<16xf32>,
        %mul3A_564 = arith.constant 16 : i32
        %mul3A_565 = arith.muli %select_n3A_477, %mul3A_564 : i32
        %get3A_566 = arith.index_cast %mul3A_565 : i32 to index
        %get3A_567 = tpu.vector_load %arg19[%get3A_566] {strides = array<i32>} : memref<2032xi32, #tpu.memory_space<vmem>>, vector<16xi32>,
        %swap3A_568 = arith.constant 0 : index
        %swap3A_569 = tpu.vector_load %arg19[%swap3A_568] {strides = array<i32>} : memref<2032xi32, #tpu.memory_space<vmem>>, vector<16xi32>,
        tpu.vector_store %arg19[%swap3A_568], %get3A_567 {strides = array<i32>} : memref<2032xi32, #tpu.memory_space<vmem>>, vector<16xi32>,
        %mul3A_570 = arith.constant 16 : i32
        %mul3A_571 = arith.muli %select_n3A_477, %mul3A_570 : i32
        %sub3A_572 = arith.subi %get3A_453, %mul3A_571 : i32
        %swap3A_573 = arith.constant 0 : i32
        %swap3A_574 = arith.index_cast %swap3A_573 : i32 to index
        %swap3A_575 = memref.load %arg29[%swap3A_574] : memref<1xi32, #tpu.memory_space<smem>>
        memref.store %sub3A_572, %arg29[%swap3A_574] : memref<1xi32, #tpu.memory_space<smem>>
      } else {
      }
      %add3A_482 = arith.constant 2 : i32
      %add3A_483 = arith.addi %mul3A_414, %add3A_482 : i32
      %lt3A_484 = arith.constant 50 : i32
      %lt3A_485 = arith.cmpi slt, %add3A_483, %lt3A_484 : i32
      %convert_element_type3A_486 = arith.extui %lt3A_485 : i1 to i32
      %cond3A_487 = arith.constant 0 : i32
      %cond3A_488 = arith.cmpi ne, %convert_element_type3A_486, %cond3A_487 : i32
      scf.if %cond3A_488 {
        %add3A_543 = arith.constant 2 : i32
        %add3A_544 = arith.addi %mul3A_414, %add3A_543 : i32
        %mul3A_545 = arith.constant 2000 : i32
        %mul3A_546 = arith.muli %add3A_544, %mul3A_545 : i32
        %add3A_547 = arith.addi %mul3A_354, %mul3A_546 : i32
        %dma_start3A_548 = arith.constant 1 : i32
        %dma_start3A_549 = tpu.memref_slice %arg2[%dma_start3A_548, %add3A_547] : memref<2x3200000xi32, #tpu.memory_space<hbm>> -> memref<1x2000xi32, #tpu.memory_space<hbm>>
        %dma_start3A_550 = tpu.memref_squeeze %dma_start3A_549 : memref<1x2000xi32, #tpu.memory_space<hbm>> -> memref<2000xi32, #tpu.memory_space<hbm>>
        %dma_start3A_551 = tpu.memref_slice %arg2[%dma_start3A_548, %add3A_547] : memref<2x3200000xi32, #tpu.memory_space<hbm>> -> memref<1x2000xi32, #tpu.memory_space<hbm>>
        %dma_start3A_552 = tpu.memref_squeeze %dma_start3A_551 : memref<1x2000xi32, #tpu.memory_space<hbm>> -> memref<2000xi32, #tpu.memory_space<hbm>>
        tpu.enqueue_dma source(%dma_start3A_552 : memref<2000xi32, #tpu.memory_space<hbm>>) target(%arg11 : memref<2000xi32, #tpu.memory_space<vmem>>) target_semaphore(%arg30 : memref<!tpu.dma_semaphore, #tpu.memory_space<semaphore_mem>>)
        %dma_start3A_553 = arith.constant 0 : i32
        %dma_start3A_554 = tpu.memref_slice %arg2[%dma_start3A_553, %add3A_547] : memref<2x3200000xi32, #tpu.memory_space<hbm>> -> memref<1x2000xi32, #tpu.memory_space<hbm>>
        %dma_start3A_555 = tpu.memref_squeeze %dma_start3A_554 : memref<1x2000xi32, #tpu.memory_space<hbm>> -> memref<2000xi32, #tpu.memory_space<hbm>>
        %dma_start3A_556 = tpu.memref_slice %arg2[%dma_start3A_553, %add3A_547] : memref<2x3200000xi32, #tpu.memory_space<hbm>> -> memref<1x2000xi32, #tpu.memory_space<hbm>>
        %dma_start3A_557 = tpu.memref_squeeze %dma_start3A_556 : memref<1x2000xi32, #tpu.memory_space<hbm>> -> memref<2000xi32, #tpu.memory_space<hbm>>
        tpu.enqueue_dma source(%dma_start3A_557 : memref<2000xi32, #tpu.memory_space<hbm>>) target(%arg12 : memref<2000xi32, #tpu.memory_space<vmem>>) target_semaphore(%arg30 : memref<!tpu.dma_semaphore, #tpu.memory_space<semaphore_mem>>)
        %dma_start3A_558 = tpu.memref_slice %arg3[%add3A_547] : memref<3200000xf32, #tpu.memory_space<hbm>> -> memref<2000xf32, #tpu.memory_space<hbm>>
        %dma_start3A_559 = tpu.memref_slice %arg3[%add3A_547] : memref<3200000xf32, #tpu.memory_space<hbm>> -> memref<2000xf32, #tpu.memory_space<hbm>>
        tpu.enqueue_dma source(%dma_start3A_559 : memref<2000xf32, #tpu.memory_space<hbm>>) target(%arg13 : memref<2000xf32, #tpu.memory_space<vmem>>) target_semaphore(%arg30 : memref<!tpu.dma_semaphore, #tpu.memory_space<semaphore_mem>>)
      } else {
      }
      %add3A_489 = arith.constant 1 : i32
      %add3A_490 = arith.addi %mul3A_414, %add3A_489 : i32
      %mul3A_491 = arith.constant 2000 : i32
      %mul3A_492 = arith.muli %add3A_490, %mul3A_491 : i32
      %add3A_493 = arith.addi %mul3A_354, %mul3A_492 : i32
      %dma_wait3A_494 = arith.constant 1 : i32
      %dma_wait3A_495 = tpu.memref_slice %arg2[%dma_wait3A_494, %add3A_493] : memref<2x3200000xi32, #tpu.memory_space<hbm>> -> memref<1x2000xi32, #tpu.memory_space<hbm>>
      %dma_wait3A_496 = tpu.memref_squeeze %dma_wait3A_495 : memref<1x2000xi32, #tpu.memory_space<hbm>> -> memref<2000xi32, #tpu.memory_space<hbm>>
      %dma_wait3A_497 = tpu.memref_slice %arg2[%dma_wait3A_494, %add3A_493] : memref<2x3200000xi32, #tpu.memory_space<hbm>> -> memref<1x2000xi32, #tpu.memory_space<hbm>>
      %dma_wait3A_498 = tpu.memref_squeeze %dma_wait3A_497 : memref<1x2000xi32, #tpu.memory_space<hbm>> -> memref<2000xi32, #tpu.memory_space<hbm>>
      tpu.wait_dma2 semaphore(%arg31 : memref<!tpu.dma_semaphore, #tpu.memory_space<semaphore_mem>>) src(%dma_wait3A_498 : memref<2000xi32, #tpu.memory_space<hbm>>) dst(%arg14 : memref<2000xi32, #tpu.memory_space<vmem>>)
      %dma_wait3A_499 = arith.constant 0 : i32
      %dma_wait3A_500 = tpu.memref_slice %arg2[%dma_wait3A_499, %add3A_493] : memref<2x3200000xi32, #tpu.memory_space<hbm>> -> memref<1x2000xi32, #tpu.memory_space<hbm>>
      %dma_wait3A_501 = tpu.memref_squeeze %dma_wait3A_500 : memref<1x2000xi32, #tpu.memory_space<hbm>> -> memref<2000xi32, #tpu.memory_space<hbm>>
      %dma_wait3A_502 = tpu.memref_slice %arg2[%dma_wait3A_499, %add3A_493] : memref<2x3200000xi32, #tpu.memory_space<hbm>> -> memref<1x2000xi32, #tpu.memory_space<hbm>>
      %dma_wait3A_503 = tpu.memref_squeeze %dma_wait3A_502 : memref<1x2000xi32, #tpu.memory_space<hbm>> -> memref<2000xi32, #tpu.memory_space<hbm>>
      tpu.wait_dma2 semaphore(%arg31 : memref<!tpu.dma_semaphore, #tpu.memory_space<semaphore_mem>>) src(%dma_wait3A_503 : memref<2000xi32, #tpu.memory_space<hbm>>) dst(%arg15 : memref<2000xi32, #tpu.memory_space<vmem>>)
      %dma_wait3A_504 = tpu.memref_slice %arg3[%add3A_493] : memref<3200000xf32, #tpu.memory_space<hbm>> -> memref<2000xf32, #tpu.memory_space<hbm>>
      %dma_wait3A_505 = tpu.memref_slice %arg3[%add3A_493] : memref<3200000xf32, #tpu.memory_space<hbm>> -> memref<2000xf32, #tpu.memory_space<hbm>>
      tpu.wait_dma2 semaphore(%arg31 : memref<!tpu.dma_semaphore, #tpu.memory_space<semaphore_mem>>) src(%dma_wait3A_505 : memref<2000xf32, #tpu.memory_space<hbm>>) dst(%arg16 : memref<2000xf32, #tpu.memory_space<vmem>>)
      %scan3A_506 = arith.constant 0 : i32
      %scan3A_507 = arith.constant 25 : i32
      %scan3A_508 = arith.addi %scan3A_506, %scan3A_507 : i32
      %scan3A_509 = arith.constant 1 : i32
      scf.for %scan3A_543 = %scan3A_506 to %scan3A_508 step %scan3A_509  : i32 {
        %mul3A_544 = arith.constant 5 : i32
        %mul3A_545 = arith.muli %scan3A_543, %mul3A_544 : i32
        %add3A_546 = arith.constant 0 : i32
        %add3A_547 = arith.addi %mul3A_545, %add3A_546 : i32
        %mul3A_548 = arith.constant 16 : i32
        %mul3A_549 = arith.muli %add3A_547, %mul3A_548 : i32
        %get3A_550 = arith.index_cast %mul3A_549 : i32 to index
        %get3A_551 = tpu.vector_load %arg14[%get3A_550] {strides = array<i32>} : memref<2000xi32, #tpu.memory_space<vmem>>, vector<16xi32>,
        %gather3A = tpu.vector_load_idx %arg10[%get3A_551] : memref<100000xi32, #tpu.memory_space<vmem>>[vector<16xi32>], vector<16xi32>,
        %and3A_552 = arith.constant 63 : i32
        %and3A_553 = vector.broadcast %and3A_552 : i32 to vector<16xi32>
        %and3A_554 = arith.andi %gather3A, %and3A_553 : vector<16xi32>
        %gather3A_555 = tpu.vector_load_idx %arg21[%and3A_554] : memref<64xi32, #tpu.memory_space<vmem>>[vector<16xi32>], vector<16xi32>,
        %eq3A_556 = arith.cmpi eq, %gather3A_555, %get3A_551 : vector<16xi32>
        %add3A_557 = arith.constant 1 : i32
        %add3A_558 = arith.addi %mul3A_545, %add3A_557 : i32
        %mul3A_559 = arith.constant 16 : i32
        %mul3A_560 = arith.muli %add3A_558, %mul3A_559 : i32
        %get3A_561 = arith.index_cast %mul3A_560 : i32 to index
        %get3A_562 = tpu.vector_load %arg14[%get3A_561] {strides = array<i32>} : memref<2000xi32, #tpu.memory_space<vmem>>, vector<16xi32>,
        %gather3A_563 = tpu.vector_load_idx %arg10[%get3A_562] : memref<100000xi32, #tpu.memory_space<vmem>>[vector<16xi32>], vector<16xi32>,
        %and3A_564 = arith.constant 63 : i32
        %and3A_565 = vector.broadcast %and3A_564 : i32 to vector<16xi32>
        %and3A_566 = arith.andi %gather3A_563, %and3A_565 : vector<16xi32>
        %gather3A_567 = tpu.vector_load_idx %arg21[%and3A_566] : memref<64xi32, #tpu.memory_space<vmem>>[vector<16xi32>], vector<16xi32>,
        %eq3A_568 = arith.cmpi eq, %gather3A_567, %get3A_562 : vector<16xi32>
        %add3A_569 = arith.constant 2 : i32
        %add3A_570 = arith.addi %mul3A_545, %add3A_569 : i32
        %mul3A_571 = arith.constant 16 : i32
        %mul3A_572 = arith.muli %add3A_570, %mul3A_571 : i32
        %get3A_573 = arith.index_cast %mul3A_572 : i32 to index
        %get3A_574 = tpu.vector_load %arg14[%get3A_573] {strides = array<i32>} : memref<2000xi32, #tpu.memory_space<vmem>>, vector<16xi32>,
        %gather3A_575 = tpu.vector_load_idx %arg10[%get3A_574] : memref<100000xi32, #tpu.memory_space<vmem>>[vector<16xi32>], vector<16xi32>,
        %and3A_576 = arith.constant 63 : i32
        %and3A_577 = vector.broadcast %and3A_576 : i32 to vector<16xi32>
        %and3A_578 = arith.andi %gather3A_575, %and3A_577 : vector<16xi32>
        %gather3A_579 = tpu.vector_load_idx %arg21[%and3A_578] : memref<64xi32, #tpu.memory_space<vmem>>[vector<16xi32>], vector<16xi32>,
        %eq3A_580 = arith.cmpi eq, %gather3A_579, %get3A_574 : vector<16xi32>
        %add3A_581 = arith.constant 3 : i32
        %add3A_582 = arith.addi %mul3A_545, %add3A_581 : i32
        %mul3A_583 = arith.constant 16 : i32
        %mul3A_584 = arith.muli %add3A_582, %mul3A_583 : i32
        %get3A_585 = arith.index_cast %mul3A_584 : i32 to index
        %get3A_586 = tpu.vector_load %arg14[%get3A_585] {strides = array<i32>} : memref<2000xi32, #tpu.memory_space<vmem>>, vector<16xi32>,
        %gather3A_587 = tpu.vector_load_idx %arg10[%get3A_586] : memref<100000xi32, #tpu.memory_space<vmem>>[vector<16xi32>], vector<16xi32>,
        %and3A_588 = arith.constant 63 : i32
        %and3A_589 = vector.broadcast %and3A_588 : i32 to vector<16xi32>
        %and3A_590 = arith.andi %gather3A_587, %and3A_589 : vector<16xi32>
        %gather3A_591 = tpu.vector_load_idx %arg21[%and3A_590] : memref<64xi32, #tpu.memory_space<vmem>>[vector<16xi32>], vector<16xi32>,
        %eq3A_592 = arith.cmpi eq, %gather3A_591, %get3A_586 : vector<16xi32>
        %add3A_593 = arith.constant 4 : i32
        %add3A_594 = arith.addi %mul3A_545, %add3A_593 : i32
        %mul3A_595 = arith.constant 16 : i32
        %mul3A_596 = arith.muli %add3A_594, %mul3A_595 : i32
        %get3A_597 = arith.index_cast %mul3A_596 : i32 to index
        %get3A_598 = tpu.vector_load %arg14[%get3A_597] {strides = array<i32>} : memref<2000xi32, #tpu.memory_space<vmem>>, vector<16xi32>,
        %gather3A_599 = tpu.vector_load_idx %arg10[%get3A_598] : memref<100000xi32, #tpu.memory_space<vmem>>[vector<16xi32>], vector<16xi32>,
        %and3A_600 = arith.constant 63 : i32
        %and3A_601 = vector.broadcast %and3A_600 : i32 to vector<16xi32>
        %and3A_602 = arith.andi %gather3A_599, %and3A_601 : vector<16xi32>
        %gather3A_603 = tpu.vector_load_idx %arg21[%and3A_602] : memref<64xi32, #tpu.memory_space<vmem>>[vector<16xi32>], vector<16xi32>,
        %eq3A_604 = arith.cmpi eq, %gather3A_603, %get3A_598 : vector<16xi32>
        %or3A = arith.ori %eq3A_556, %eq3A_568 : vector<16xi1>
        %or3A_605 = arith.ori %or3A, %eq3A_580 : vector<16xi1>
        %or3A_606 = arith.ori %or3A_605, %eq3A_592 : vector<16xi1>
        %or3A_607 = arith.ori %or3A_606, %eq3A_604 : vector<16xi1>
        %reduce_or3A = arith.constant 1.000000e+00 : f32
        %reduce_or3A_608 = arith.constant 0.000000e+00 : f32
        %reduce_or3A_609 = vector.broadcast %reduce_or3A : f32 to vector<16xf32>
        %reduce_or3A_610 = vector.broadcast %reduce_or3A_608 : f32 to vector<16xf32>
        %reduce_or3A_611 = arith.select %or3A_607, %reduce_or3A_609, %reduce_or3A_610 : vector<16xi1>, vector<16xf32>
        %reduce_or3A_612 = arith.constant true
        %reduce_or3A_613 = vector.broadcast %reduce_or3A_612 : i1 to vector<16xi1>
        %reduce_or3A_614 = tpu.scan <max>, %reduce_or3A_611 masked %reduce_or3A_613 : vector<16xf32>, vector<16xi1> -> vector<16xf32>
        %reduce_or3A_615 = vector.extract %reduce_or3A_614[15] : f32 from vector<16xf32>
        %reduce_or3A_616 = arith.constant 0.000000e+00 : f32
        %reduce_or3A_617 = arith.cmpf ogt, %reduce_or3A_615, %reduce_or3A_616 : f32
        %convert_element_type3A_618 = arith.extui %reduce_or3A_617 : i1 to i32
        %cond3A_619 = arith.constant 0 : i32
        %cond3A_620 = arith.cmpi ne, %convert_element_type3A_618, %cond3A_619 : i32
        scf.if %cond3A_620 {
          %reduce_or3A_621 = arith.constant 1.000000e+00 : f32
          %reduce_or3A_622 = arith.constant 0.000000e+00 : f32
          %reduce_or3A_623 = vector.broadcast %reduce_or3A_621 : f32 to vector<16xf32>
          %reduce_or3A_624 = vector.broadcast %reduce_or3A_622 : f32 to vector<16xf32>
          %reduce_or3A_625 = arith.select %eq3A_556, %reduce_or3A_623, %reduce_or3A_624 : vector<16xi1>, vector<16xf32>
          %reduce_or3A_626 = arith.constant true
          %reduce_or3A_627 = vector.broadcast %reduce_or3A_626 : i1 to vector<16xi1>
          %reduce_or3A_628 = tpu.scan <max>, %reduce_or3A_625 masked %reduce_or3A_627 : vector<16xf32>, vector<16xi1> -> vector<16xf32>
          %reduce_or3A_629 = vector.extract %reduce_or3A_628[15] : f32 from vector<16xf32>
          %reduce_or3A_630 = arith.constant 0.000000e+00 : f32
          %reduce_or3A_631 = arith.cmpf ogt, %reduce_or3A_629, %reduce_or3A_630 : f32
          %convert_element_type3A_632 = arith.extui %reduce_or3A_631 : i1 to i32
          %cond3A_633 = arith.constant 0 : i32
          %cond3A_634 = arith.cmpi ne, %convert_element_type3A_632, %cond3A_633 : i32
          scf.if %cond3A_634 {
            %get3A_691 = arith.constant 0 : i32
            %get3A_692 = arith.index_cast %get3A_691 : i32 to index
            %get3A_693 = memref.load %arg29[%get3A_692] : memref<1xi32, #tpu.memory_space<smem>>
            %add3A_694 = arith.constant 0 : i32
            %add3A_695 = arith.addi %mul3A_545, %add3A_694 : i32
            %mul3A_696 = arith.constant 16 : i32
            %mul3A_697 = arith.muli %add3A_695, %mul3A_696 : i32
            %get3A_698 = arith.index_cast %mul3A_697 : i32 to index
            %get3A_699 = tpu.vector_load %arg15[%get3A_698] {strides = array<i32>} : memref<2000xi32, #tpu.memory_space<vmem>>, vector<16xi32>,
            %add3A_700 = arith.constant 0 : i32
            %add3A_701 = arith.addi %mul3A_545, %add3A_700 : i32
            %mul3A_702 = arith.constant 16 : i32
            %mul3A_703 = arith.muli %add3A_701, %mul3A_702 : i32
            %get3A_704 = arith.index_cast %mul3A_703 : i32 to index
            %get3A_705 = tpu.vector_load %arg16[%get3A_704] {strides = array<i32>} : memref<2000xf32, #tpu.memory_space<vmem>>, vector<16xf32>,
            %swap3A_706 = arith.index_cast %get3A_693 : i32 to index
            %swap3A_707 = tpu.vector_load %arg17[%swap3A_706] masked %eq3A_556 {strides = array<i32>} : memref<2032xi32, #tpu.memory_space<vmem>>, vector<16xi32>, vector<16xi1>
            tpu.vector_store %arg17[%swap3A_706], %get3A_699 masked %eq3A_556 {strides = array<i32>} : memref<2032xi32, #tpu.memory_space<vmem>>, vector<16xi32>, vector<16xi1>
            %swap3A_708 = arith.index_cast %get3A_693 : i32 to index
            %swap3A_709 = tpu.vector_load %arg18[%swap3A_708] masked %eq3A_556 {strides = array<i32>} : memref<2032xf32, #tpu.memory_space<vmem>>, vector<16xf32>, vector<16xi1>
            tpu.vector_store %arg18[%swap3A_708], %get3A_705 masked %eq3A_556 {strides = array<i32>} : memref<2032xf32, #tpu.memory_space<vmem>>, vector<16xf32>, vector<16xi1>
            %swap3A_710 = arith.index_cast %get3A_693 : i32 to index
            %swap3A_711 = tpu.vector_load %arg19[%swap3A_710] masked %eq3A_556 {strides = array<i32>} : memref<2032xi32, #tpu.memory_space<vmem>>, vector<16xi32>, vector<16xi1>
            tpu.vector_store %arg19[%swap3A_710], %and3A_554 masked %eq3A_556 {strides = array<i32>} : memref<2032xi32, #tpu.memory_space<vmem>>, vector<16xi32>, vector<16xi1>
            %convert_element_type3A_712 = arith.extui %eq3A_556 : vector<16xi1> to vector<16xi32>
            %reduce_sum3A = arith.constant true
            %reduce_sum3A_713 = vector.broadcast %reduce_sum3A : i1 to vector<16xi1>
            %reduce_sum3A_714 = tpu.scan <sum>, %convert_element_type3A_712 masked %reduce_sum3A_713 : vector<16xi32>, vector<16xi1> -> vector<16xi32>
            %reduce_sum3A_715 = vector.extract %reduce_sum3A_714[15] : i32 from vector<16xi32>
            %add3A_716 = arith.addi %get3A_693, %reduce_sum3A_715 : i32
            %swap3A_717 = arith.constant 0 : i32
            %swap3A_718 = arith.index_cast %swap3A_717 : i32 to index
            %swap3A_719 = memref.load %arg29[%swap3A_718] : memref<1xi32, #tpu.memory_space<smem>>
            memref.store %add3A_716, %arg29[%swap3A_718] : memref<1xi32, #tpu.memory_space<smem>>
          } else {
          }
          %reduce_or3A_635 = arith.constant 1.000000e+00 : f32
          %reduce_or3A_636 = arith.constant 0.000000e+00 : f32
          %reduce_or3A_637 = vector.broadcast %reduce_or3A_635 : f32 to vector<16xf32>
          %reduce_or3A_638 = vector.broadcast %reduce_or3A_636 : f32 to vector<16xf32>
          %reduce_or3A_639 = arith.select %eq3A_568, %reduce_or3A_637, %reduce_or3A_638 : vector<16xi1>, vector<16xf32>
          %reduce_or3A_640 = arith.constant true
          %reduce_or3A_641 = vector.broadcast %reduce_or3A_640 : i1 to vector<16xi1>
          %reduce_or3A_642 = tpu.scan <max>, %reduce_or3A_639 masked %reduce_or3A_641 : vector<16xf32>, vector<16xi1> -> vector<16xf32>
          %reduce_or3A_643 = vector.extract %reduce_or3A_642[15] : f32 from vector<16xf32>
          %reduce_or3A_644 = arith.constant 0.000000e+00 : f32
          %reduce_or3A_645 = arith.cmpf ogt, %reduce_or3A_643, %reduce_or3A_644 : f32
          %convert_element_type3A_646 = arith.extui %reduce_or3A_645 : i1 to i32
          %cond3A_647 = arith.constant 0 : i32
          %cond3A_648 = arith.cmpi ne, %convert_element_type3A_646, %cond3A_647 : i32
          scf.if %cond3A_648 {
            %get3A_691 = arith.constant 0 : i32
            %get3A_692 = arith.index_cast %get3A_691 : i32 to index
            %get3A_693 = memref.load %arg29[%get3A_692] : memref<1xi32, #tpu.memory_space<smem>>
            %add3A_694 = arith.constant 1 : i32
            %add3A_695 = arith.addi %mul3A_545, %add3A_694 : i32
            %mul3A_696 = arith.constant 16 : i32
            %mul3A_697 = arith.muli %add3A_695, %mul3A_696 : i32
            %get3A_698 = arith.index_cast %mul3A_697 : i32 to index
            %get3A_699 = tpu.vector_load %arg15[%get3A_698] {strides = array<i32>} : memref<2000xi32, #tpu.memory_space<vmem>>, vector<16xi32>,
            %add3A_700 = arith.constant 1 : i32
            %add3A_701 = arith.addi %mul3A_545, %add3A_700 : i32
            %mul3A_702 = arith.constant 16 : i32
            %mul3A_703 = arith.muli %add3A_701, %mul3A_702 : i32
            %get3A_704 = arith.index_cast %mul3A_703 : i32 to index
            %get3A_705 = tpu.vector_load %arg16[%get3A_704] {strides = array<i32>} : memref<2000xf32, #tpu.memory_space<vmem>>, vector<16xf32>,
            %swap3A_706 = arith.index_cast %get3A_693 : i32 to index
            %swap3A_707 = tpu.vector_load %arg17[%swap3A_706] masked %eq3A_568 {strides = array<i32>} : memref<2032xi32, #tpu.memory_space<vmem>>, vector<16xi32>, vector<16xi1>
            tpu.vector_store %arg17[%swap3A_706], %get3A_699 masked %eq3A_568 {strides = array<i32>} : memref<2032xi32, #tpu.memory_space<vmem>>, vector<16xi32>, vector<16xi1>
            %swap3A_708 = arith.index_cast %get3A_693 : i32 to index
            %swap3A_709 = tpu.vector_load %arg18[%swap3A_708] masked %eq3A_568 {strides = array<i32>} : memref<2032xf32, #tpu.memory_space<vmem>>, vector<16xf32>, vector<16xi1>
            tpu.vector_store %arg18[%swap3A_708], %get3A_705 masked %eq3A_568 {strides = array<i32>} : memref<2032xf32, #tpu.memory_space<vmem>>, vector<16xf32>, vector<16xi1>
            %swap3A_710 = arith.index_cast %get3A_693 : i32 to index
            %swap3A_711 = tpu.vector_load %arg19[%swap3A_710] masked %eq3A_568 {strides = array<i32>} : memref<2032xi32, #tpu.memory_space<vmem>>, vector<16xi32>, vector<16xi1>
            tpu.vector_store %arg19[%swap3A_710], %and3A_566 masked %eq3A_568 {strides = array<i32>} : memref<2032xi32, #tpu.memory_space<vmem>>, vector<16xi32>, vector<16xi1>
            %convert_element_type3A_712 = arith.extui %eq3A_568 : vector<16xi1> to vector<16xi32>
            %reduce_sum3A = arith.constant true
            %reduce_sum3A_713 = vector.broadcast %reduce_sum3A : i1 to vector<16xi1>
            %reduce_sum3A_714 = tpu.scan <sum>, %convert_element_type3A_712 masked %reduce_sum3A_713 : vector<16xi32>, vector<16xi1> -> vector<16xi32>
            %reduce_sum3A_715 = vector.extract %reduce_sum3A_714[15] : i32 from vector<16xi32>
            %add3A_716 = arith.addi %get3A_693, %reduce_sum3A_715 : i32
            %swap3A_717 = arith.constant 0 : i32
            %swap3A_718 = arith.index_cast %swap3A_717 : i32 to index
            %swap3A_719 = memref.load %arg29[%swap3A_718] : memref<1xi32, #tpu.memory_space<smem>>
            memref.store %add3A_716, %arg29[%swap3A_718] : memref<1xi32, #tpu.memory_space<smem>>
          } else {
          }
          %reduce_or3A_649 = arith.constant 1.000000e+00 : f32
          %reduce_or3A_650 = arith.constant 0.000000e+00 : f32
          %reduce_or3A_651 = vector.broadcast %reduce_or3A_649 : f32 to vector<16xf32>
          %reduce_or3A_652 = vector.broadcast %reduce_or3A_650 : f32 to vector<16xf32>
          %reduce_or3A_653 = arith.select %eq3A_580, %reduce_or3A_651, %reduce_or3A_652 : vector<16xi1>, vector<16xf32>
          %reduce_or3A_654 = arith.constant true
          %reduce_or3A_655 = vector.broadcast %reduce_or3A_654 : i1 to vector<16xi1>
          %reduce_or3A_656 = tpu.scan <max>, %reduce_or3A_653 masked %reduce_or3A_655 : vector<16xf32>, vector<16xi1> -> vector<16xf32>
          %reduce_or3A_657 = vector.extract %reduce_or3A_656[15] : f32 from vector<16xf32>
          %reduce_or3A_658 = arith.constant 0.000000e+00 : f32
          %reduce_or3A_659 = arith.cmpf ogt, %reduce_or3A_657, %reduce_or3A_658 : f32
          %convert_element_type3A_660 = arith.extui %reduce_or3A_659 : i1 to i32
          %cond3A_661 = arith.constant 0 : i32
          %cond3A_662 = arith.cmpi ne, %convert_element_type3A_660, %cond3A_661 : i32
          scf.if %cond3A_662 {
            %get3A_691 = arith.constant 0 : i32
            %get3A_692 = arith.index_cast %get3A_691 : i32 to index
            %get3A_693 = memref.load %arg29[%get3A_692] : memref<1xi32, #tpu.memory_space<smem>>
            %add3A_694 = arith.constant 2 : i32
            %add3A_695 = arith.addi %mul3A_545, %add3A_694 : i32
            %mul3A_696 = arith.constant 16 : i32
            %mul3A_697 = arith.muli %add3A_695, %mul3A_696 : i32
            %get3A_698 = arith.index_cast %mul3A_697 : i32 to index
            %get3A_699 = tpu.vector_load %arg15[%get3A_698] {strides = array<i32>} : memref<2000xi32, #tpu.memory_space<vmem>>, vector<16xi32>,
            %add3A_700 = arith.constant 2 : i32
            %add3A_701 = arith.addi %mul3A_545, %add3A_700 : i32
            %mul3A_702 = arith.constant 16 : i32
            %mul3A_703 = arith.muli %add3A_701, %mul3A_702 : i32
            %get3A_704 = arith.index_cast %mul3A_703 : i32 to index
            %get3A_705 = tpu.vector_load %arg16[%get3A_704] {strides = array<i32>} : memref<2000xf32, #tpu.memory_space<vmem>>, vector<16xf32>,
            %swap3A_706 = arith.index_cast %get3A_693 : i32 to index
            %swap3A_707 = tpu.vector_load %arg17[%swap3A_706] masked %eq3A_580 {strides = array<i32>} : memref<2032xi32, #tpu.memory_space<vmem>>, vector<16xi32>, vector<16xi1>
            tpu.vector_store %arg17[%swap3A_706], %get3A_699 masked %eq3A_580 {strides = array<i32>} : memref<2032xi32, #tpu.memory_space<vmem>>, vector<16xi32>, vector<16xi1>
            %swap3A_708 = arith.index_cast %get3A_693 : i32 to index
            %swap3A_709 = tpu.vector_load %arg18[%swap3A_708] masked %eq3A_580 {strides = array<i32>} : memref<2032xf32, #tpu.memory_space<vmem>>, vector<16xf32>, vector<16xi1>
            tpu.vector_store %arg18[%swap3A_708], %get3A_705 masked %eq3A_580 {strides = array<i32>} : memref<2032xf32, #tpu.memory_space<vmem>>, vector<16xf32>, vector<16xi1>
            %swap3A_710 = arith.index_cast %get3A_693 : i32 to index
            %swap3A_711 = tpu.vector_load %arg19[%swap3A_710] masked %eq3A_580 {strides = array<i32>} : memref<2032xi32, #tpu.memory_space<vmem>>, vector<16xi32>, vector<16xi1>
            tpu.vector_store %arg19[%swap3A_710], %and3A_578 masked %eq3A_580 {strides = array<i32>} : memref<2032xi32, #tpu.memory_space<vmem>>, vector<16xi32>, vector<16xi1>
            %convert_element_type3A_712 = arith.extui %eq3A_580 : vector<16xi1> to vector<16xi32>
            %reduce_sum3A = arith.constant true
            %reduce_sum3A_713 = vector.broadcast %reduce_sum3A : i1 to vector<16xi1>
            %reduce_sum3A_714 = tpu.scan <sum>, %convert_element_type3A_712 masked %reduce_sum3A_713 : vector<16xi32>, vector<16xi1> -> vector<16xi32>
            %reduce_sum3A_715 = vector.extract %reduce_sum3A_714[15] : i32 from vector<16xi32>
            %add3A_716 = arith.addi %get3A_693, %reduce_sum3A_715 : i32
            %swap3A_717 = arith.constant 0 : i32
            %swap3A_718 = arith.index_cast %swap3A_717 : i32 to index
            %swap3A_719 = memref.load %arg29[%swap3A_718] : memref<1xi32, #tpu.memory_space<smem>>
            memref.store %add3A_716, %arg29[%swap3A_718] : memref<1xi32, #tpu.memory_space<smem>>
          } else {
          }
          %reduce_or3A_663 = arith.constant 1.000000e+00 : f32
          %reduce_or3A_664 = arith.constant 0.000000e+00 : f32
          %reduce_or3A_665 = vector.broadcast %reduce_or3A_663 : f32 to vector<16xf32>
          %reduce_or3A_666 = vector.broadcast %reduce_or3A_664 : f32 to vector<16xf32>
          %reduce_or3A_667 = arith.select %eq3A_592, %reduce_or3A_665, %reduce_or3A_666 : vector<16xi1>, vector<16xf32>
          %reduce_or3A_668 = arith.constant true
          %reduce_or3A_669 = vector.broadcast %reduce_or3A_668 : i1 to vector<16xi1>
          %reduce_or3A_670 = tpu.scan <max>, %reduce_or3A_667 masked %reduce_or3A_669 : vector<16xf32>, vector<16xi1> -> vector<16xf32>
          %reduce_or3A_671 = vector.extract %reduce_or3A_670[15] : f32 from vector<16xf32>
          %reduce_or3A_672 = arith.constant 0.000000e+00 : f32
          %reduce_or3A_673 = arith.cmpf ogt, %reduce_or3A_671, %reduce_or3A_672 : f32
          %convert_element_type3A_674 = arith.extui %reduce_or3A_673 : i1 to i32
          %cond3A_675 = arith.constant 0 : i32
          %cond3A_676 = arith.cmpi ne, %convert_element_type3A_674, %cond3A_675 : i32
          scf.if %cond3A_676 {
            %get3A_691 = arith.constant 0 : i32
            %get3A_692 = arith.index_cast %get3A_691 : i32 to index
            %get3A_693 = memref.load %arg29[%get3A_692] : memref<1xi32, #tpu.memory_space<smem>>
            %add3A_694 = arith.constant 3 : i32
            %add3A_695 = arith.addi %mul3A_545, %add3A_694 : i32
            %mul3A_696 = arith.constant 16 : i32
            %mul3A_697 = arith.muli %add3A_695, %mul3A_696 : i32
            %get3A_698 = arith.index_cast %mul3A_697 : i32 to index
            %get3A_699 = tpu.vector_load %arg15[%get3A_698] {strides = array<i32>} : memref<2000xi32, #tpu.memory_space<vmem>>, vector<16xi32>,
            %add3A_700 = arith.constant 3 : i32
            %add3A_701 = arith.addi %mul3A_545, %add3A_700 : i32
            %mul3A_702 = arith.constant 16 : i32
            %mul3A_703 = arith.muli %add3A_701, %mul3A_702 : i32
            %get3A_704 = arith.index_cast %mul3A_703 : i32 to index
            %get3A_705 = tpu.vector_load %arg16[%get3A_704] {strides = array<i32>} : memref<2000xf32, #tpu.memory_space<vmem>>, vector<16xf32>,
            %swap3A_706 = arith.index_cast %get3A_693 : i32 to index
            %swap3A_707 = tpu.vector_load %arg17[%swap3A_706] masked %eq3A_592 {strides = array<i32>} : memref<2032xi32, #tpu.memory_space<vmem>>, vector<16xi32>, vector<16xi1>
            tpu.vector_store %arg17[%swap3A_706], %get3A_699 masked %eq3A_592 {strides = array<i32>} : memref<2032xi32, #tpu.memory_space<vmem>>, vector<16xi32>, vector<16xi1>
            %swap3A_708 = arith.index_cast %get3A_693 : i32 to index
            %swap3A_709 = tpu.vector_load %arg18[%swap3A_708] masked %eq3A_592 {strides = array<i32>} : memref<2032xf32, #tpu.memory_space<vmem>>, vector<16xf32>, vector<16xi1>
            tpu.vector_store %arg18[%swap3A_708], %get3A_705 masked %eq3A_592 {strides = array<i32>} : memref<2032xf32, #tpu.memory_space<vmem>>, vector<16xf32>, vector<16xi1>
            %swap3A_710 = arith.index_cast %get3A_693 : i32 to index
            %swap3A_711 = tpu.vector_load %arg19[%swap3A_710] masked %eq3A_592 {strides = array<i32>} : memref<2032xi32, #tpu.memory_space<vmem>>, vector<16xi32>, vector<16xi1>
            tpu.vector_store %arg19[%swap3A_710], %and3A_590 masked %eq3A_592 {strides = array<i32>} : memref<2032xi32, #tpu.memory_space<vmem>>, vector<16xi32>, vector<16xi1>
            %convert_element_type3A_712 = arith.extui %eq3A_592 : vector<16xi1> to vector<16xi32>
            %reduce_sum3A = arith.constant true
            %reduce_sum3A_713 = vector.broadcast %reduce_sum3A : i1 to vector<16xi1>
            %reduce_sum3A_714 = tpu.scan <sum>, %convert_element_type3A_712 masked %reduce_sum3A_713 : vector<16xi32>, vector<16xi1> -> vector<16xi32>
            %reduce_sum3A_715 = vector.extract %reduce_sum3A_714[15] : i32 from vector<16xi32>
            %add3A_716 = arith.addi %get3A_693, %reduce_sum3A_715 : i32
            %swap3A_717 = arith.constant 0 : i32
            %swap3A_718 = arith.index_cast %swap3A_717 : i32 to index
            %swap3A_719 = memref.load %arg29[%swap3A_718] : memref<1xi32, #tpu.memory_space<smem>>
            memref.store %add3A_716, %arg29[%swap3A_718] : memref<1xi32, #tpu.memory_space<smem>>
          } else {
          }
          %reduce_or3A_677 = arith.constant 1.000000e+00 : f32
          %reduce_or3A_678 = arith.constant 0.000000e+00 : f32
          %reduce_or3A_679 = vector.broadcast %reduce_or3A_677 : f32 to vector<16xf32>
          %reduce_or3A_680 = vector.broadcast %reduce_or3A_678 : f32 to vector<16xf32>
          %reduce_or3A_681 = arith.select %eq3A_604, %reduce_or3A_679, %reduce_or3A_680 : vector<16xi1>, vector<16xf32>
          %reduce_or3A_682 = arith.constant true
          %reduce_or3A_683 = vector.broadcast %reduce_or3A_682 : i1 to vector<16xi1>
          %reduce_or3A_684 = tpu.scan <max>, %reduce_or3A_681 masked %reduce_or3A_683 : vector<16xf32>, vector<16xi1> -> vector<16xf32>
          %reduce_or3A_685 = vector.extract %reduce_or3A_684[15] : f32 from vector<16xf32>
          %reduce_or3A_686 = arith.constant 0.000000e+00 : f32
          %reduce_or3A_687 = arith.cmpf ogt, %reduce_or3A_685, %reduce_or3A_686 : f32
          %convert_element_type3A_688 = arith.extui %reduce_or3A_687 : i1 to i32
          %cond3A_689 = arith.constant 0 : i32
          %cond3A_690 = arith.cmpi ne, %convert_element_type3A_688, %cond3A_689 : i32
          scf.if %cond3A_690 {
            %get3A_691 = arith.constant 0 : i32
            %get3A_692 = arith.index_cast %get3A_691 : i32 to index
            %get3A_693 = memref.load %arg29[%get3A_692] : memref<1xi32, #tpu.memory_space<smem>>
            %add3A_694 = arith.constant 4 : i32
            %add3A_695 = arith.addi %mul3A_545, %add3A_694 : i32
            %mul3A_696 = arith.constant 16 : i32
            %mul3A_697 = arith.muli %add3A_695, %mul3A_696 : i32
            %get3A_698 = arith.index_cast %mul3A_697 : i32 to index
            %get3A_699 = tpu.vector_load %arg15[%get3A_698] {strides = array<i32>} : memref<2000xi32, #tpu.memory_space<vmem>>, vector<16xi32>,
            %add3A_700 = arith.constant 4 : i32
            %add3A_701 = arith.addi %mul3A_545, %add3A_700 : i32
            %mul3A_702 = arith.constant 16 : i32
            %mul3A_703 = arith.muli %add3A_701, %mul3A_702 : i32
            %get3A_704 = arith.index_cast %mul3A_703 : i32 to index
            %get3A_705 = tpu.vector_load %arg16[%get3A_704] {strides = array<i32>} : memref<2000xf32, #tpu.memory_space<vmem>>, vector<16xf32>,
            %swap3A_706 = arith.index_cast %get3A_693 : i32 to index
            %swap3A_707 = tpu.vector_load %arg17[%swap3A_706] masked %eq3A_604 {strides = array<i32>} : memref<2032xi32, #tpu.memory_space<vmem>>, vector<16xi32>, vector<16xi1>
            tpu.vector_store %arg17[%swap3A_706], %get3A_699 masked %eq3A_604 {strides = array<i32>} : memref<2032xi32, #tpu.memory_space<vmem>>, vector<16xi32>, vector<16xi1>
            %swap3A_708 = arith.index_cast %get3A_693 : i32 to index
            %swap3A_709 = tpu.vector_load %arg18[%swap3A_708] masked %eq3A_604 {strides = array<i32>} : memref<2032xf32, #tpu.memory_space<vmem>>, vector<16xf32>, vector<16xi1>
            tpu.vector_store %arg18[%swap3A_708], %get3A_705 masked %eq3A_604 {strides = array<i32>} : memref<2032xf32, #tpu.memory_space<vmem>>, vector<16xf32>, vector<16xi1>
            %swap3A_710 = arith.index_cast %get3A_693 : i32 to index
            %swap3A_711 = tpu.vector_load %arg19[%swap3A_710] masked %eq3A_604 {strides = array<i32>} : memref<2032xi32, #tpu.memory_space<vmem>>, vector<16xi32>, vector<16xi1>
            tpu.vector_store %arg19[%swap3A_710], %and3A_602 masked %eq3A_604 {strides = array<i32>} : memref<2032xi32, #tpu.memory_space<vmem>>, vector<16xi32>, vector<16xi1>
            %convert_element_type3A_712 = arith.extui %eq3A_604 : vector<16xi1> to vector<16xi32>
            %reduce_sum3A = arith.constant true
            %reduce_sum3A_713 = vector.broadcast %reduce_sum3A : i1 to vector<16xi1>
            %reduce_sum3A_714 = tpu.scan <sum>, %convert_element_type3A_712 masked %reduce_sum3A_713 : vector<16xi32>, vector<16xi1> -> vector<16xi32>
            %reduce_sum3A_715 = vector.extract %reduce_sum3A_714[15] : i32 from vector<16xi32>
            %add3A_716 = arith.addi %get3A_693, %reduce_sum3A_715 : i32
            %swap3A_717 = arith.constant 0 : i32
            %swap3A_718 = arith.index_cast %swap3A_717 : i32 to index
            %swap3A_719 = memref.load %arg29[%swap3A_718] : memref<1xi32, #tpu.memory_space<smem>>
            memref.store %add3A_716, %arg29[%swap3A_718] : memref<1xi32, #tpu.memory_space<smem>>
          } else {
          }
        } else {
        }
      }
      %scan3A_510 = arith.constant 25 : i32
      %get3A_511 = arith.constant 0 : i32
      %get3A_512 = arith.index_cast %get3A_511 : i32 to index
      %get3A_513 = memref.load %arg29[%get3A_512] : memref<1xi32, #tpu.memory_space<smem>>
      %jit3A_514 = arith.constant 16 : i32
      %div3A_515 = arith.divsi %get3A_513, %jit3A_514 : i32
      %sign3A_516 = arith.constant 0 : i32
      %sign3A_517 = arith.cmpi sgt, %get3A_513, %sign3A_516 : i32
      %sign3A_518 = arith.extui %sign3A_517 : i1 to i32
      %sign3A_519 = arith.constant 0 : i32
      %sign3A_520 = arith.cmpi slt, %get3A_513, %sign3A_519 : i32
      %sign3A_521 = arith.extui %sign3A_520 : i1 to i32
      %sign3A_522 = arith.subi %sign3A_518, %sign3A_521 : i32
      %sign3A_523 = arith.constant 0 : i32
      %sign3A_524 = arith.cmpi sgt, %jit3A_514, %sign3A_523 : i32
      %sign3A_525 = arith.extui %sign3A_524 : i1 to i32
      %sign3A_526 = arith.constant 0 : i32
      %sign3A_527 = arith.cmpi slt, %jit3A_514, %sign3A_526 : i32
      %sign3A_528 = arith.extui %sign3A_527 : i1 to i32
      %sign3A_529 = arith.subi %sign3A_525, %sign3A_528 : i32
      %ne3A_530 = arith.cmpi ne, %sign3A_522, %sign3A_529 : i32
      %rem3A_531 = arith.remsi %get3A_513, %jit3A_514 : i32
      %ne3A_532 = arith.constant 0 : i32
      %ne3A_533 = arith.cmpi ne, %rem3A_531, %ne3A_532 : i32
      %and3A_534 = arith.andi %ne3A_530, %ne3A_533 : i1
      %sub3A_535 = arith.constant 1 : i32
      %sub3A_536 = arith.subi %div3A_515, %sub3A_535 : i32
      %select_n3A_537 = arith.select %and3A_534, %sub3A_536, %div3A_515 : i32
      %gt3A_538 = arith.constant 0 : i32
      %gt3A_539 = arith.cmpi sgt, %select_n3A_537, %gt3A_538 : i32
      %convert_element_type3A_540 = arith.extui %gt3A_539 : i1 to i32
      %cond3A_541 = arith.constant 0 : i32
      %cond3A_542 = arith.cmpi ne, %convert_element_type3A_540, %cond3A_541 : i32
      scf.if %cond3A_542 {
        %while3A_543 = arith.constant 0 : i32
        %while3A_544 = arith.subi %select_n3A_537, %while3A_543 : i32
        %while3A_545 = arith.addi %while3A_543, %while3A_544 : i32
        %while3A_546 = arith.constant 1 : i32
        %while3A_547 = arith.divsi %while3A_544, %while3A_546 : i32
        %while3A_548 = arith.muli %while3A_547, %while3A_546 : i32
        %while3A_549 = arith.addi %while3A_543, %while3A_548 : i32
        %while3A_550 = arith.constant 1 : i32
        scf.for %while3A_576 = %while3A_543 to %while3A_549 step %while3A_550  : i32 {
          %mul3A_577 = arith.constant 16 : i32
          %mul3A_578 = arith.muli %while3A_576, %mul3A_577 : i32
          %get3A_579 = arith.index_cast %mul3A_578 : i32 to index
          %get3A_580 = tpu.vector_load %arg17[%get3A_579] {strides = array<i32>} : memref<2032xi32, #tpu.memory_space<vmem>>, vector<16xi32>,
          %swap3A_581 = arith.constant 0 : index
          %swap3A_582 = tpu.vector_load %arg23[%swap3A_581] {strides = array<i32>} : memref<16xi32, #tpu.memory_space<vmem>>, vector<16xi32>,
          tpu.vector_store %arg23[%swap3A_581], %get3A_580 {strides = array<i32>} : memref<16xi32, #tpu.memory_space<vmem>>, vector<16xi32>,
          %get3A_583 = arith.index_cast %mul3A_578 : i32 to index
          %get3A_584 = tpu.vector_load %arg18[%get3A_583] {strides = array<i32>} : memref<2032xf32, #tpu.memory_space<vmem>>, vector<16xf32>,
          %get3A_585 = arith.index_cast %mul3A_578 : i32 to index
          %get3A_586 = tpu.vector_load %arg19[%get3A_585] {strides = array<i32>} : memref<2032xi32, #tpu.memory_space<vmem>>, vector<16xi32>,
          %swap3A_587 = arith.constant 0 : index
          %swap3A_588 = tpu.vector_load %arg24[%swap3A_587] {strides = array<i32>} : memref<16xf32, #tpu.memory_space<vmem>>, vector<16xf32>,
          tpu.vector_store %arg24[%swap3A_587], %get3A_584 {strides = array<i32>} : memref<16xf32, #tpu.memory_space<vmem>>, vector<16xf32>,
          %swap3A_589 = arith.constant 0 : index
          %swap3A_590 = tpu.vector_load %arg25[%swap3A_589] {strides = array<i32>} : memref<16xi32, #tpu.memory_space<vmem>>, vector<16xi32>,
          tpu.vector_store %arg25[%swap3A_589], %get3A_586 {strides = array<i32>} : memref<16xi32, #tpu.memory_space<vmem>>, vector<16xi32>,
          %dma_start3A_591 = arith.constant 0 : i32
          %dma_start3A_592 = arith.constant 0 : i32
          %dma_start3A_593 = tpu.memref_slice %arg4[%dma_start3A_591, %dma_start3A_592] : memref<100000x8xf32, #tpu.memory_space<hbm>> -> memref<100000x8xf32, #tpu.memory_space<hbm>>
          tpu.enqueue_indirect_dma source(%dma_start3A_593 : memref<100000x8xf32, #tpu.memory_space<hbm>>) target(%arg26 : memref<16x8xf32, #tpu.memory_space<vmem>>) offsets(%arg23 : memref<16xi32, #tpu.memory_space<vmem>>) semaphore(%arg32 : memref<!tpu.dma_semaphore, #tpu.memory_space<semaphore_mem>>)
          %dma_wait3A_594 = arith.constant 0 : i32
          %dma_wait3A_595 = arith.constant 0 : i32
          %dma_wait3A_596 = tpu.memref_slice %arg4[%dma_wait3A_594, %dma_wait3A_595] : memref<100000x8xf32, #tpu.memory_space<hbm>> -> memref<100000x8xf32, #tpu.memory_space<hbm>>
          tpu.wait_indirect_dma semaphore(%arg32 : memref<!tpu.dma_semaphore, #tpu.memory_space<semaphore_mem>>) src(%dma_wait3A_596 : memref<100000x8xf32, #tpu.memory_space<hbm>>) dst(%arg26 : memref<16x8xf32, #tpu.memory_space<vmem>>)
          %add3A_597 = arith.constant 0 : i32
          %add3A_598 = vector.broadcast %add3A_597 : i32 to vector<16xi32>
          %add3A_599 = arith.addi %shift_right_arithmetic3A_4, %add3A_598 : vector<16xi32>
          %gather3A = tpu.vector_load_idx %arg24[%add3A_599] : memref<16xf32, #tpu.memory_space<vmem>>[vector<16xi32>], vector<16xf32>,
          %gather3A_600 = tpu.vector_load_idx %arg25[%add3A_599] : memref<16xi32, #tpu.memory_space<vmem>>[vector<16xi32>], vector<16xi32>,
          %gather3A_601 = tpu.vector_load_idx %arg26[%add3A_599, %and3A_2] : memref<16x8xf32, #tpu.memory_space<vmem>>[vector<16xi32>, vector<16xi32>], vector<16xf32>,
          %mul3A_602 = arith.mulf %gather3A_601, %gather3A : vector<16xf32>
          tpu.vector_store_idx %arg20[%gather3A_600, %and3A_2], %mul3A_602 masked %lt3A_6 {add = true} : memref<66x8xf32, #tpu.memory_space<vmem>>[vector<16xi32>, vector<16xi32>], vector<16xf32>, vector<16xi1>
          tpu.vector_store_idx %arg20[%gather3A_600, %and3A_2], %mul3A_602 masked %ge3A_8 {add = true} : memref<66x8xf32, #tpu.memory_space<vmem>>[vector<16xi32>, vector<16xi32>], vector<16xf32>, vector<16xi1>
          %add3A_603 = arith.constant 2 : i32
          %add3A_604 = vector.broadcast %add3A_603 : i32 to vector<16xi32>
          %add3A_605 = arith.addi %shift_right_arithmetic3A_4, %add3A_604 : vector<16xi32>
          %gather3A_606 = tpu.vector_load_idx %arg24[%add3A_605] : memref<16xf32, #tpu.memory_space<vmem>>[vector<16xi32>], vector<16xf32>,
          %gather3A_607 = tpu.vector_load_idx %arg25[%add3A_605] : memref<16xi32, #tpu.memory_space<vmem>>[vector<16xi32>], vector<16xi32>,
          %gather3A_608 = tpu.vector_load_idx %arg26[%add3A_605, %and3A_2] : memref<16x8xf32, #tpu.memory_space<vmem>>[vector<16xi32>, vector<16xi32>], vector<16xf32>,
          %mul3A_609 = arith.mulf %gather3A_608, %gather3A_606 : vector<16xf32>
          tpu.vector_store_idx %arg20[%gather3A_607, %and3A_2], %mul3A_609 masked %lt3A_6 {add = true} : memref<66x8xf32, #tpu.memory_space<vmem>>[vector<16xi32>, vector<16xi32>], vector<16xf32>, vector<16xi1>
          tpu.vector_store_idx %arg20[%gather3A_607, %and3A_2], %mul3A_609 masked %ge3A_8 {add = true} : memref<66x8xf32, #tpu.memory_space<vmem>>[vector<16xi32>, vector<16xi32>], vector<16xf32>, vector<16xi1>
          %add3A_610 = arith.constant 4 : i32
          %add3A_611 = vector.broadcast %add3A_610 : i32 to vector<16xi32>
          %add3A_612 = arith.addi %shift_right_arithmetic3A_4, %add3A_611 : vector<16xi32>
          %gather3A_613 = tpu.vector_load_idx %arg24[%add3A_612] : memref<16xf32, #tpu.memory_space<vmem>>[vector<16xi32>], vector<16xf32>,
          %gather3A_614 = tpu.vector_load_idx %arg25[%add3A_612] : memref<16xi32, #tpu.memory_space<vmem>>[vector<16xi32>], vector<16xi32>,
          %gather3A_615 = tpu.vector_load_idx %arg26[%add3A_612, %and3A_2] : memref<16x8xf32, #tpu.memory_space<vmem>>[vector<16xi32>, vector<16xi32>], vector<16xf32>,
          %mul3A_616 = arith.mulf %gather3A_615, %gather3A_613 : vector<16xf32>
          tpu.vector_store_idx %arg20[%gather3A_614, %and3A_2], %mul3A_616 masked %lt3A_6 {add = true} : memref<66x8xf32, #tpu.memory_space<vmem>>[vector<16xi32>, vector<16xi32>], vector<16xf32>, vector<16xi1>
          tpu.vector_store_idx %arg20[%gather3A_614, %and3A_2], %mul3A_616 masked %ge3A_8 {add = true} : memref<66x8xf32, #tpu.memory_space<vmem>>[vector<16xi32>, vector<16xi32>], vector<16xf32>, vector<16xi1>
          %add3A_617 = arith.constant 6 : i32
          %add3A_618 = vector.broadcast %add3A_617 : i32 to vector<16xi32>
          %add3A_619 = arith.addi %shift_right_arithmetic3A_4, %add3A_618 : vector<16xi32>
          %gather3A_620 = tpu.vector_load_idx %arg24[%add3A_619] : memref<16xf32, #tpu.memory_space<vmem>>[vector<16xi32>], vector<16xf32>,
          %gather3A_621 = tpu.vector_load_idx %arg25[%add3A_619] : memref<16xi32, #tpu.memory_space<vmem>>[vector<16xi32>], vector<16xi32>,
          %gather3A_622 = tpu.vector_load_idx %arg26[%add3A_619, %and3A_2] : memref<16x8xf32, #tpu.memory_space<vmem>>[vector<16xi32>, vector<16xi32>], vector<16xf32>,
          %mul3A_623 = arith.mulf %gather3A_622, %gather3A_620 : vector<16xf32>
          tpu.vector_store_idx %arg20[%gather3A_621, %and3A_2], %mul3A_623 masked %lt3A_6 {add = true} : memref<66x8xf32, #tpu.memory_space<vmem>>[vector<16xi32>, vector<16xi32>], vector<16xf32>, vector<16xi1>
          tpu.vector_store_idx %arg20[%gather3A_621, %and3A_2], %mul3A_623 masked %ge3A_8 {add = true} : memref<66x8xf32, #tpu.memory_space<vmem>>[vector<16xi32>, vector<16xi32>], vector<16xf32>, vector<16xi1>
          %add3A_624 = arith.constant 8 : i32
          %add3A_625 = vector.broadcast %add3A_624 : i32 to vector<16xi32>
          %add3A_626 = arith.addi %shift_right_arithmetic3A_4, %add3A_625 : vector<16xi32>
          %gather3A_627 = tpu.vector_load_idx %arg24[%add3A_626] : memref<16xf32, #tpu.memory_space<vmem>>[vector<16xi32>], vector<16xf32>,
          %gather3A_628 = tpu.vector_load_idx %arg25[%add3A_626] : memref<16xi32, #tpu.memory_space<vmem>>[vector<16xi32>], vector<16xi32>,
          %gather3A_629 = tpu.vector_load_idx %arg26[%add3A_626, %and3A_2] : memref<16x8xf32, #tpu.memory_space<vmem>>[vector<16xi32>, vector<16xi32>], vector<16xf32>,
          %mul3A_630 = arith.mulf %gather3A_629, %gather3A_627 : vector<16xf32>
          tpu.vector_store_idx %arg20[%gather3A_628, %and3A_2], %mul3A_630 masked %lt3A_6 {add = true} : memref<66x8xf32, #tpu.memory_space<vmem>>[vector<16xi32>, vector<16xi32>], vector<16xf32>, vector<16xi1>
          tpu.vector_store_idx %arg20[%gather3A_628, %and3A_2], %mul3A_630 masked %ge3A_8 {add = true} : memref<66x8xf32, #tpu.memory_space<vmem>>[vector<16xi32>, vector<16xi32>], vector<16xf32>, vector<16xi1>
          %add3A_631 = arith.constant 10 : i32
          %add3A_632 = vector.broadcast %add3A_631 : i32 to vector<16xi32>
          %add3A_633 = arith.addi %shift_right_arithmetic3A_4, %add3A_632 : vector<16xi32>
          %gather3A_634 = tpu.vector_load_idx %arg24[%add3A_633] : memref<16xf32, #tpu.memory_space<vmem>>[vector<16xi32>], vector<16xf32>,
          %gather3A_635 = tpu.vector_load_idx %arg25[%add3A_633] : memref<16xi32, #tpu.memory_space<vmem>>[vector<16xi32>], vector<16xi32>,
          %gather3A_636 = tpu.vector_load_idx %arg26[%add3A_633, %and3A_2] : memref<16x8xf32, #tpu.memory_space<vmem>>[vector<16xi32>, vector<16xi32>], vector<16xf32>,
          %mul3A_637 = arith.mulf %gather3A_636, %gather3A_634 : vector<16xf32>
          tpu.vector_store_idx %arg20[%gather3A_635, %and3A_2], %mul3A_637 masked %lt3A_6 {add = true} : memref<66x8xf32, #tpu.memory_space<vmem>>[vector<16xi32>, vector<16xi32>], vector<16xf32>, vector<16xi1>
          tpu.vector_store_idx %arg20[%gather3A_635, %and3A_2], %mul3A_637 masked %ge3A_8 {add = true} : memref<66x8xf32, #tpu.memory_space<vmem>>[vector<16xi32>, vector<16xi32>], vector<16xf32>, vector<16xi1>
          %add3A_638 = arith.constant 12 : i32
          %add3A_639 = vector.broadcast %add3A_638 : i32 to vector<16xi32>
          %add3A_640 = arith.addi %shift_right_arithmetic3A_4, %add3A_639 : vector<16xi32>
          %gather3A_641 = tpu.vector_load_idx %arg24[%add3A_640] : memref<16xf32, #tpu.memory_space<vmem>>[vector<16xi32>], vector<16xf32>,
          %gather3A_642 = tpu.vector_load_idx %arg25[%add3A_640] : memref<16xi32, #tpu.memory_space<vmem>>[vector<16xi32>], vector<16xi32>,
          %gather3A_643 = tpu.vector_load_idx %arg26[%add3A_640, %and3A_2] : memref<16x8xf32, #tpu.memory_space<vmem>>[vector<16xi32>, vector<16xi32>], vector<16xf32>,
          %mul3A_644 = arith.mulf %gather3A_643, %gather3A_641 : vector<16xf32>
          tpu.vector_store_idx %arg20[%gather3A_642, %and3A_2], %mul3A_644 masked %lt3A_6 {add = true} : memref<66x8xf32, #tpu.memory_space<vmem>>[vector<16xi32>, vector<16xi32>], vector<16xf32>, vector<16xi1>
          tpu.vector_store_idx %arg20[%gather3A_642, %and3A_2], %mul3A_644 masked %ge3A_8 {add = true} : memref<66x8xf32, #tpu.memory_space<vmem>>[vector<16xi32>, vector<16xi32>], vector<16xf32>, vector<16xi1>
          %add3A_645 = arith.constant 14 : i32
          %add3A_646 = vector.broadcast %add3A_645 : i32 to vector<16xi32>
          %add3A_647 = arith.addi %shift_right_arithmetic3A_4, %add3A_646 : vector<16xi32>
          %gather3A_648 = tpu.vector_load_idx %arg24[%add3A_647] : memref<16xf32, #tpu.memory_space<vmem>>[vector<16xi32>], vector<16xf32>,
          %gather3A_649 = tpu.vector_load_idx %arg25[%add3A_647] : memref<16xi32, #tpu.memory_space<vmem>>[vector<16xi32>], vector<16xi32>,
          %gather3A_650 = tpu.vector_load_idx %arg26[%add3A_647, %and3A_2] : memref<16x8xf32, #tpu.memory_space<vmem>>[vector<16xi32>, vector<16xi32>], vector<16xf32>,
          %mul3A_651 = arith.mulf %gather3A_650, %gather3A_648 : vector<16xf32>
          tpu.vector_store_idx %arg20[%gather3A_649, %and3A_2], %mul3A_651 masked %lt3A_6 {add = true} : memref<66x8xf32, #tpu.memory_space<vmem>>[vector<16xi32>, vector<16xi32>], vector<16xf32>, vector<16xi1>
          tpu.vector_store_idx %arg20[%gather3A_649, %and3A_2], %mul3A_651 masked %ge3A_8 {add = true} : memref<66x8xf32, #tpu.memory_space<vmem>>[vector<16xi32>, vector<16xi32>], vector<16xf32>, vector<16xi1>
        }
        %while3A_551 = arith.constant 1 : i32
        scf.for %while3A_576 = %while3A_549 to %while3A_545 step %while3A_551  : i32 {
          %mul3A_577 = arith.constant 16 : i32
          %mul3A_578 = arith.muli %while3A_576, %mul3A_577 : i32
          %get3A_579 = arith.index_cast %mul3A_578 : i32 to index
          %get3A_580 = tpu.vector_load %arg17[%get3A_579] {strides = array<i32>} : memref<2032xi32, #tpu.memory_space<vmem>>, vector<16xi32>,
          %swap3A_581 = arith.constant 0 : index
          %swap3A_582 = tpu.vector_load %arg23[%swap3A_581] {strides = array<i32>} : memref<16xi32, #tpu.memory_space<vmem>>, vector<16xi32>,
          tpu.vector_store %arg23[%swap3A_581], %get3A_580 {strides = array<i32>} : memref<16xi32, #tpu.memory_space<vmem>>, vector<16xi32>,
          %get3A_583 = arith.index_cast %mul3A_578 : i32 to index
          %get3A_584 = tpu.vector_load %arg18[%get3A_583] {strides = array<i32>} : memref<2032xf32, #tpu.memory_space<vmem>>, vector<16xf32>,
          %get3A_585 = arith.index_cast %mul3A_578 : i32 to index
          %get3A_586 = tpu.vector_load %arg19[%get3A_585] {strides = array<i32>} : memref<2032xi32, #tpu.memory_space<vmem>>, vector<16xi32>,
          %swap3A_587 = arith.constant 0 : index
          %swap3A_588 = tpu.vector_load %arg24[%swap3A_587] {strides = array<i32>} : memref<16xf32, #tpu.memory_space<vmem>>, vector<16xf32>,
          tpu.vector_store %arg24[%swap3A_587], %get3A_584 {strides = array<i32>} : memref<16xf32, #tpu.memory_space<vmem>>, vector<16xf32>,
          %swap3A_589 = arith.constant 0 : index
          %swap3A_590 = tpu.vector_load %arg25[%swap3A_589] {strides = array<i32>} : memref<16xi32, #tpu.memory_space<vmem>>, vector<16xi32>,
          tpu.vector_store %arg25[%swap3A_589], %get3A_586 {strides = array<i32>} : memref<16xi32, #tpu.memory_space<vmem>>, vector<16xi32>,
          %dma_start3A_591 = arith.constant 0 : i32
          %dma_start3A_592 = arith.constant 0 : i32
          %dma_start3A_593 = tpu.memref_slice %arg4[%dma_start3A_591, %dma_start3A_592] : memref<100000x8xf32, #tpu.memory_space<hbm>> -> memref<100000x8xf32, #tpu.memory_space<hbm>>
          tpu.enqueue_indirect_dma source(%dma_start3A_593 : memref<100000x8xf32, #tpu.memory_space<hbm>>) target(%arg26 : memref<16x8xf32, #tpu.memory_space<vmem>>) offsets(%arg23 : memref<16xi32, #tpu.memory_space<vmem>>) semaphore(%arg32 : memref<!tpu.dma_semaphore, #tpu.memory_space<semaphore_mem>>)
          %dma_wait3A_594 = arith.constant 0 : i32
          %dma_wait3A_595 = arith.constant 0 : i32
          %dma_wait3A_596 = tpu.memref_slice %arg4[%dma_wait3A_594, %dma_wait3A_595] : memref<100000x8xf32, #tpu.memory_space<hbm>> -> memref<100000x8xf32, #tpu.memory_space<hbm>>
          tpu.wait_indirect_dma semaphore(%arg32 : memref<!tpu.dma_semaphore, #tpu.memory_space<semaphore_mem>>) src(%dma_wait3A_596 : memref<100000x8xf32, #tpu.memory_space<hbm>>) dst(%arg26 : memref<16x8xf32, #tpu.memory_space<vmem>>)
          %add3A_597 = arith.constant 0 : i32
          %add3A_598 = vector.broadcast %add3A_597 : i32 to vector<16xi32>
          %add3A_599 = arith.addi %shift_right_arithmetic3A_4, %add3A_598 : vector<16xi32>
          %gather3A = tpu.vector_load_idx %arg24[%add3A_599] : memref<16xf32, #tpu.memory_space<vmem>>[vector<16xi32>], vector<16xf32>,
          %gather3A_600 = tpu.vector_load_idx %arg25[%add3A_599] : memref<16xi32, #tpu.memory_space<vmem>>[vector<16xi32>], vector<16xi32>,
          %gather3A_601 = tpu.vector_load_idx %arg26[%add3A_599, %and3A_2] : memref<16x8xf32, #tpu.memory_space<vmem>>[vector<16xi32>, vector<16xi32>], vector<16xf32>,
          %mul3A_602 = arith.mulf %gather3A_601, %gather3A : vector<16xf32>
          tpu.vector_store_idx %arg20[%gather3A_600, %and3A_2], %mul3A_602 masked %lt3A_6 {add = true} : memref<66x8xf32, #tpu.memory_space<vmem>>[vector<16xi32>, vector<16xi32>], vector<16xf32>, vector<16xi1>
          tpu.vector_store_idx %arg20[%gather3A_600, %and3A_2], %mul3A_602 masked %ge3A_8 {add = true} : memref<66x8xf32, #tpu.memory_space<vmem>>[vector<16xi32>, vector<16xi32>], vector<16xf32>, vector<16xi1>
          %add3A_603 = arith.constant 2 : i32
          %add3A_604 = vector.broadcast %add3A_603 : i32 to vector<16xi32>
          %add3A_605 = arith.addi %shift_right_arithmetic3A_4, %add3A_604 : vector<16xi32>
          %gather3A_606 = tpu.vector_load_idx %arg24[%add3A_605] : memref<16xf32, #tpu.memory_space<vmem>>[vector<16xi32>], vector<16xf32>,
          %gather3A_607 = tpu.vector_load_idx %arg25[%add3A_605] : memref<16xi32, #tpu.memory_space<vmem>>[vector<16xi32>], vector<16xi32>,
          %gather3A_608 = tpu.vector_load_idx %arg26[%add3A_605, %and3A_2] : memref<16x8xf32, #tpu.memory_space<vmem>>[vector<16xi32>, vector<16xi32>], vector<16xf32>,
          %mul3A_609 = arith.mulf %gather3A_608, %gather3A_606 : vector<16xf32>
          tpu.vector_store_idx %arg20[%gather3A_607, %and3A_2], %mul3A_609 masked %lt3A_6 {add = true} : memref<66x8xf32, #tpu.memory_space<vmem>>[vector<16xi32>, vector<16xi32>], vector<16xf32>, vector<16xi1>
          tpu.vector_store_idx %arg20[%gather3A_607, %and3A_2], %mul3A_609 masked %ge3A_8 {add = true} : memref<66x8xf32, #tpu.memory_space<vmem>>[vector<16xi32>, vector<16xi32>], vector<16xf32>, vector<16xi1>
          %add3A_610 = arith.constant 4 : i32
          %add3A_611 = vector.broadcast %add3A_610 : i32 to vector<16xi32>
          %add3A_612 = arith.addi %shift_right_arithmetic3A_4, %add3A_611 : vector<16xi32>
          %gather3A_613 = tpu.vector_load_idx %arg24[%add3A_612] : memref<16xf32, #tpu.memory_space<vmem>>[vector<16xi32>], vector<16xf32>,
          %gather3A_614 = tpu.vector_load_idx %arg25[%add3A_612] : memref<16xi32, #tpu.memory_space<vmem>>[vector<16xi32>], vector<16xi32>,
          %gather3A_615 = tpu.vector_load_idx %arg26[%add3A_612, %and3A_2] : memref<16x8xf32, #tpu.memory_space<vmem>>[vector<16xi32>, vector<16xi32>], vector<16xf32>,
          %mul3A_616 = arith.mulf %gather3A_615, %gather3A_613 : vector<16xf32>
          tpu.vector_store_idx %arg20[%gather3A_614, %and3A_2], %mul3A_616 masked %lt3A_6 {add = true} : memref<66x8xf32, #tpu.memory_space<vmem>>[vector<16xi32>, vector<16xi32>], vector<16xf32>, vector<16xi1>
          tpu.vector_store_idx %arg20[%gather3A_614, %and3A_2], %mul3A_616 masked %ge3A_8 {add = true} : memref<66x8xf32, #tpu.memory_space<vmem>>[vector<16xi32>, vector<16xi32>], vector<16xf32>, vector<16xi1>
          %add3A_617 = arith.constant 6 : i32
          %add3A_618 = vector.broadcast %add3A_617 : i32 to vector<16xi32>
          %add3A_619 = arith.addi %shift_right_arithmetic3A_4, %add3A_618 : vector<16xi32>
          %gather3A_620 = tpu.vector_load_idx %arg24[%add3A_619] : memref<16xf32, #tpu.memory_space<vmem>>[vector<16xi32>], vector<16xf32>,
          %gather3A_621 = tpu.vector_load_idx %arg25[%add3A_619] : memref<16xi32, #tpu.memory_space<vmem>>[vector<16xi32>], vector<16xi32>,
          %gather3A_622 = tpu.vector_load_idx %arg26[%add3A_619, %and3A_2] : memref<16x8xf32, #tpu.memory_space<vmem>>[vector<16xi32>, vector<16xi32>], vector<16xf32>,
          %mul3A_623 = arith.mulf %gather3A_622, %gather3A_620 : vector<16xf32>
          tpu.vector_store_idx %arg20[%gather3A_621, %and3A_2], %mul3A_623 masked %lt3A_6 {add = true} : memref<66x8xf32, #tpu.memory_space<vmem>>[vector<16xi32>, vector<16xi32>], vector<16xf32>, vector<16xi1>
          tpu.vector_store_idx %arg20[%gather3A_621, %and3A_2], %mul3A_623 masked %ge3A_8 {add = true} : memref<66x8xf32, #tpu.memory_space<vmem>>[vector<16xi32>, vector<16xi32>], vector<16xf32>, vector<16xi1>
          %add3A_624 = arith.constant 8 : i32
          %add3A_625 = vector.broadcast %add3A_624 : i32 to vector<16xi32>
          %add3A_626 = arith.addi %shift_right_arithmetic3A_4, %add3A_625 : vector<16xi32>
          %gather3A_627 = tpu.vector_load_idx %arg24[%add3A_626] : memref<16xf32, #tpu.memory_space<vmem>>[vector<16xi32>], vector<16xf32>,
          %gather3A_628 = tpu.vector_load_idx %arg25[%add3A_626] : memref<16xi32, #tpu.memory_space<vmem>>[vector<16xi32>], vector<16xi32>,
          %gather3A_629 = tpu.vector_load_idx %arg26[%add3A_626, %and3A_2] : memref<16x8xf32, #tpu.memory_space<vmem>>[vector<16xi32>, vector<16xi32>], vector<16xf32>,
          %mul3A_630 = arith.mulf %gather3A_629, %gather3A_627 : vector<16xf32>
          tpu.vector_store_idx %arg20[%gather3A_628, %and3A_2], %mul3A_630 masked %lt3A_6 {add = true} : memref<66x8xf32, #tpu.memory_space<vmem>>[vector<16xi32>, vector<16xi32>], vector<16xf32>, vector<16xi1>
          tpu.vector_store_idx %arg20[%gather3A_628, %and3A_2], %mul3A_630 masked %ge3A_8 {add = true} : memref<66x8xf32, #tpu.memory_space<vmem>>[vector<16xi32>, vector<16xi32>], vector<16xf32>, vector<16xi1>
          %add3A_631 = arith.constant 10 : i32
          %add3A_632 = vector.broadcast %add3A_631 : i32 to vector<16xi32>
          %add3A_633 = arith.addi %shift_right_arithmetic3A_4, %add3A_632 : vector<16xi32>
          %gather3A_634 = tpu.vector_load_idx %arg24[%add3A_633] : memref<16xf32, #tpu.memory_space<vmem>>[vector<16xi32>], vector<16xf32>,
          %gather3A_635 = tpu.vector_load_idx %arg25[%add3A_633] : memref<16xi32, #tpu.memory_space<vmem>>[vector<16xi32>], vector<16xi32>,
          %gather3A_636 = tpu.vector_load_idx %arg26[%add3A_633, %and3A_2] : memref<16x8xf32, #tpu.memory_space<vmem>>[vector<16xi32>, vector<16xi32>], vector<16xf32>,
          %mul3A_637 = arith.mulf %gather3A_636, %gather3A_634 : vector<16xf32>
          tpu.vector_store_idx %arg20[%gather3A_635, %and3A_2], %mul3A_637 masked %lt3A_6 {add = true} : memref<66x8xf32, #tpu.memory_space<vmem>>[vector<16xi32>, vector<16xi32>], vector<16xf32>, vector<16xi1>
          tpu.vector_store_idx %arg20[%gather3A_635, %and3A_2], %mul3A_637 masked %ge3A_8 {add = true} : memref<66x8xf32, #tpu.memory_space<vmem>>[vector<16xi32>, vector<16xi32>], vector<16xf32>, vector<16xi1>
          %add3A_638 = arith.constant 12 : i32
          %add3A_639 = vector.broadcast %add3A_638 : i32 to vector<16xi32>
          %add3A_640 = arith.addi %shift_right_arithmetic3A_4, %add3A_639 : vector<16xi32>
          %gather3A_641 = tpu.vector_load_idx %arg24[%add3A_640] : memref<16xf32, #tpu.memory_space<vmem>>[vector<16xi32>], vector<16xf32>,
          %gather3A_642 = tpu.vector_load_idx %arg25[%add3A_640] : memref<16xi32, #tpu.memory_space<vmem>>[vector<16xi32>], vector<16xi32>,
          %gather3A_643 = tpu.vector_load_idx %arg26[%add3A_640, %and3A_2] : memref<16x8xf32, #tpu.memory_space<vmem>>[vector<16xi32>, vector<16xi32>], vector<16xf32>,
          %mul3A_644 = arith.mulf %gather3A_643, %gather3A_641 : vector<16xf32>
          tpu.vector_store_idx %arg20[%gather3A_642, %and3A_2], %mul3A_644 masked %lt3A_6 {add = true} : memref<66x8xf32, #tpu.memory_space<vmem>>[vector<16xi32>, vector<16xi32>], vector<16xf32>, vector<16xi1>
          tpu.vector_store_idx %arg20[%gather3A_642, %and3A_2], %mul3A_644 masked %ge3A_8 {add = true} : memref<66x8xf32, #tpu.memory_space<vmem>>[vector<16xi32>, vector<16xi32>], vector<16xf32>, vector<16xi1>
          %add3A_645 = arith.constant 14 : i32
          %add3A_646 = vector.broadcast %add3A_645 : i32 to vector<16xi32>
          %add3A_647 = arith.addi %shift_right_arithmetic3A_4, %add3A_646 : vector<16xi32>
          %gather3A_648 = tpu.vector_load_idx %arg24[%add3A_647] : memref<16xf32, #tpu.memory_space<vmem>>[vector<16xi32>], vector<16xf32>,
          %gather3A_649 = tpu.vector_load_idx %arg25[%add3A_647] : memref<16xi32, #tpu.memory_space<vmem>>[vector<16xi32>], vector<16xi32>,
          %gather3A_650 = tpu.vector_load_idx %arg26[%add3A_647, %and3A_2] : memref<16x8xf32, #tpu.memory_space<vmem>>[vector<16xi32>, vector<16xi32>], vector<16xf32>,
          %mul3A_651 = arith.mulf %gather3A_650, %gather3A_648 : vector<16xf32>
          tpu.vector_store_idx %arg20[%gather3A_649, %and3A_2], %mul3A_651 masked %lt3A_6 {add = true} : memref<66x8xf32, #tpu.memory_space<vmem>>[vector<16xi32>, vector<16xi32>], vector<16xf32>, vector<16xi1>
          tpu.vector_store_idx %arg20[%gather3A_649, %and3A_2], %mul3A_651 masked %ge3A_8 {add = true} : memref<66x8xf32, #tpu.memory_space<vmem>>[vector<16xi32>, vector<16xi32>], vector<16xf32>, vector<16xi1>
        }
        %mul3A_552 = arith.constant 16 : i32
        %mul3A_553 = arith.muli %select_n3A_537, %mul3A_552 : i32
        %get3A_554 = arith.index_cast %mul3A_553 : i32 to index
        %get3A_555 = tpu.vector_load %arg17[%get3A_554] {strides = array<i32>} : memref<2032xi32, #tpu.memory_space<vmem>>, vector<16xi32>,
        %swap3A_556 = arith.constant 0 : index
        %swap3A_557 = tpu.vector_load %arg17[%swap3A_556] {strides = array<i32>} : memref<2032xi32, #tpu.memory_space<vmem>>, vector<16xi32>,
        tpu.vector_store %arg17[%swap3A_556], %get3A_555 {strides = array<i32>} : memref<2032xi32, #tpu.memory_space<vmem>>, vector<16xi32>,
        %mul3A_558 = arith.constant 16 : i32
        %mul3A_559 = arith.muli %select_n3A_537, %mul3A_558 : i32
        %get3A_560 = arith.index_cast %mul3A_559 : i32 to index
        %get3A_561 = tpu.vector_load %arg18[%get3A_560] {strides = array<i32>} : memref<2032xf32, #tpu.memory_space<vmem>>, vector<16xf32>,
        %swap3A_562 = arith.constant 0 : index
        %swap3A_563 = tpu.vector_load %arg18[%swap3A_562] {strides = array<i32>} : memref<2032xf32, #tpu.memory_space<vmem>>, vector<16xf32>,
        tpu.vector_store %arg18[%swap3A_562], %get3A_561 {strides = array<i32>} : memref<2032xf32, #tpu.memory_space<vmem>>, vector<16xf32>,
        %mul3A_564 = arith.constant 16 : i32
        %mul3A_565 = arith.muli %select_n3A_537, %mul3A_564 : i32
        %get3A_566 = arith.index_cast %mul3A_565 : i32 to index
        %get3A_567 = tpu.vector_load %arg19[%get3A_566] {strides = array<i32>} : memref<2032xi32, #tpu.memory_space<vmem>>, vector<16xi32>,
        %swap3A_568 = arith.constant 0 : index
        %swap3A_569 = tpu.vector_load %arg19[%swap3A_568] {strides = array<i32>} : memref<2032xi32, #tpu.memory_space<vmem>>, vector<16xi32>,
        tpu.vector_store %arg19[%swap3A_568], %get3A_567 {strides = array<i32>} : memref<2032xi32, #tpu.memory_space<vmem>>, vector<16xi32>,
        %mul3A_570 = arith.constant 16 : i32
        %mul3A_571 = arith.muli %select_n3A_537, %mul3A_570 : i32
        %sub3A_572 = arith.subi %get3A_513, %mul3A_571 : i32
        %swap3A_573 = arith.constant 0 : i32
        %swap3A_574 = arith.index_cast %swap3A_573 : i32 to index
        %swap3A_575 = memref.load %arg29[%swap3A_574] : memref<1xi32, #tpu.memory_space<smem>>
        memref.store %sub3A_572, %arg29[%swap3A_574] : memref<1xi32, #tpu.memory_space<smem>>
      } else {
      }
    }
    %scan3A_371 = arith.constant 25 : i32
    %get3A_372 = arith.constant 0 : i32
    %get3A_373 = arith.index_cast %get3A_372 : i32 to index
    %get3A_374 = memref.load %arg29[%get3A_373] : memref<1xi32, #tpu.memory_space<smem>>
    %swap3A_375 = arith.index_cast %get3A_374 : i32 to index
    %swap3A_376 = tpu.vector_load %arg17[%swap3A_375] {strides = array<i32>} : memref<2032xi32, #tpu.memory_space<vmem>>, vector<16xi32>,
    tpu.vector_store %arg17[%swap3A_375], %broadcast_in_dim3A_11 {strides = array<i32>} : memref<2032xi32, #tpu.memory_space<vmem>>, vector<16xi32>,
    %swap3A_377 = arith.index_cast %get3A_374 : i32 to index
    %swap3A_378 = tpu.vector_load %arg18[%swap3A_377] {strides = array<i32>} : memref<2032xf32, #tpu.memory_space<vmem>>, vector<16xf32>,
    tpu.vector_store %arg18[%swap3A_377], %broadcast_in_dim3A_9 {strides = array<i32>} : memref<2032xf32, #tpu.memory_space<vmem>>, vector<16xf32>,
    %swap3A_379 = arith.index_cast %get3A_374 : i32 to index
    %swap3A_380 = tpu.vector_load %arg19[%swap3A_379] {strides = array<i32>} : memref<2032xi32, #tpu.memory_space<vmem>>, vector<16xi32>,
    tpu.vector_store %arg19[%swap3A_379], %broadcast_in_dim3A_13 {strides = array<i32>} : memref<2032xi32, #tpu.memory_space<vmem>>, vector<16xi32>,
    %add3A_381 = arith.constant 16 : i32
    %add3A_382 = arith.addi %get3A_374, %add3A_381 : i32
    %sub3A = arith.constant 1 : i32
    %sub3A_383 = arith.subi %add3A_382, %sub3A : i32
    %jit3A = arith.constant 16 : i32
    %div3A = arith.divsi %sub3A_383, %jit3A : i32
    %sign3A = arith.constant 0 : i32
    %sign3A_384 = arith.cmpi sgt, %sub3A_383, %sign3A : i32
    %sign3A_385 = arith.extui %sign3A_384 : i1 to i32
    %sign3A_386 = arith.constant 0 : i32
    %sign3A_387 = arith.cmpi slt, %sub3A_383, %sign3A_386 : i32
    %sign3A_388 = arith.extui %sign3A_387 : i1 to i32
    %sign3A_389 = arith.subi %sign3A_385, %sign3A_388 : i32
    %sign3A_390 = arith.constant 0 : i32
    %sign3A_391 = arith.cmpi sgt, %jit3A, %sign3A_390 : i32
    %sign3A_392 = arith.extui %sign3A_391 : i1 to i32
    %sign3A_393 = arith.constant 0 : i32
    %sign3A_394 = arith.cmpi slt, %jit3A, %sign3A_393 : i32
    %sign3A_395 = arith.extui %sign3A_394 : i1 to i32
    %sign3A_396 = arith.subi %sign3A_392, %sign3A_395 : i32
    %ne3A = arith.cmpi ne, %sign3A_389, %sign3A_396 : i32
    %rem3A = arith.remsi %sub3A_383, %jit3A : i32
    %ne3A_397 = arith.constant 0 : i32
    %ne3A_398 = arith.cmpi ne, %rem3A, %ne3A_397 : i32
    %and3A_399 = arith.andi %ne3A, %ne3A_398 : i1
    %sub3A_400 = arith.constant 1 : i32
    %sub3A_401 = arith.subi %div3A, %sub3A_400 : i32
    %select_n3A = arith.select %and3A_399, %sub3A_401, %div3A : i32
    %while3A = arith.constant 0 : i32
    %while3A_402 = arith.subi %select_n3A, %while3A : i32
    %while3A_403 = arith.addi %while3A, %while3A_402 : i32
    %while3A_404 = arith.constant 1 : i32
    %while3A_405 = arith.divsi %while3A_402, %while3A_404 : i32
    %while3A_406 = arith.muli %while3A_405, %while3A_404 : i32
    %while3A_407 = arith.addi %while3A, %while3A_406 : i32
    %while3A_408 = arith.constant 1 : i32
    scf.for %while3A_412 = %while3A to %while3A_407 step %while3A_408  : i32 {
      %mul3A_413 = arith.constant 16 : i32
      %mul3A_414 = arith.muli %while3A_412, %mul3A_413 : i32
      %get3A_415 = arith.index_cast %mul3A_414 : i32 to index
      %get3A_416 = tpu.vector_load %arg17[%get3A_415] {strides = array<i32>} : memref<2032xi32, #tpu.memory_space<vmem>>, vector<16xi32>,
      %swap3A_417 = arith.constant 0 : index
      %swap3A_418 = tpu.vector_load %arg23[%swap3A_417] {strides = array<i32>} : memref<16xi32, #tpu.memory_space<vmem>>, vector<16xi32>,
      tpu.vector_store %arg23[%swap3A_417], %get3A_416 {strides = array<i32>} : memref<16xi32, #tpu.memory_space<vmem>>, vector<16xi32>,
      %get3A_419 = arith.index_cast %mul3A_414 : i32 to index
      %get3A_420 = tpu.vector_load %arg18[%get3A_419] {strides = array<i32>} : memref<2032xf32, #tpu.memory_space<vmem>>, vector<16xf32>,
      %get3A_421 = arith.index_cast %mul3A_414 : i32 to index
      %get3A_422 = tpu.vector_load %arg19[%get3A_421] {strides = array<i32>} : memref<2032xi32, #tpu.memory_space<vmem>>, vector<16xi32>,
      %swap3A_423 = arith.constant 0 : index
      %swap3A_424 = tpu.vector_load %arg24[%swap3A_423] {strides = array<i32>} : memref<16xf32, #tpu.memory_space<vmem>>, vector<16xf32>,
      tpu.vector_store %arg24[%swap3A_423], %get3A_420 {strides = array<i32>} : memref<16xf32, #tpu.memory_space<vmem>>, vector<16xf32>,
      %swap3A_425 = arith.constant 0 : index
      %swap3A_426 = tpu.vector_load %arg25[%swap3A_425] {strides = array<i32>} : memref<16xi32, #tpu.memory_space<vmem>>, vector<16xi32>,
      tpu.vector_store %arg25[%swap3A_425], %get3A_422 {strides = array<i32>} : memref<16xi32, #tpu.memory_space<vmem>>, vector<16xi32>,
      %dma_start3A_427 = arith.constant 0 : i32
      %dma_start3A_428 = arith.constant 0 : i32
      %dma_start3A_429 = tpu.memref_slice %arg4[%dma_start3A_427, %dma_start3A_428] : memref<100000x8xf32, #tpu.memory_space<hbm>> -> memref<100000x8xf32, #tpu.memory_space<hbm>>
      tpu.enqueue_indirect_dma source(%dma_start3A_429 : memref<100000x8xf32, #tpu.memory_space<hbm>>) target(%arg26 : memref<16x8xf32, #tpu.memory_space<vmem>>) offsets(%arg23 : memref<16xi32, #tpu.memory_space<vmem>>) semaphore(%arg32 : memref<!tpu.dma_semaphore, #tpu.memory_space<semaphore_mem>>)
      %dma_wait3A = arith.constant 0 : i32
      %dma_wait3A_430 = arith.constant 0 : i32
      %dma_wait3A_431 = tpu.memref_slice %arg4[%dma_wait3A, %dma_wait3A_430] : memref<100000x8xf32, #tpu.memory_space<hbm>> -> memref<100000x8xf32, #tpu.memory_space<hbm>>
      tpu.wait_indirect_dma semaphore(%arg32 : memref<!tpu.dma_semaphore, #tpu.memory_space<semaphore_mem>>) src(%dma_wait3A_431 : memref<100000x8xf32, #tpu.memory_space<hbm>>) dst(%arg26 : memref<16x8xf32, #tpu.memory_space<vmem>>)
      %add3A_432 = arith.constant 0 : i32
      %add3A_433 = vector.broadcast %add3A_432 : i32 to vector<16xi32>
      %add3A_434 = arith.addi %shift_right_arithmetic3A_4, %add3A_433 : vector<16xi32>
      %gather3A = tpu.vector_load_idx %arg24[%add3A_434] : memref<16xf32, #tpu.memory_space<vmem>>[vector<16xi32>], vector<16xf32>,
      %gather3A_435 = tpu.vector_load_idx %arg25[%add3A_434] : memref<16xi32, #tpu.memory_space<vmem>>[vector<16xi32>], vector<16xi32>,
      %gather3A_436 = tpu.vector_load_idx %arg26[%add3A_434, %and3A_2] : memref<16x8xf32, #tpu.memory_space<vmem>>[vector<16xi32>, vector<16xi32>], vector<16xf32>,
      %mul3A_437 = arith.mulf %gather3A_436, %gather3A : vector<16xf32>
      tpu.vector_store_idx %arg20[%gather3A_435, %and3A_2], %mul3A_437 masked %lt3A_6 {add = true} : memref<66x8xf32, #tpu.memory_space<vmem>>[vector<16xi32>, vector<16xi32>], vector<16xf32>, vector<16xi1>
      tpu.vector_store_idx %arg20[%gather3A_435, %and3A_2], %mul3A_437 masked %ge3A_8 {add = true} : memref<66x8xf32, #tpu.memory_space<vmem>>[vector<16xi32>, vector<16xi32>], vector<16xf32>, vector<16xi1>
      %add3A_438 = arith.constant 2 : i32
      %add3A_439 = vector.broadcast %add3A_438 : i32 to vector<16xi32>
      %add3A_440 = arith.addi %shift_right_arithmetic3A_4, %add3A_439 : vector<16xi32>
      %gather3A_441 = tpu.vector_load_idx %arg24[%add3A_440] : memref<16xf32, #tpu.memory_space<vmem>>[vector<16xi32>], vector<16xf32>,
      %gather3A_442 = tpu.vector_load_idx %arg25[%add3A_440] : memref<16xi32, #tpu.memory_space<vmem>>[vector<16xi32>], vector<16xi32>,
      %gather3A_443 = tpu.vector_load_idx %arg26[%add3A_440, %and3A_2] : memref<16x8xf32, #tpu.memory_space<vmem>>[vector<16xi32>, vector<16xi32>], vector<16xf32>,
      %mul3A_444 = arith.mulf %gather3A_443, %gather3A_441 : vector<16xf32>
      tpu.vector_store_idx %arg20[%gather3A_442, %and3A_2], %mul3A_444 masked %lt3A_6 {add = true} : memref<66x8xf32, #tpu.memory_space<vmem>>[vector<16xi32>, vector<16xi32>], vector<16xf32>, vector<16xi1>
      tpu.vector_store_idx %arg20[%gather3A_442, %and3A_2], %mul3A_444 masked %ge3A_8 {add = true} : memref<66x8xf32, #tpu.memory_space<vmem>>[vector<16xi32>, vector<16xi32>], vector<16xf32>, vector<16xi1>
      %add3A_445 = arith.constant 4 : i32
      %add3A_446 = vector.broadcast %add3A_445 : i32 to vector<16xi32>
      %add3A_447 = arith.addi %shift_right_arithmetic3A_4, %add3A_446 : vector<16xi32>
      %gather3A_448 = tpu.vector_load_idx %arg24[%add3A_447] : memref<16xf32, #tpu.memory_space<vmem>>[vector<16xi32>], vector<16xf32>,
      %gather3A_449 = tpu.vector_load_idx %arg25[%add3A_447] : memref<16xi32, #tpu.memory_space<vmem>>[vector<16xi32>], vector<16xi32>,
      %gather3A_450 = tpu.vector_load_idx %arg26[%add3A_447, %and3A_2] : memref<16x8xf32, #tpu.memory_space<vmem>>[vector<16xi32>, vector<16xi32>], vector<16xf32>,
      %mul3A_451 = arith.mulf %gather3A_450, %gather3A_448 : vector<16xf32>
      tpu.vector_store_idx %arg20[%gather3A_449, %and3A_2], %mul3A_451 masked %lt3A_6 {add = true} : memref<66x8xf32, #tpu.memory_space<vmem>>[vector<16xi32>, vector<16xi32>], vector<16xf32>, vector<16xi1>
      tpu.vector_store_idx %arg20[%gather3A_449, %and3A_2], %mul3A_451 masked %ge3A_8 {add = true} : memref<66x8xf32, #tpu.memory_space<vmem>>[vector<16xi32>, vector<16xi32>], vector<16xf32>, vector<16xi1>
      %add3A_452 = arith.constant 6 : i32
      %add3A_453 = vector.broadcast %add3A_452 : i32 to vector<16xi32>
      %add3A_454 = arith.addi %shift_right_arithmetic3A_4, %add3A_453 : vector<16xi32>
      %gather3A_455 = tpu.vector_load_idx %arg24[%add3A_454] : memref<16xf32, #tpu.memory_space<vmem>>[vector<16xi32>], vector<16xf32>,
      %gather3A_456 = tpu.vector_load_idx %arg25[%add3A_454] : memref<16xi32, #tpu.memory_space<vmem>>[vector<16xi32>], vector<16xi32>,
      %gather3A_457 = tpu.vector_load_idx %arg26[%add3A_454, %and3A_2] : memref<16x8xf32, #tpu.memory_space<vmem>>[vector<16xi32>, vector<16xi32>], vector<16xf32>,
      %mul3A_458 = arith.mulf %gather3A_457, %gather3A_455 : vector<16xf32>
      tpu.vector_store_idx %arg20[%gather3A_456, %and3A_2], %mul3A_458 masked %lt3A_6 {add = true} : memref<66x8xf32, #tpu.memory_space<vmem>>[vector<16xi32>, vector<16xi32>], vector<16xf32>, vector<16xi1>
      tpu.vector_store_idx %arg20[%gather3A_456, %and3A_2], %mul3A_458 masked %ge3A_8 {add = true} : memref<66x8xf32, #tpu.memory_space<vmem>>[vector<16xi32>, vector<16xi32>], vector<16xf32>, vector<16xi1>
      %add3A_459 = arith.constant 8 : i32
      %add3A_460 = vector.broadcast %add3A_459 : i32 to vector<16xi32>
      %add3A_461 = arith.addi %shift_right_arithmetic3A_4, %add3A_460 : vector<16xi32>
      %gather3A_462 = tpu.vector_load_idx %arg24[%add3A_461] : memref<16xf32, #tpu.memory_space<vmem>>[vector<16xi32>], vector<16xf32>,
      %gather3A_463 = tpu.vector_load_idx %arg25[%add3A_461] : memref<16xi32, #tpu.memory_space<vmem>>[vector<16xi32>], vector<16xi32>,
      %gather3A_464 = tpu.vector_load_idx %arg26[%add3A_461, %and3A_2] : memref<16x8xf32, #tpu.memory_space<vmem>>[vector<16xi32>, vector<16xi32>], vector<16xf32>,
      %mul3A_465 = arith.mulf %gather3A_464, %gather3A_462 : vector<16xf32>
      tpu.vector_store_idx %arg20[%gather3A_463, %and3A_2], %mul3A_465 masked %lt3A_6 {add = true} : memref<66x8xf32, #tpu.memory_space<vmem>>[vector<16xi32>, vector<16xi32>], vector<16xf32>, vector<16xi1>
      tpu.vector_store_idx %arg20[%gather3A_463, %and3A_2], %mul3A_465 masked %ge3A_8 {add = true} : memref<66x8xf32, #tpu.memory_space<vmem>>[vector<16xi32>, vector<16xi32>], vector<16xf32>, vector<16xi1>
      %add3A_466 = arith.constant 10 : i32
      %add3A_467 = vector.broadcast %add3A_466 : i32 to vector<16xi32>
      %add3A_468 = arith.addi %shift_right_arithmetic3A_4, %add3A_467 : vector<16xi32>
      %gather3A_469 = tpu.vector_load_idx %arg24[%add3A_468] : memref<16xf32, #tpu.memory_space<vmem>>[vector<16xi32>], vector<16xf32>,
      %gather3A_470 = tpu.vector_load_idx %arg25[%add3A_468] : memref<16xi32, #tpu.memory_space<vmem>>[vector<16xi32>], vector<16xi32>,
      %gather3A_471 = tpu.vector_load_idx %arg26[%add3A_468, %and3A_2] : memref<16x8xf32, #tpu.memory_space<vmem>>[vector<16xi32>, vector<16xi32>], vector<16xf32>,
      %mul3A_472 = arith.mulf %gather3A_471, %gather3A_469 : vector<16xf32>
      tpu.vector_store_idx %arg20[%gather3A_470, %and3A_2], %mul3A_472 masked %lt3A_6 {add = true} : memref<66x8xf32, #tpu.memory_space<vmem>>[vector<16xi32>, vector<16xi32>], vector<16xf32>, vector<16xi1>
      tpu.vector_store_idx %arg20[%gather3A_470, %and3A_2], %mul3A_472 masked %ge3A_8 {add = true} : memref<66x8xf32, #tpu.memory_space<vmem>>[vector<16xi32>, vector<16xi32>], vector<16xf32>, vector<16xi1>
      %add3A_473 = arith.constant 12 : i32
      %add3A_474 = vector.broadcast %add3A_473 : i32 to vector<16xi32>
      %add3A_475 = arith.addi %shift_right_arithmetic3A_4, %add3A_474 : vector<16xi32>
      %gather3A_476 = tpu.vector_load_idx %arg24[%add3A_475] : memref<16xf32, #tpu.memory_space<vmem>>[vector<16xi32>], vector<16xf32>,
      %gather3A_477 = tpu.vector_load_idx %arg25[%add3A_475] : memref<16xi32, #tpu.memory_space<vmem>>[vector<16xi32>], vector<16xi32>,
      %gather3A_478 = tpu.vector_load_idx %arg26[%add3A_475, %and3A_2] : memref<16x8xf32, #tpu.memory_space<vmem>>[vector<16xi32>, vector<16xi32>], vector<16xf32>,
      %mul3A_479 = arith.mulf %gather3A_478, %gather3A_476 : vector<16xf32>
      tpu.vector_store_idx %arg20[%gather3A_477, %and3A_2], %mul3A_479 masked %lt3A_6 {add = true} : memref<66x8xf32, #tpu.memory_space<vmem>>[vector<16xi32>, vector<16xi32>], vector<16xf32>, vector<16xi1>
      tpu.vector_store_idx %arg20[%gather3A_477, %and3A_2], %mul3A_479 masked %ge3A_8 {add = true} : memref<66x8xf32, #tpu.memory_space<vmem>>[vector<16xi32>, vector<16xi32>], vector<16xf32>, vector<16xi1>
      %add3A_480 = arith.constant 14 : i32
      %add3A_481 = vector.broadcast %add3A_480 : i32 to vector<16xi32>
      %add3A_482 = arith.addi %shift_right_arithmetic3A_4, %add3A_481 : vector<16xi32>
      %gather3A_483 = tpu.vector_load_idx %arg24[%add3A_482] : memref<16xf32, #tpu.memory_space<vmem>>[vector<16xi32>], vector<16xf32>,
      %gather3A_484 = tpu.vector_load_idx %arg25[%add3A_482] : memref<16xi32, #tpu.memory_space<vmem>>[vector<16xi32>], vector<16xi32>,
      %gather3A_485 = tpu.vector_load_idx %arg26[%add3A_482, %and3A_2] : memref<16x8xf32, #tpu.memory_space<vmem>>[vector<16xi32>, vector<16xi32>], vector<16xf32>,
      %mul3A_486 = arith.mulf %gather3A_485, %gather3A_483 : vector<16xf32>
      tpu.vector_store_idx %arg20[%gather3A_484, %and3A_2], %mul3A_486 masked %lt3A_6 {add = true} : memref<66x8xf32, #tpu.memory_space<vmem>>[vector<16xi32>, vector<16xi32>], vector<16xf32>, vector<16xi1>
      tpu.vector_store_idx %arg20[%gather3A_484, %and3A_2], %mul3A_486 masked %ge3A_8 {add = true} : memref<66x8xf32, #tpu.memory_space<vmem>>[vector<16xi32>, vector<16xi32>], vector<16xf32>, vector<16xi1>
    }
    %while3A_409 = arith.constant 1 : i32
    scf.for %while3A_412 = %while3A_407 to %while3A_403 step %while3A_409  : i32 {
      %mul3A_413 = arith.constant 16 : i32
      %mul3A_414 = arith.muli %while3A_412, %mul3A_413 : i32
      %get3A_415 = arith.index_cast %mul3A_414 : i32 to index
      %get3A_416 = tpu.vector_load %arg17[%get3A_415] {strides = array<i32>} : memref<2032xi32, #tpu.memory_space<vmem>>, vector<16xi32>,
      %swap3A_417 = arith.constant 0 : index
      %swap3A_418 = tpu.vector_load %arg23[%swap3A_417] {strides = array<i32>} : memref<16xi32, #tpu.memory_space<vmem>>, vector<16xi32>,
      tpu.vector_store %arg23[%swap3A_417], %get3A_416 {strides = array<i32>} : memref<16xi32, #tpu.memory_space<vmem>>, vector<16xi32>,
      %get3A_419 = arith.index_cast %mul3A_414 : i32 to index
      %get3A_420 = tpu.vector_load %arg18[%get3A_419] {strides = array<i32>} : memref<2032xf32, #tpu.memory_space<vmem>>, vector<16xf32>,
      %get3A_421 = arith.index_cast %mul3A_414 : i32 to index
      %get3A_422 = tpu.vector_load %arg19[%get3A_421] {strides = array<i32>} : memref<2032xi32, #tpu.memory_space<vmem>>, vector<16xi32>,
      %swap3A_423 = arith.constant 0 : index
      %swap3A_424 = tpu.vector_load %arg24[%swap3A_423] {strides = array<i32>} : memref<16xf32, #tpu.memory_space<vmem>>, vector<16xf32>,
      tpu.vector_store %arg24[%swap3A_423], %get3A_420 {strides = array<i32>} : memref<16xf32, #tpu.memory_space<vmem>>, vector<16xf32>,
      %swap3A_425 = arith.constant 0 : index
      %swap3A_426 = tpu.vector_load %arg25[%swap3A_425] {strides = array<i32>} : memref<16xi32, #tpu.memory_space<vmem>>, vector<16xi32>,
      tpu.vector_store %arg25[%swap3A_425], %get3A_422 {strides = array<i32>} : memref<16xi32, #tpu.memory_space<vmem>>, vector<16xi32>,
      %dma_start3A_427 = arith.constant 0 : i32
      %dma_start3A_428 = arith.constant 0 : i32
      %dma_start3A_429 = tpu.memref_slice %arg4[%dma_start3A_427, %dma_start3A_428] : memref<100000x8xf32, #tpu.memory_space<hbm>> -> memref<100000x8xf32, #tpu.memory_space<hbm>>
      tpu.enqueue_indirect_dma source(%dma_start3A_429 : memref<100000x8xf32, #tpu.memory_space<hbm>>) target(%arg26 : memref<16x8xf32, #tpu.memory_space<vmem>>) offsets(%arg23 : memref<16xi32, #tpu.memory_space<vmem>>) semaphore(%arg32 : memref<!tpu.dma_semaphore, #tpu.memory_space<semaphore_mem>>)
      %dma_wait3A = arith.constant 0 : i32
      %dma_wait3A_430 = arith.constant 0 : i32
      %dma_wait3A_431 = tpu.memref_slice %arg4[%dma_wait3A, %dma_wait3A_430] : memref<100000x8xf32, #tpu.memory_space<hbm>> -> memref<100000x8xf32, #tpu.memory_space<hbm>>
      tpu.wait_indirect_dma semaphore(%arg32 : memref<!tpu.dma_semaphore, #tpu.memory_space<semaphore_mem>>) src(%dma_wait3A_431 : memref<100000x8xf32, #tpu.memory_space<hbm>>) dst(%arg26 : memref<16x8xf32, #tpu.memory_space<vmem>>)
      %add3A_432 = arith.constant 0 : i32
      %add3A_433 = vector.broadcast %add3A_432 : i32 to vector<16xi32>
      %add3A_434 = arith.addi %shift_right_arithmetic3A_4, %add3A_433 : vector<16xi32>
      %gather3A = tpu.vector_load_idx %arg24[%add3A_434] : memref<16xf32, #tpu.memory_space<vmem>>[vector<16xi32>], vector<16xf32>,
      %gather3A_435 = tpu.vector_load_idx %arg25[%add3A_434] : memref<16xi32, #tpu.memory_space<vmem>>[vector<16xi32>], vector<16xi32>,
      %gather3A_436 = tpu.vector_load_idx %arg26[%add3A_434, %and3A_2] : memref<16x8xf32, #tpu.memory_space<vmem>>[vector<16xi32>, vector<16xi32>], vector<16xf32>,
      %mul3A_437 = arith.mulf %gather3A_436, %gather3A : vector<16xf32>
      tpu.vector_store_idx %arg20[%gather3A_435, %and3A_2], %mul3A_437 masked %lt3A_6 {add = true} : memref<66x8xf32, #tpu.memory_space<vmem>>[vector<16xi32>, vector<16xi32>], vector<16xf32>, vector<16xi1>
      tpu.vector_store_idx %arg20[%gather3A_435, %and3A_2], %mul3A_437 masked %ge3A_8 {add = true} : memref<66x8xf32, #tpu.memory_space<vmem>>[vector<16xi32>, vector<16xi32>], vector<16xf32>, vector<16xi1>
      %add3A_438 = arith.constant 2 : i32
      %add3A_439 = vector.broadcast %add3A_438 : i32 to vector<16xi32>
      %add3A_440 = arith.addi %shift_right_arithmetic3A_4, %add3A_439 : vector<16xi32>
      %gather3A_441 = tpu.vector_load_idx %arg24[%add3A_440] : memref<16xf32, #tpu.memory_space<vmem>>[vector<16xi32>], vector<16xf32>,
      %gather3A_442 = tpu.vector_load_idx %arg25[%add3A_440] : memref<16xi32, #tpu.memory_space<vmem>>[vector<16xi32>], vector<16xi32>,
      %gather3A_443 = tpu.vector_load_idx %arg26[%add3A_440, %and3A_2] : memref<16x8xf32, #tpu.memory_space<vmem>>[vector<16xi32>, vector<16xi32>], vector<16xf32>,
      %mul3A_444 = arith.mulf %gather3A_443, %gather3A_441 : vector<16xf32>
      tpu.vector_store_idx %arg20[%gather3A_442, %and3A_2], %mul3A_444 masked %lt3A_6 {add = true} : memref<66x8xf32, #tpu.memory_space<vmem>>[vector<16xi32>, vector<16xi32>], vector<16xf32>, vector<16xi1>
      tpu.vector_store_idx %arg20[%gather3A_442, %and3A_2], %mul3A_444 masked %ge3A_8 {add = true} : memref<66x8xf32, #tpu.memory_space<vmem>>[vector<16xi32>, vector<16xi32>], vector<16xf32>, vector<16xi1>
      %add3A_445 = arith.constant 4 : i32
      %add3A_446 = vector.broadcast %add3A_445 : i32 to vector<16xi32>
      %add3A_447 = arith.addi %shift_right_arithmetic3A_4, %add3A_446 : vector<16xi32>
      %gather3A_448 = tpu.vector_load_idx %arg24[%add3A_447] : memref<16xf32, #tpu.memory_space<vmem>>[vector<16xi32>], vector<16xf32>,
      %gather3A_449 = tpu.vector_load_idx %arg25[%add3A_447] : memref<16xi32, #tpu.memory_space<vmem>>[vector<16xi32>], vector<16xi32>,
      %gather3A_450 = tpu.vector_load_idx %arg26[%add3A_447, %and3A_2] : memref<16x8xf32, #tpu.memory_space<vmem>>[vector<16xi32>, vector<16xi32>], vector<16xf32>,
      %mul3A_451 = arith.mulf %gather3A_450, %gather3A_448 : vector<16xf32>
      tpu.vector_store_idx %arg20[%gather3A_449, %and3A_2], %mul3A_451 masked %lt3A_6 {add = true} : memref<66x8xf32, #tpu.memory_space<vmem>>[vector<16xi32>, vector<16xi32>], vector<16xf32>, vector<16xi1>
      tpu.vector_store_idx %arg20[%gather3A_449, %and3A_2], %mul3A_451 masked %ge3A_8 {add = true} : memref<66x8xf32, #tpu.memory_space<vmem>>[vector<16xi32>, vector<16xi32>], vector<16xf32>, vector<16xi1>
      %add3A_452 = arith.constant 6 : i32
      %add3A_453 = vector.broadcast %add3A_452 : i32 to vector<16xi32>
      %add3A_454 = arith.addi %shift_right_arithmetic3A_4, %add3A_453 : vector<16xi32>
      %gather3A_455 = tpu.vector_load_idx %arg24[%add3A_454] : memref<16xf32, #tpu.memory_space<vmem>>[vector<16xi32>], vector<16xf32>,
      %gather3A_456 = tpu.vector_load_idx %arg25[%add3A_454] : memref<16xi32, #tpu.memory_space<vmem>>[vector<16xi32>], vector<16xi32>,
      %gather3A_457 = tpu.vector_load_idx %arg26[%add3A_454, %and3A_2] : memref<16x8xf32, #tpu.memory_space<vmem>>[vector<16xi32>, vector<16xi32>], vector<16xf32>,
      %mul3A_458 = arith.mulf %gather3A_457, %gather3A_455 : vector<16xf32>
      tpu.vector_store_idx %arg20[%gather3A_456, %and3A_2], %mul3A_458 masked %lt3A_6 {add = true} : memref<66x8xf32, #tpu.memory_space<vmem>>[vector<16xi32>, vector<16xi32>], vector<16xf32>, vector<16xi1>
      tpu.vector_store_idx %arg20[%gather3A_456, %and3A_2], %mul3A_458 masked %ge3A_8 {add = true} : memref<66x8xf32, #tpu.memory_space<vmem>>[vector<16xi32>, vector<16xi32>], vector<16xf32>, vector<16xi1>
      %add3A_459 = arith.constant 8 : i32
      %add3A_460 = vector.broadcast %add3A_459 : i32 to vector<16xi32>
      %add3A_461 = arith.addi %shift_right_arithmetic3A_4, %add3A_460 : vector<16xi32>
      %gather3A_462 = tpu.vector_load_idx %arg24[%add3A_461] : memref<16xf32, #tpu.memory_space<vmem>>[vector<16xi32>], vector<16xf32>,
      %gather3A_463 = tpu.vector_load_idx %arg25[%add3A_461] : memref<16xi32, #tpu.memory_space<vmem>>[vector<16xi32>], vector<16xi32>,
      %gather3A_464 = tpu.vector_load_idx %arg26[%add3A_461, %and3A_2] : memref<16x8xf32, #tpu.memory_space<vmem>>[vector<16xi32>, vector<16xi32>], vector<16xf32>,
      %mul3A_465 = arith.mulf %gather3A_464, %gather3A_462 : vector<16xf32>
      tpu.vector_store_idx %arg20[%gather3A_463, %and3A_2], %mul3A_465 masked %lt3A_6 {add = true} : memref<66x8xf32, #tpu.memory_space<vmem>>[vector<16xi32>, vector<16xi32>], vector<16xf32>, vector<16xi1>
      tpu.vector_store_idx %arg20[%gather3A_463, %and3A_2], %mul3A_465 masked %ge3A_8 {add = true} : memref<66x8xf32, #tpu.memory_space<vmem>>[vector<16xi32>, vector<16xi32>], vector<16xf32>, vector<16xi1>
      %add3A_466 = arith.constant 10 : i32
      %add3A_467 = vector.broadcast %add3A_466 : i32 to vector<16xi32>
      %add3A_468 = arith.addi %shift_right_arithmetic3A_4, %add3A_467 : vector<16xi32>
      %gather3A_469 = tpu.vector_load_idx %arg24[%add3A_468] : memref<16xf32, #tpu.memory_space<vmem>>[vector<16xi32>], vector<16xf32>,
      %gather3A_470 = tpu.vector_load_idx %arg25[%add3A_468] : memref<16xi32, #tpu.memory_space<vmem>>[vector<16xi32>], vector<16xi32>,
      %gather3A_471 = tpu.vector_load_idx %arg26[%add3A_468, %and3A_2] : memref<16x8xf32, #tpu.memory_space<vmem>>[vector<16xi32>, vector<16xi32>], vector<16xf32>,
      %mul3A_472 = arith.mulf %gather3A_471, %gather3A_469 : vector<16xf32>
      tpu.vector_store_idx %arg20[%gather3A_470, %and3A_2], %mul3A_472 masked %lt3A_6 {add = true} : memref<66x8xf32, #tpu.memory_space<vmem>>[vector<16xi32>, vector<16xi32>], vector<16xf32>, vector<16xi1>
      tpu.vector_store_idx %arg20[%gather3A_470, %and3A_2], %mul3A_472 masked %ge3A_8 {add = true} : memref<66x8xf32, #tpu.memory_space<vmem>>[vector<16xi32>, vector<16xi32>], vector<16xf32>, vector<16xi1>
      %add3A_473 = arith.constant 12 : i32
      %add3A_474 = vector.broadcast %add3A_473 : i32 to vector<16xi32>
      %add3A_475 = arith.addi %shift_right_arithmetic3A_4, %add3A_474 : vector<16xi32>
      %gather3A_476 = tpu.vector_load_idx %arg24[%add3A_475] : memref<16xf32, #tpu.memory_space<vmem>>[vector<16xi32>], vector<16xf32>,
      %gather3A_477 = tpu.vector_load_idx %arg25[%add3A_475] : memref<16xi32, #tpu.memory_space<vmem>>[vector<16xi32>], vector<16xi32>,
      %gather3A_478 = tpu.vector_load_idx %arg26[%add3A_475, %and3A_2] : memref<16x8xf32, #tpu.memory_space<vmem>>[vector<16xi32>, vector<16xi32>], vector<16xf32>,
      %mul3A_479 = arith.mulf %gather3A_478, %gather3A_476 : vector<16xf32>
      tpu.vector_store_idx %arg20[%gather3A_477, %and3A_2], %mul3A_479 masked %lt3A_6 {add = true} : memref<66x8xf32, #tpu.memory_space<vmem>>[vector<16xi32>, vector<16xi32>], vector<16xf32>, vector<16xi1>
      tpu.vector_store_idx %arg20[%gather3A_477, %and3A_2], %mul3A_479 masked %ge3A_8 {add = true} : memref<66x8xf32, #tpu.memory_space<vmem>>[vector<16xi32>, vector<16xi32>], vector<16xf32>, vector<16xi1>
      %add3A_480 = arith.constant 14 : i32
      %add3A_481 = vector.broadcast %add3A_480 : i32 to vector<16xi32>
      %add3A_482 = arith.addi %shift_right_arithmetic3A_4, %add3A_481 : vector<16xi32>
      %gather3A_483 = tpu.vector_load_idx %arg24[%add3A_482] : memref<16xf32, #tpu.memory_space<vmem>>[vector<16xi32>], vector<16xf32>,
      %gather3A_484 = tpu.vector_load_idx %arg25[%add3A_482] : memref<16xi32, #tpu.memory_space<vmem>>[vector<16xi32>], vector<16xi32>,
      %gather3A_485 = tpu.vector_load_idx %arg26[%add3A_482, %and3A_2] : memref<16x8xf32, #tpu.memory_space<vmem>>[vector<16xi32>, vector<16xi32>], vector<16xf32>,
      %mul3A_486 = arith.mulf %gather3A_485, %gather3A_483 : vector<16xf32>
      tpu.vector_store_idx %arg20[%gather3A_484, %and3A_2], %mul3A_486 masked %lt3A_6 {add = true} : memref<66x8xf32, #tpu.memory_space<vmem>>[vector<16xi32>, vector<16xi32>], vector<16xf32>, vector<16xi1>
      tpu.vector_store_idx %arg20[%gather3A_484, %and3A_2], %mul3A_486 masked %ge3A_8 {add = true} : memref<66x8xf32, #tpu.memory_space<vmem>>[vector<16xi32>, vector<16xi32>], vector<16xf32>, vector<16xi1>
    }
    "tpu.region"() ({
      %run_scoped3A = tpu.sem_alloc : memref<!tpu.dma_semaphore, #tpu.memory_space<semaphore_mem>>
      %dma_start3A_412 = arith.constant 0 : i32
      %dma_start3A_413 = arith.constant 0 : i32
      %dma_start3A_414 = tpu.memref_slice %arg7[%add3A, %dma_start3A_412, %dma_start3A_413] : memref<32x66x8xf32, #tpu.memory_space<hbm>> -> memref<1x66x8xf32, #tpu.memory_space<hbm>>
      %dma_start3A_415 = tpu.memref_squeeze %dma_start3A_414 : memref<1x66x8xf32, #tpu.memory_space<hbm>> -> memref<66x8xf32, #tpu.memory_space<hbm>>
      %dma_start3A_416 = arith.constant 0 : i32
      %dma_start3A_417 = arith.constant 0 : i32
      %dma_start3A_418 = tpu.memref_slice %arg7[%add3A, %dma_start3A_416, %dma_start3A_417] : memref<32x66x8xf32, #tpu.memory_space<hbm>> -> memref<1x66x8xf32, #tpu.memory_space<hbm>>
      %dma_start3A_419 = tpu.memref_squeeze %dma_start3A_418 : memref<1x66x8xf32, #tpu.memory_space<hbm>> -> memref<66x8xf32, #tpu.memory_space<hbm>>
      tpu.enqueue_dma source(%arg20 : memref<66x8xf32, #tpu.memory_space<vmem>>) target(%dma_start3A_419 : memref<66x8xf32, #tpu.memory_space<hbm>>) target_semaphore(%run_scoped3A : memref<!tpu.dma_semaphore, #tpu.memory_space<semaphore_mem>>)
      %dma_wait3A = arith.constant 0 : i32
      %dma_wait3A_420 = arith.constant 0 : i32
      %dma_wait3A_421 = tpu.memref_slice %arg7[%add3A, %dma_wait3A, %dma_wait3A_420] : memref<32x66x8xf32, #tpu.memory_space<hbm>> -> memref<1x66x8xf32, #tpu.memory_space<hbm>>
      %dma_wait3A_422 = tpu.memref_squeeze %dma_wait3A_421 : memref<1x66x8xf32, #tpu.memory_space<hbm>> -> memref<66x8xf32, #tpu.memory_space<hbm>>
      %dma_wait3A_423 = arith.constant 0 : i32
      %dma_wait3A_424 = arith.constant 0 : i32
      %dma_wait3A_425 = tpu.memref_slice %arg7[%add3A, %dma_wait3A_423, %dma_wait3A_424] : memref<32x66x8xf32, #tpu.memory_space<hbm>> -> memref<1x66x8xf32, #tpu.memory_space<hbm>>
      %dma_wait3A_426 = tpu.memref_squeeze %dma_wait3A_425 : memref<1x66x8xf32, #tpu.memory_space<hbm>> -> memref<66x8xf32, #tpu.memory_space<hbm>>
      tpu.wait_dma2 semaphore(%run_scoped3A : memref<!tpu.dma_semaphore, #tpu.memory_space<semaphore_mem>>) src(%arg20 : memref<66x8xf32, #tpu.memory_space<vmem>>) dst(%dma_wait3A_426 : memref<66x8xf32, #tpu.memory_space<hbm>>)
      tpu.yield
    }) : () -> ()
    %eq3A = arith.constant 0 : i32
    %eq3A_410 = arith.cmpi eq, %add3A, %eq3A : i32
    %convert_element_type3A = arith.extui %eq3A_410 : i1 to i32
    %cond3A = arith.constant 0 : i32
    %cond3A_411 = arith.cmpi ne, %convert_element_type3A, %cond3A : i32
    scf.if %cond3A_411 {
      %get3A_412 = arith.constant 0 : index
      %get3A_413 = tpu.vector_load %arg21[%get3A_412] {strides = array<i32>} : memref<64xi32, #tpu.memory_space<vmem>>, vector<16xi32>,
      %gather3A = tpu.vector_load_idx %arg10[%get3A_413] : memref<100000xi32, #tpu.memory_space<vmem>>[vector<16xi32>], vector<16xi32>,
      %and3A_414 = arith.constant 63 : i32
      %and3A_415 = vector.broadcast %and3A_414 : i32 to vector<16xi32>
      %and3A_416 = arith.andi %gather3A, %and3A_415 : vector<16xi32>
      %swap3A_417 = arith.constant 0 : index
      %swap3A_418 = tpu.vector_load %arg28[%swap3A_417] {strides = array<i32>} : memref<64xi32, #tpu.memory_space<vmem>>, vector<16xi32>,
      tpu.vector_store %arg28[%swap3A_417], %and3A_416 {strides = array<i32>} : memref<64xi32, #tpu.memory_space<vmem>>, vector<16xi32>,
      %get3A_419 = arith.constant 16 : index
      %get3A_420 = tpu.vector_load %arg21[%get3A_419] {strides = array<i32>} : memref<64xi32, #tpu.memory_space<vmem>>, vector<16xi32>,
      %gather3A_421 = tpu.vector_load_idx %arg10[%get3A_420] : memref<100000xi32, #tpu.memory_space<vmem>>[vector<16xi32>], vector<16xi32>,
      %and3A_422 = arith.constant 63 : i32
      %and3A_423 = vector.broadcast %and3A_422 : i32 to vector<16xi32>
      %and3A_424 = arith.andi %gather3A_421, %and3A_423 : vector<16xi32>
      %swap3A_425 = arith.constant 16 : index
      %swap3A_426 = tpu.vector_load %arg28[%swap3A_425] {strides = array<i32>} : memref<64xi32, #tpu.memory_space<vmem>>, vector<16xi32>,
      tpu.vector_store %arg28[%swap3A_425], %and3A_424 {strides = array<i32>} : memref<64xi32, #tpu.memory_space<vmem>>, vector<16xi32>,
      %get3A_427 = arith.constant 32 : index
      %get3A_428 = tpu.vector_load %arg21[%get3A_427] {strides = array<i32>} : memref<64xi32, #tpu.memory_space<vmem>>, vector<16xi32>,
      %gather3A_429 = tpu.vector_load_idx %arg10[%get3A_428] : memref<100000xi32, #tpu.memory_space<vmem>>[vector<16xi32>], vector<16xi32>,
      %and3A_430 = arith.constant 63 : i32
      %and3A_431 = vector.broadcast %and3A_430 : i32 to vector<16xi32>
      %and3A_432 = arith.andi %gather3A_429, %and3A_431 : vector<16xi32>
      %swap3A_433 = arith.constant 32 : index
      %swap3A_434 = tpu.vector_load %arg28[%swap3A_433] {strides = array<i32>} : memref<64xi32, #tpu.memory_space<vmem>>, vector<16xi32>,
      tpu.vector_store %arg28[%swap3A_433], %and3A_432 {strides = array<i32>} : memref<64xi32, #tpu.memory_space<vmem>>, vector<16xi32>,
      %get3A_435 = arith.constant 48 : index
      %get3A_436 = tpu.vector_load %arg21[%get3A_435] {strides = array<i32>} : memref<64xi32, #tpu.memory_space<vmem>>, vector<16xi32>,
      %gather3A_437 = tpu.vector_load_idx %arg10[%get3A_436] : memref<100000xi32, #tpu.memory_space<vmem>>[vector<16xi32>], vector<16xi32>,
      %and3A_438 = arith.constant 63 : i32
      %and3A_439 = vector.broadcast %and3A_438 : i32 to vector<16xi32>
      %and3A_440 = arith.andi %gather3A_437, %and3A_439 : vector<16xi32>
      %swap3A_441 = arith.constant 48 : index
      %swap3A_442 = tpu.vector_load %arg28[%swap3A_441] {strides = array<i32>} : memref<64xi32, #tpu.memory_space<vmem>>, vector<16xi32>,
      tpu.vector_store %arg28[%swap3A_441], %and3A_440 {strides = array<i32>} : memref<64xi32, #tpu.memory_space<vmem>>, vector<16xi32>,
      "tpu.region"() ({
        %run_scoped3A = tpu.sem_alloc : memref<!tpu.dma_semaphore, #tpu.memory_space<semaphore_mem>>
        tpu.enqueue_dma source(%arg28 : memref<64xi32, #tpu.memory_space<vmem>>) target(%arg8 : memref<64xi32, #tpu.memory_space<hbm>>) target_semaphore(%run_scoped3A : memref<!tpu.dma_semaphore, #tpu.memory_space<semaphore_mem>>)
        tpu.wait_dma2 semaphore(%run_scoped3A : memref<!tpu.dma_semaphore, #tpu.memory_space<semaphore_mem>>) src(%arg28 : memref<64xi32, #tpu.memory_space<vmem>>) dst(%arg8 : memref<64xi32, #tpu.memory_space<hbm>>)
        tpu.yield
      }) : () -> ()
      %dma_start3A_443 = arith.constant 0 : i32
      %dma_start3A_444 = arith.constant 0 : i32
      %dma_start3A_445 = tpu.memref_slice %arg4[%dma_start3A_443, %dma_start3A_444] : memref<100000x8xf32, #tpu.memory_space<hbm>> -> memref<100000x8xf32, #tpu.memory_space<hbm>>
      tpu.enqueue_indirect_dma source(%dma_start3A_445 : memref<100000x8xf32, #tpu.memory_space<hbm>>) target(%arg27 : memref<64x8xf32, #tpu.memory_space<vmem>>) offsets(%arg21 : memref<64xi32, #tpu.memory_space<vmem>>) semaphore(%arg32 : memref<!tpu.dma_semaphore, #tpu.memory_space<semaphore_mem>>)
      %dma_wait3A = arith.constant 0 : i32
      %dma_wait3A_446 = arith.constant 0 : i32
      %dma_wait3A_447 = tpu.memref_slice %arg4[%dma_wait3A, %dma_wait3A_446] : memref<100000x8xf32, #tpu.memory_space<hbm>> -> memref<100000x8xf32, #tpu.memory_space<hbm>>
      tpu.wait_indirect_dma semaphore(%arg32 : memref<!tpu.dma_semaphore, #tpu.memory_space<semaphore_mem>>) src(%dma_wait3A_447 : memref<100000x8xf32, #tpu.memory_space<hbm>>) dst(%arg27 : memref<64x8xf32, #tpu.memory_space<vmem>>)
      "tpu.region"() ({
        %run_scoped3A = tpu.sem_alloc : memref<!tpu.dma_semaphore, #tpu.memory_space<semaphore_mem>>
        tpu.enqueue_dma source(%arg27 : memref<64x8xf32, #tpu.memory_space<vmem>>) target(%arg9 : memref<64x8xf32, #tpu.memory_space<hbm>>) target_semaphore(%run_scoped3A : memref<!tpu.dma_semaphore, #tpu.memory_space<semaphore_mem>>)
        tpu.wait_dma2 semaphore(%run_scoped3A : memref<!tpu.dma_semaphore, #tpu.memory_space<semaphore_mem>>) src(%arg27 : memref<64x8xf32, #tpu.memory_space<vmem>>) dst(%arg9 : memref<64x8xf32, #tpu.memory_space<hbm>>)
        tpu.yield
      }) : () -> ()
    } else {
    }
    return
  }
}

module attributes {stable_mosaic.version = 14 : i64} {
  func.func @_tc_tail_body(%arg0: memref<32x66x8xf32, #tpu.memory_space<vmem>>, %arg1: memref<64xi32, #tpu.memory_space<vmem>>, %arg2: memref<64x8xf32, #tpu.memory_space<vmem>>, %arg3: memref<64x12288xf32, #tpu.memory_space<vmem>>, %arg4: memref<5x256xf32, #tpu.memory_space<vmem>>, %arg5: memref<256xf32, #tpu.memory_space<vmem>>, %arg6: memref<12288x256xf32, #tpu.memory_space<vmem>>, %arg7: memref<256xf32, #tpu.memory_space<vmem>>, %arg8: memref<256x128xf32, #tpu.memory_space<vmem>>, %arg9: memref<128xf32, #tpu.memory_space<vmem>>, %arg10: memref<128x1xf32, #tpu.memory_space<vmem>>, %arg11: memref<1xf32, #tpu.memory_space<vmem>>, %arg12: memref<64x1xf32, #tpu.memory_space<vmem>>) attributes {dimension_semantics = [], scalar_prefetch = 0 : i64, scratch_operands = 0 : i64, tpu.core_type = #tpu.core_type<tc>} {
    %get3A = arith.constant 0 : index
    %get3A_0 = arith.constant 0 : index
    %get3A_1 = arith.constant 0 : index
    %get3A_2 = vector.load %arg0[%get3A, %get3A_0, %get3A_1] : memref<32x66x8xf32, #tpu.memory_space<vmem>>, vector<32x66x8xf32>
    %reduce_sum3A = arith.constant dense<0.000000e+00> : vector<66x8xf32>
    %reduce_sum3A_3 = vector.multi_reduction <add>, %get3A_2, %reduce_sum3A [0] : vector<32x66x8xf32> to vector<66x8xf32>
    %get3A_4 = arith.constant 0 : index
    %get3A_5 = vector.load %arg1[%get3A_4] : memref<64xi32, #tpu.memory_space<vmem>>, vector<64xi32>
    %broadcast_in_dim3A = vector.shape_cast %get3A_5 : vector<64xi32> to vector<64x1xi32>
    %iota3A = tpu.iota {dimensions = array<i32: 1>} : vector<64x66xi32>
    %eq3A = vector.broadcast %broadcast_in_dim3A : vector<64x1xi32> to vector<64x66xi32>
    %eq3A_6 = arith.cmpi eq, %eq3A, %iota3A : vector<64x66xi32>
    %convert_element_type3A = arith.extui %eq3A_6 : vector<64x66xi1> to vector<64x66xi32>
    %convert_element_type3A_7 = arith.sitofp %convert_element_type3A : vector<64x66xi32> to vector<64x66xf32>
    %dot_general3A = arith.constant dense<0.000000e+00> : vector<64x8xf32>
    %dot_general3A_8 = tpu.matmul %convert_element_type3A_7, %reduce_sum3A_3, %dot_general3A {dimension_numbers = #tpu.dot_dimension_numbers<[1], [0], [0], [1], [0, 0, 1, 1], [], []>, transpose_lhs_hint = false} : vector<64x66xf32>, vector<66x8xf32>, vector<64x8xf32> -> vector<64x8xf32>
    %slice3A = vector.extract_strided_slice %dot_general3A_8 {offsets = [0, 5], sizes = [64, 1], strides = [1, 1]} : vector<64x8xf32> to vector<64x1xf32>
    %get3A_9 = arith.constant 0 : index
    %get3A_10 = arith.constant 0 : index
    %get3A_11 = vector.load %arg2[%get3A_9, %get3A_10] : memref<64x8xf32, #tpu.memory_space<vmem>>, vector<64x8xf32>
    %slice3A_12 = vector.extract_strided_slice %get3A_11 {offsets = [0, 0], sizes = [64, 5], strides = [1, 1]} : vector<64x8xf32> to vector<64x5xf32>
    %slice3A_13 = vector.extract_strided_slice %dot_general3A_8 {offsets = [0, 0], sizes = [64, 5], strides = [1, 1]} : vector<64x8xf32> to vector<64x5xf32>
    %add3A = arith.constant 9.99999997E-7 : f32
    %add3A_14 = vector.broadcast %add3A : f32 to vector<64x1xf32>
    %add3A_15 = arith.addf %slice3A, %add3A_14 : vector<64x1xf32>
    %div3A = vector.broadcast %add3A_15 : vector<64x1xf32> to vector<64x5xf32>
    %div3A_16 = arith.divf %slice3A_13, %div3A : vector<64x5xf32>
    %add3A_17 = arith.addf %slice3A_12, %div3A_16 : vector<64x5xf32>
    %get3A_18 = arith.constant 0 : index
    %get3A_19 = arith.constant 0 : index
    %get3A_20 = vector.load %arg4[%get3A_18, %get3A_19] : memref<5x256xf32, #tpu.memory_space<vmem>>, vector<5x256xf32>
    %dot_general3A_21 = arith.constant dense<0.000000e+00> : vector<64x256xf32>
    %dot_general3A_22 = tpu.matmul %add3A_17, %get3A_20, %dot_general3A_21 {dimension_numbers = #tpu.dot_dimension_numbers<[1], [0], [0], [1], [0, 0, 1, 1], [], []>, transpose_lhs_hint = false} : vector<64x5xf32>, vector<5x256xf32>, vector<64x256xf32> -> vector<64x256xf32>
    %get3A_23 = arith.constant 0 : index
    %get3A_24 = vector.load %arg5[%get3A_23] : memref<256xf32, #tpu.memory_space<vmem>>, vector<256xf32>
    %broadcast_in_dim3A_25 = vector.shape_cast %get3A_24 : vector<256xf32> to vector<1x256xf32>
    %add3A_26 = vector.broadcast %broadcast_in_dim3A_25 : vector<1x256xf32> to vector<64x256xf32>
    %add3A_27 = arith.addf %dot_general3A_22, %add3A_26 : vector<64x256xf32>
    %max3A = arith.constant 0.000000e+00 : f32
    %max3A_28 = vector.broadcast %max3A : f32 to vector<64x256xf32>
    %max3A_29 = arith.maximumf %add3A_27, %max3A_28 : vector<64x256xf32>
    %get3A_30 = arith.constant 0 : index
    %get3A_31 = arith.constant 0 : index
    %get3A_32 = vector.load %arg3[%get3A_30, %get3A_31] : memref<64x12288xf32, #tpu.memory_space<vmem>>, vector<64x12288xf32>
    %get3A_33 = arith.constant 0 : index
    %get3A_34 = arith.constant 0 : index
    %get3A_35 = vector.load %arg6[%get3A_33, %get3A_34] : memref<12288x256xf32, #tpu.memory_space<vmem>>, vector<12288x256xf32>
    %dot_general3A_36 = arith.constant dense<0.000000e+00> : vector<64x256xf32>
    %dot_general3A_37 = tpu.matmul %get3A_32, %get3A_35, %dot_general3A_36 {dimension_numbers = #tpu.dot_dimension_numbers<[1], [0], [0], [1], [0, 0, 1, 1], [], []>, transpose_lhs_hint = false} : vector<64x12288xf32>, vector<12288x256xf32>, vector<64x256xf32> -> vector<64x256xf32>
    %get3A_38 = arith.constant 0 : index
    %get3A_39 = vector.load %arg7[%get3A_38] : memref<256xf32, #tpu.memory_space<vmem>>, vector<256xf32>
    %broadcast_in_dim3A_40 = vector.shape_cast %get3A_39 : vector<256xf32> to vector<1x256xf32>
    %add3A_41 = vector.broadcast %broadcast_in_dim3A_40 : vector<1x256xf32> to vector<64x256xf32>
    %add3A_42 = arith.addf %dot_general3A_37, %add3A_41 : vector<64x256xf32>
    %add3A_43 = arith.addf %add3A_42, %max3A_29 : vector<64x256xf32>
    %max3A_44 = arith.constant 0.000000e+00 : f32
    %max3A_45 = vector.broadcast %max3A_44 : f32 to vector<64x256xf32>
    %max3A_46 = arith.maximumf %add3A_43, %max3A_45 : vector<64x256xf32>
    %get3A_47 = arith.constant 0 : index
    %get3A_48 = arith.constant 0 : index
    %get3A_49 = vector.load %arg8[%get3A_47, %get3A_48] : memref<256x128xf32, #tpu.memory_space<vmem>>, vector<256x128xf32>
    %dot_general3A_50 = arith.constant dense<0.000000e+00> : vector<64x128xf32>
    %dot_general3A_51 = tpu.matmul %max3A_46, %get3A_49, %dot_general3A_50 {dimension_numbers = #tpu.dot_dimension_numbers<[1], [0], [0], [1], [0, 0, 1, 1], [], []>, transpose_lhs_hint = false} : vector<64x256xf32>, vector<256x128xf32>, vector<64x128xf32> -> vector<64x128xf32>
    %get3A_52 = arith.constant 0 : index
    %get3A_53 = vector.load %arg9[%get3A_52] : memref<128xf32, #tpu.memory_space<vmem>>, vector<128xf32>
    %broadcast_in_dim3A_54 = vector.shape_cast %get3A_53 : vector<128xf32> to vector<1x128xf32>
    %add3A_55 = vector.broadcast %broadcast_in_dim3A_54 : vector<1x128xf32> to vector<64x128xf32>
    %add3A_56 = arith.addf %dot_general3A_51, %add3A_55 : vector<64x128xf32>
    %max3A_57 = arith.constant 0.000000e+00 : f32
    %max3A_58 = vector.broadcast %max3A_57 : f32 to vector<64x128xf32>
    %max3A_59 = arith.maximumf %add3A_56, %max3A_58 : vector<64x128xf32>
    %get3A_60 = arith.constant 0 : index
    %get3A_61 = arith.constant 0 : index
    %get3A_62 = vector.load %arg10[%get3A_60, %get3A_61] : memref<128x1xf32, #tpu.memory_space<vmem>>, vector<128x1xf32>
    %dot_general3A_63 = arith.constant dense<0.000000e+00> : vector<64x1xf32>
    %dot_general3A_64 = tpu.matmul %max3A_59, %get3A_62, %dot_general3A_63 {dimension_numbers = #tpu.dot_dimension_numbers<[1], [0], [0], [1], [0, 0, 1, 1], [], []>, transpose_lhs_hint = false} : vector<64x128xf32>, vector<128x1xf32>, vector<64x1xf32> -> vector<64x1xf32>
    %get3A_65 = arith.constant 0 : index
    %get3A_66 = vector.load %arg11[%get3A_65] : memref<1xf32, #tpu.memory_space<vmem>>, vector<1xf32>
    %broadcast_in_dim3A_67 = vector.shape_cast %get3A_66 : vector<1xf32> to vector<1x1xf32>
    %add3A_68 = vector.broadcast %broadcast_in_dim3A_67 : vector<1x1xf32> to vector<64x1xf32>
    %add3A_69 = arith.addf %dot_general3A_64, %add3A_68 : vector<64x1xf32>
    %swap3A = arith.constant 0 : index
    %swap3A_70 = arith.constant 0 : index
    %swap3A_71 = vector.load %arg12[%swap3A, %swap3A_70] : memref<64x1xf32, #tpu.memory_space<vmem>>, vector<64x1xf32>
    tpu.vector_store %arg12[%swap3A, %swap3A_70], %add3A_69 {strides = array<i32>} : memref<64x1xf32, #tpu.memory_space<vmem>>, vector<64x1xf32>,
    return
  }
}

</mosaic_0001>

<sc_bundles>
// kernel: kernel.4.cloned.1.call-start
scs
__scs_entry_jumppad:
0x0: {  	(pc) =	sbr.rel $0x88, $3  }
0x1: {  	(tag) =	ssettag $0x0;
	lr =	simm.s32 $0x1  }
0x2: {  	[smem:$0x3F93] =	sst lr;
	_ =	strace $0xD0000000  }
0x3: {  	_ = 	snop  }
0x4: {  	_ = 	snop  }
0x5: {  	_ = 	snop  }
0x6: {  	_ = 	snop  }
0x7: {  	_ = 	snop  }
__scs_overlays_trampoline_lowered:
0x8: {  	[smem:$0x3FA2] =	sst s0  }
0x9: {  	[smem:$0x3FA3] =	sst s1  }
0xa: {  	[smem:$0x3FA4] =	sst s2  }
0xb: {  	[smem:$0x3FA5] =	sst s3  }
0xc: {  	[smem:$0x3FA6] =	sst s4  }
0xd: {  	[smem:$0x3FA7] =	sst s5  }
0xe: {  	[smem:$0x3FA8] =	sst s6  }
0xf: {  	[smem:$0x3FA9] =	sst s7  }
0x10: {  	[smem:$0x3FAA] =	sst s8  }
0x11: {  	[smem:$0x3FAB] =	sst s9;
	s0 =	simm.s32 @!p0 $0x0  }
0x12: {  	s1 =	sld [smem:$0x3F91];
	s0 =	simm.s32 @p0 $0x1  }
0x13: {  	[smem:$0x3FAC] =	sst s0;
	s0 =	simm.s32 @!p1 $0x0  }
0x14: {  	s2 =	sld [smem:$0x3F90];
	s0 =	simm.s32 @p1 $0x1  }
0x15: {  	[smem:$0x3FAD] =	sst s0;
	s0 =	simm.s32 @!p2 $0x0  }
0x16: {  	s3 =	sld [smem:$0x3FDB];
	s0 =	simm.s32 @p2 $0x1  }
0x17: {  	s4 =	simm.s32 $0x1BF5;
	[smem:$0x3FAF] =	sst s0  }
0x18: {  	s0 =	sld [smem:$0x3F92];
	_ =	swait.ge [sflag:s4], $0x0  }
0x19: {  	s7 =	sld [smem:$0x3F93]  }
0x1a: {  	s8 =	sadd.s32 $0xFFFFE003, lr  }
0x1b: {  	s9 =	sadd.s32 $0xFFFFFEF7, lr;
	s5 =	simm.s32 $0xFFFFFFFF;
	p2 =	slt.u32 s8, $0xFFFFF086  }
0x1c: {  	p1 =	slt.u32 s9, $0xF7A;
	s5 =	simm.s32 @!p2 $0x0  }
0x1d: {  	s5 =	simm.s32 @p1 $0x1;
	p0 =	seq.s32 s7, s2  }
0x1e: {  	s7 =	smul.u32 @!p0 $0xF7A, s2;
	p2 =	seq.s32 @!p0 s5, $0x0  }
0x1f: {  	s9 =	smul.u32 $0xF7A, s1;
	s8 =	simm.s32 @!p0 $0x1BF5;
	p2 =	por !p2, p0  }
0x20: {  	[sflag:s8] =	ssyncset.s32 @!p0 $0xFFFFF086;
	s6 =	sadd.s32 @!p0 s3, s7;
	s7 =	simm.s32 @!p0 $0x108  }
0x21: {  	s3 =	sadd.s32 s3, s9;
	s6 =	sadd.s32 @!p0 $0x88, s6;
	s7 =	simm.s32 @p2 $0x1082  }
0x22: {  	[simem:s7], [sflag:s8] =	dma.local @!p0 [hbm:s6], $0xF7A  }
0x23: {  	s9 =	sor.u32 $0xD0000000, s2;
	s6 =	simm.s32 $0x108;
	_ =	swait.ge @!p0 [sflag:s8], $0x0  }
0x24: {  	s3 =	sadd.s32 $0x88, s3;
	s6 =	simm.s32 @!p1 $0x1082;
	[sflag:s4] =	ssyncset.s32 $0xFFFFF086  }
0x25: {  	[simem:s6], [sflag:s4] =	dma.local [hbm:s3], $0xF7A  }
0x26: {  	[smem:$0x3F93] =	sst s1;
	(tag) =	ssettag s2;
	_ =	strace s9  }
0x27: {  	s1 =	sld [smem:$0x3FA3]  }
0x28: {  	s2 =	sld [smem:$0x3FA4]  }
0x29: {  	s4 =	sld [smem:$0x3FA6]  }
0x2a: {  	p0 =	seq.s32 s5, $0x0;
	s5 =	sld [smem:$0x3FA7]  }
0x2b: {  	s6 =	sld [smem:$0x3FA8]  }
0x2c: {  	s7 =	sld [smem:$0x3FA9]  }
0x2d: {  	s3 =	simm.s32 $0x108;
	s8 =	sld [smem:$0x3FAA]  }
0x2e: {  	s3 =	simm.s32 @!p0 $0x1082;
	s9 =	sld [smem:$0x3FAB]  }
0x2f: {  	lr =	sadd.s32 s0, s3;
	s0 =	sld [smem:$0x3FA2]  }
0x30: {  	s3 =	sld [smem:$0x3FA5]  }
0x31: {  	[smem:$0x3FAE] =	sst s10  }
0x32: {  	s10 =	sld [smem:$0x3FAC];
	_ =	sdelay $0x3  }
0x33: {  	p0 =	seq.s32 s10, $0x1;
	s10 =	sld [smem:$0x3FAE];
	_ =	sdelay $0x3  }
0x34: {  	[smem:$0x3FAE] =	sst s10  }
0x35: {  	s10 =	sld [smem:$0x3FAD];
	_ =	sdelay $0x3  }
0x36: {  	p1 =	seq.s32 s10, $0x1;
	s10 =	sld [smem:$0x3FAE];
	_ =	sdelay $0x3  }
0x37: {  	[smem:$0x3FAE] =	sst s10  }
0x38: {  	s10 =	sld [smem:$0x3FAF]  }
0x39: {  	_ = 	snop;
	(pc) =	sbr.ind lr, $3  }
0x3a: {  	_ = 	snop  }
0x3b: {  	_ = 	snop  }
0x3c: {  	p2 =	seq.s32 s10, $0x1;
	s10 =	sld [smem:$0x3FAE]  }
0x3d: {  	_ =	shalt  }
0x3e: {  	_ =	shalt  }
0x3f: {  	_ =	shalt  }
0x40: {  	_ =	shalt  }
0x41: {  	_ =	shalt  }
0x42: {  	_ =	shalt  }
0x43: {  	_ =	shalt  }
0x44: {  	_ =	shalt  }
0x45: {  	_ =	shalt  }
0x46: {  	_ =	shalt  }
0x47: {  	_ =	shalt  }
0x48: {  	_ =	shalt  }
0x49: {  	_ =	shalt  }
0x4a: {  	_ =	shalt  }
0x4b: {  	_ =	shalt  }
0x4c: {  	_ =	shalt  }
0x4d: {  	_ =	shalt  }
0x4e: {  	_ =	shalt  }
0x4f: {  	_ =	shalt  }
0x50: {  	_ =	shalt  }
0x51: {  	_ =	shalt  }
0x52: {  	_ =	shalt  }
0x53: {  	_ =	shalt  }
0x54: {  	_ =	shalt  }
0x55: {  	_ =	shalt  }
0x56: {  	_ =	shalt  }
0x57: {  	_ =	shalt  }
0x58: {  	_ =	shalt  }
0x59: {  	_ =	shalt  }
0x5a: {  	_ =	shalt  }
0x5b: {  	_ =	shalt  }
0x5c: {  	_ =	shalt  }
0x5d: {  	_ =	shalt  }
0x5e: {  	_ =	shalt  }
0x5f: {  	_ =	shalt  }
0x60: {  	_ =	shalt  }
0x61: {  	_ =	shalt  }
0x62: {  	_ =	shalt  }
0x63: {  	_ =	shalt  }
0x64: {  	_ =	shalt  }
0x65: {  	_ =	shalt  }
0x66: {  	_ =	shalt  }
0x67: {  	_ =	shalt  }
0x68: {  	_ =	shalt  }
0x69: {  	_ =	shalt  }
0x6a: {  	_ =	shalt  }
0x6b: {  	_ =	shalt  }
0x6c: {  	_ =	shalt  }
0x6d: {  	_ =	shalt  }
0x6e: {  	_ =	shalt  }
0x6f: {  	_ =	shalt  }
0x70: {  	_ =	shalt  }
0x71: {  	_ =	shalt  }
0x72: {  	_ =	shalt  }
0x73: {  	_ =	shalt  }
0x74: {  	_ =	shalt  }
0x75: {  	_ =	shalt  }
0x76: {  	_ =	shalt  }
0x77: {  	_ =	shalt  }
0x78: {  	_ =	shalt  }
0x79: {  	_ =	shalt  }
0x7a: {  	_ =	shalt  }
0x7b: {  	_ =	shalt  }
0x7c: {  	_ =	shalt  }
0x7d: {  	_ =	shalt  }
0x7e: {  	_ =	shalt  }
0x7f: {  	_ =	shalt  }
0x80: {  	_ =	shalt  }
0x81: {  	_ =	shalt  }
0x82: {  	_ =	shalt  }
0x83: {  	_ =	shalt  }
0x84: {  	_ =	shalt  }
0x85: {  	_ =	shalt  }
0x86: {  	_ =	shalt  }
0x87: {  	_ =	shalt  }
.Lfunc_end0:
.L_simem_size_0:
called_computation_lowered:
.L_overlay_start_0:
0x88: {  	s2 =	sld [smem:$0x3FD9]  }
0x89: {  	s3 =	sld [smem:$0x3FFE];
	_ =	sdelay $0x1  }
0x8a: {  	s1 =	srdreg.scid  }
0x8b: {  	s0 =	sand.u32 $0x1, s1  }
0x8c: {  	s17 =	sshll.u32 s0, $0xA;
	s2 =	sadd.s32 s3, s2  }
0x8d: {  	s2 =	sadd.s32 s2, s17  }
0x8e: {  	[smem:$0x3FBA] =	sst s2  }
0x8f: {  	_ = 	snop  }
0x90: {  	s2 =	sld [smem:$0x3FC6]  }
0x91: {  	s18 =	sld [smem:$0x3FC5]  }
0x92: {  	s4 =	sld [smem:$0x3FC4]  }
0x93: {  	s5 =	sld [smem:$0x3FD0];
	(tm) =	ssettm $0x1  }
0x94: {  	s6 =	sld [smem:$0x3FFB];
	_ =	sdelay $0x3  }
0x95: {  	_ =	strace s6  }
0x96: {  	s6 =	sld [smem:$0x3FFC];
	_ =	sdelay $0x3  }
0x97: {  	_ =	strace s6  }
0x98: {  	s6 =	sld [smem:$0x3FFD];
	_ =	sdelay $0x3  }
0x99: {  	_ =	strace s6  }
0x9a: {  	_ =	strace $0x8FFFFFFF  }
0x9b: {  	s19 =	sld [smem:$0x3FDB];
	_ =	sdelay $0x1  }
0x9c: {  	s7 =	simm.s32 $_scs_section_size  }
0x9d: {  	s8 =	simm.s32 $_size__tile_overlayer_lowered;
	s9 =	simm.s32 $_tile_overlayer_lowered  }
0x9e: {  	s22 =	simm.s32 $0x1BFF;
	s21 =	sshll.u32 s9, $0x1;
	s6 =	sadd.s32 s7, s19  }
0x9f: {  	s10 =	simm.s32 $0x0;
	s20 =	sshll.u32 s8, $0x1;
	s8 =	sadd.s32 s21, s6  }
0xa0: {  	[timem:s10], [sflag:s22] =	dma.local [hbm:s8], s20  }
0xa1: {  	_ =	swait.ge [sflag:s22], s20  }
0xa2: {  	s7 =	ssub.s32 $0x0, s20;
	[sflag:s22] =	ssyncset.done $0x0  }
0xa3: {  	[sflag:s22] =	ssyncadd.s32 s7;
	_ =	sdelay $0x1  }
0xa4: {  	s23 =	simm.s32 $0x1B8B  }
0xa5: {  	_ =	swait.ge [sflag:s23], $0x1  }
0xa6: {  	[sflag:s23] =	ssyncset.done $0x0  }
0xa7: {  	s25 =	simm.s32 $0x1B8E;
	s24 =	sld [smem:$0x3FFE];
	[sflag:s23] =	ssyncadd.s32 $0xFFFFFFFF  }
0xa8: {  	s26 =	simm.s32 $execute0_lowered;
	[smem:$0x3FD2] =	sst s25  }
0xa9: {  	s8 =	sshll.u32 s26, $0x1;
	_ =	strace $0x80000046;
	[dreg:$0x1] =	wrdreg $0xFFFFFFFF  }
0xaa: {  	s28 =	simm.s32 $_size_execute0_lowered;
	s6 =	sadd.s32 s6, s8;
	[dreg:$0x0] =	wrdreg $0x0  }
0xab: {  	s8 =	sshll.u32 s28, $0x1;
	[dreg:$0x2] =	wrdreg s6  }
0xac: {  	[dreg:$0x3] =	wrdreg s8  }
0xad: {  	[dreg:$0x4] =	wrdreg $0xC0  }
0xae: {  	_ =	task [dreg:s10], $0x5FFFF  }
0xaf: {  	[dreg:$0x1] =	wrdreg $0xFFFFFFFF  }
0xb0: {  	[dreg:$0x0] =	wrdreg $0x60  }
0xb1: {  	[dreg:$0x2] =	wrdreg s24  }
0xb2: {  	[dreg:$0x3] =	wrdreg s2  }
0xb3: {  	[dreg:$0x4] =	wrdreg s18  }
0xb4: {  	[dreg:$0x5] =	wrdreg s4  }
0xb5: {  	[dreg:$0x6] =	wrdreg s5  }
0xb6: {  	[dreg:$0x7] =	wrdreg $0x9  }
0xb7: {  	_ =	task.clear_ibuf [dreg:s10], $0x8FFFF;
	_ =	strace $0x90000046  }
0xb8: {  	s29 =	simm.s32 $0x9;
	_ =	strace $0x80000048  }
0xb9: {  	_ =	swait.ge [sflag:s29], $0x1  }
0xba: {  	[sflag:s29] =	ssyncadd.s32 $0xFFFFFFFF  }
0xbb: {  	_ =	strace $0x90000048  }
0xbc: {  	_ =	sfence  }
0xbd: {  	s30 =	sld [smem:$0x0];
	_ =	sdelay $0x2  }
0xbe: {  	s31 =	sshll.u32 s1, $0xD;
	s1 =	sshrl.u32 s1, $0x2  }
0xbf: {  	s3 =	sand.u32 $0x4000, s31;
	s1 =	sadd.s32 s1, s30  }
0xc0: {  	s0 =	sor.u32 s3, s0;
	s1 =	sshll.u32 s1, $0x11  }
0xc1: {  	s0 =	sor.u32 s1, s0  }
0xc2: {  	s0 =	sadd.s32 $0x8F2B, s0  }
0xc3: {  	[sflag:s0] =	ssyncadd.remote.s32 $0x1  }
0xc4: {  	_ =	sfence.sel $0xFFFF  }
0xc5: {  	[dreg:$0x0] =	wrdreg $0xFFFFFFFF;
	(pc) =	sbr.abs _section_cstart, $3  }
0xc6: {  	[dreg:$0x1] =	wrdreg $0xFFFFFFFF  }
0xc7: {  	_ =	task.clear_ibuf [dreg:s10], $0x2FFFF;
	_ =	strace $0x9FFFFFFF  }
0xc8: {  	(tm) =	ssettm $0x7FFFFFFF  }
0xc9: {  	_ =	shalt  }
tec
execute0_lowered:
.L_overlay_start_1:
0x0: {  	(tag) =	ssettag $0x1  }
0x1: {  	s0 =	rddreg [dreg:$0x0]  }
0x2: {  	s1 =	rddreg [dreg:$0x1]  }
0x3: {  	s2 =	srdreg.scid;
	s3 =	stileid.u32;
	v0 =	vlaneseq.u32;
	s6 =	simm.s32 $0x0  }
0x4: {  	v1 =	vimm.f32 $0.0e+00;
	s17 =	simm.s32 $0x1CD50;
	s18 =	simm.s32 $0x1CF60;
	s19 =	simm.s32 $0x4;
	vm0 =	vcmask $0x3F20;
	v43 =	vimm.s32 $0x0  }
0x5: {  	s28 =	simm.s32 $0x1;
	s29 =	simm.s32 $0x10;
	s30 =	simm.s32 $0x1CFE0;
	v44 =	vimm.s32 $0x40;
	v2 =	vor.u32 $0x10, v0;
	v3 =	vor.u32 $0x20, v0  }
0x6: {  	s31 =	simm.s32 $0x1D010;
	s2 =	sand.u32 $0x1, s2;
	s3 =	sshll.u32 s3, $0x1;
	v4 =	vor.u32 $0x30, v0;
	v5 =	vor.u32 $0x40, v0;
	v6 =	vor.u32 $0x50, v0  }
0x7: {  	[smem:$0x7FF] =	sst s6;
	v7 =	vor.u32 $0x60, v0;
	v8 =	vor.u32 $0x70, v0;
	v9 =	vor.u32 $0x80, v0;
	s7 =	sadd.s32 $0x2400, s0;
	s3 =	sor.u32 s2, s3  }
0x8: {  	s8 =	sadd.s32 $0x188E00, s0;
	v10 =	vor.u32 $0x90, v0;
	v11 =	vor.u32 $0xA0, v0;
	v12 =	vor.u32 $0xB0, v0;
	s2 =	ssub.s32 $0x2, s2;
	s4 =	smul.u32 $0x42, s3  }
0x9: {  	v13 =	vor.u32 $0xC0, v0;
	v14 =	vor.u32 $0xD0, v0;
	v15 =	vor.u32 $0xE0, v0;
	_ =	strace $0x80000047;
	s5 =	smul.u32 $0x186A0, s3;
	s23 =	sshrl.u32 s2, $0x1  }
0xa: {  	v16 =	vor.u32 $0xF0, v0;
	v17 =	vor.u32 $0x100, v0;
	v18 =	vor.u32 $0x110, v0;
	p0 =	sne.s32 s3, $0x0;
	s3 =	simm.s32 $0x2;
	s4 =	sadd.s32 s4, s0  }
0xb: {  	v19 =	vor.u32 $0x120, v0;
	v20 =	vor.u32 $0x130, v0;
	v21 =	vor.u32 $0x140, v0;
	s9 =	sshrl.u32 s5, $0x3;
	s0 =	sadd.s32 $0xC6400, s0;
	s13 =	sadd.s32 $0x7D0, s5  }
0xc: {  	v22 =	vor.u32 $0x150, v0;
	v23 =	vor.u32 $0x160, v0;
	v24 =	vor.u32 $0x170, v0;
	s14 =	sadd.s32 $0xFA0, s5;
	s5 =	simm.s32 $0x0;
	[dreg:$0x6] =	wrdreg s0  }
0xd: {  	v25 =	vor.u32 $0x180, v0;
	v26 =	vor.u32 $0x190, v0;
	v27 =	vor.u32 $0x1A0, v0;
	s10 =	sadd.s32 s7, s9;
	s0 =	ssub.s32 s2, s23;
	s25 =	sadd.s32 s1, s9  }
.Ltmp0:
0xe: {  	v28 =	vor.u32 $0x1B0, v0;
	v29 =	vor.u32 $0x1C0, v0;
	v30 =	vor.u32 $0x1D0, v0;
	s26 =	sadd.s32 $0xC5A00, s4;
	[dreg:$0x7] =	wrdreg s10;
	(pc) =	sbr.rel .LBB2_1-.Ltmp0, $4  }
0xf: {  	v31 =	vor.u32 $0x1E0, v0;
	v32 =	vor.u32 $0x1F0, v0;
	v34 =	vshrl.u32 v0, $0x3;
	s4 =	simm.s32 $0x3;
	s2 =	simm.s32 $0x1D000;
	[dreg:$0x9] =	wrdreg s25  }
0x10: {  	v33 =	vor.u32 $0x200, v0;
	v35 =	vand.u32 $0x7, v0;
	v36 =	vor.u32 $0x2, v34;
	s24 =	sadd.s32 $0x61A80, s10;
	[dreg:$0xa] =	wrdreg s26;
	s0 =	smax.u32 s0, $0x1  }
0x11: {  	v37 =	vor.u32 $0x4, v34;
	v38 =	vor.u32 $0x6, v34;
	v39 =	vor.u32 $0x8, v34;
	s25 =	simm.s32 $0x1A5E0;
	s26 =	simm.s32 $0x1ADB0;
	[dreg:$0x8] =	wrdreg s24  }
0x12: {  	v40 =	vor.u32 $0xA, v34;
	v41 =	vor.u32 $0xC, v34;
	v42 =	vor.u32 $0xE, v34;
	[dreg:$0xb] =	wrdreg s0;
	s24 =	simm.s32 $0x19E10;
	s0 =	simm.s32 $0x1CFF0  }
.LBB2_22:
0x13: {  	s9 =	rddreg [dreg:$0xa]  }
0x14: {  	[hbm4b:s9+s6] =	stream.linear.scatter [tilespmem:s17], [sflag:$0x4], $0x210, $0x38;
	[tilespmem:$0x1D2D0] =	vst v63  }
0x15: {  	_ =	swait.ge [sflag:s19], $0x210  }
0x16: {  	[sflag:s19] =	ssyncset.done $0x0  }
0x17: {  	[sflag:s19] =	ssyncadd.s32 $0xFFFFFDF0  }
0x18: {  	v45 =	vld @!p0 [tilespmem:$0x1CF60];
	_ =	sdelay $0x6  }
0x19: {  	s9 =	simm.s32 @!p0 $0x0;
	v46 =	vld @!p0 [tilespmem:$0x1CF70]  }
0x1a: {  	v45 =	vld.idx.msk @!p0 [tilespmem:v45+s9+$0x0], $0xffff;
	_ =	sdelay $0x4  }
0x1b: {  	v45 =	vand.u32 @!p0 $0x3F, v45  }
0x1c: {  	[tilespmem:$0x1D290] =	vst @!p0 v45;
	v45 =	vld @!p0 [tilespmem:$0x1CF80]  }
0x1d: {  	v46 =	vld.idx.msk @!p0 [tilespmem:v46+s9+$0x0], $0xffff;
	_ =	sdelay $0x4  }
0x1e: {  	v46 =	vand.u32 @!p0 $0x3F, v46  }
0x1f: {  	[tilespmem:$0x1D2A0] =	vst @!p0 v46;
	v46 =	vld @!p0 [tilespmem:$0x1CF90]  }
0x20: {  	v45 =	vld.idx.msk @!p0 [tilespmem:v45+s9+$0x0], $0xffff;
	_ =	sdelay $0x4  }
0x21: {  	v45 =	vand.u32 @!p0 $0x3F, v45  }
0x22: {  	[tilespmem:$0x1D2B0] =	vst @!p0 v45  }
0x23: {  	v45 =	vld.idx.msk @!p0 [tilespmem:v46+s9+$0x0], $0xffff;
	_ =	sdelay $0x4  }
0x24: {  	v45 =	vand.u32 @!p0 $0x3F, v45  }
0x25: {  	s10 =	simm.s32 @!p0 $0x1D290;
	s11 =	rddreg [dreg:$0x4];
	[tilespmem:$0x1D2C0] =	vst @!p0 v45  }
0x26: {  	[hbm4b:s11+s9] =	stream.linear.scatter @!p0 [tilespmem:s10], [sflag:$0x4], $0x40, $0x38;
	[tilespmem:$0x1D2D0] =	vst v63  }
0x27: {  	s10 =	simm.s32 @!p0 $0x4  }
0x28: {  	_ =	swait.ge @!p0 [sflag:s10], $0x40  }
0x29: {  	s12 =	simm.s32 @!p0 $0x1CF60;
	[sflag:s10] =	ssyncset.done @!p0 $0x0  }
0x2a: {  	s15 =	simm.s32 @!p0 $0x1D090;
	s11 =	simm.s32 @!p0 $0x40;
	[sflag:s10] =	ssyncadd.s32 @!p0 $0xFFFFFFC0  }
0x2b: {  	[tilespmem:s15], [sflag:$0x3] =	stream.indirect.gather @!p0 [hbm4b:s8+s11], $0x8, s12, s11, $0xb8;
	[tilespmem:$0x1D2D0] =	vst v63  }
0x2c: {  	s11 =	simm.s32 @!p0 $0x3  }
0x2d: {  	_ =	swait.ge @!p0 [sflag:s11], $0x200  }
0x2e: {  	[sflag:s11] =	ssyncset.done @!p0 $0x0  }
0x2f: {  	[sflag:s11] =	ssyncadd.s32 @!p0 $0xFFFFFE00;
	s11 =	rddreg [dreg:$0x6]  }
0x30: {  	[hbm4b:s11+s9] =	stream.linear.scatter @!p0 [tilespmem:s15], [sflag:$0x4], $0x200, $0x38;
	[tilespmem:$0x1D2D0] =	vst v63  }
0x31: {  	_ =	swait.ge @!p0 [sflag:s10], $0x200  }
0x32: {  	s5 =	sadd.s32 $0x1, s5;
	s23 =	rddreg [dreg:$0xb]  }
0x33: {  	p1 =	sne.s32 s5, s23  }
.Ltmp1:
0x34: {  	_ = 	snop;
	(pc) =	sbr.rel @!p1 .LBB2_23-.Ltmp1, $3  }
0x35: {  	_ =	sdelay $0x1  }
0x36: {  	[sflag:s10] =	ssyncset.done @!p0 $0x0  }
0x37: {  	[sflag:s10] =	ssyncadd.s32 @!p0 $0xFFFFFE00  }
.LBB2_1:
0x38: {  	_ =	sdelay $0x3  }
0x39: {  	[tilespmem:v0+s17+$0x0] =	vst.idx.msk $0xffff, v1  }
0x3a: {  	[tilespmem:v2+s17+$0x0] =	vst.idx.msk $0xffff, v1  }
0x3b: {  	[tilespmem:v3+s17+$0x0] =	vst.idx.msk $0xffff, v1  }
0x3c: {  	[tilespmem:v4+s17+$0x0] =	vst.idx.msk $0xffff, v1  }
0x3d: {  	[tilespmem:v5+s17+$0x0] =	vst.idx.msk $0xffff, v1  }
0x3e: {  	[tilespmem:v6+s17+$0x0] =	vst.idx.msk $0xffff, v1  }
0x3f: {  	[tilespmem:v7+s17+$0x0] =	vst.idx.msk $0xffff, v1  }
0x40: {  	[tilespmem:v8+s17+$0x0] =	vst.idx.msk $0xffff, v1  }
0x41: {  	[tilespmem:v9+s17+$0x0] =	vst.idx.msk $0xffff, v1  }
0x42: {  	[tilespmem:v10+s17+$0x0] =	vst.idx.msk $0xffff, v1  }
0x43: {  	[tilespmem:v11+s17+$0x0] =	vst.idx.msk $0xffff, v1  }
0x44: {  	[tilespmem:v12+s17+$0x0] =	vst.idx.msk $0xffff, v1  }
0x45: {  	[tilespmem:v13+s17+$0x0] =	vst.idx.msk $0xffff, v1  }
0x46: {  	[tilespmem:v14+s17+$0x0] =	vst.idx.msk $0xffff, v1  }
0x47: {  	[tilespmem:v15+s17+$0x0] =	vst.idx.msk $0xffff, v1  }
0x48: {  	[tilespmem:v16+s17+$0x0] =	vst.idx.msk $0xffff, v1  }
0x49: {  	[tilespmem:v17+s17+$0x0] =	vst.idx.msk $0xffff, v1  }
0x4a: {  	[tilespmem:v18+s17+$0x0] =	vst.idx.msk $0xffff, v1  }
0x4b: {  	[tilespmem:v19+s17+$0x0] =	vst.idx.msk $0xffff, v1  }
0x4c: {  	[tilespmem:v20+s17+$0x0] =	vst.idx.msk $0xffff, v1  }
0x4d: {  	[tilespmem:v21+s17+$0x0] =	vst.idx.msk $0xffff, v1  }
0x4e: {  	[tilespmem:v22+s17+$0x0] =	vst.idx.msk $0xffff, v1  }
0x4f: {  	[tilespmem:v23+s17+$0x0] =	vst.idx.msk $0xffff, v1  }
0x50: {  	[tilespmem:v24+s17+$0x0] =	vst.idx.msk $0xffff, v1  }
0x51: {  	[tilespmem:v25+s17+$0x0] =	vst.idx.msk $0xffff, v1  }
0x52: {  	[tilespmem:v26+s17+$0x0] =	vst.idx.msk $0xffff, v1  }
0x53: {  	[tilespmem:v27+s17+$0x0] =	vst.idx.msk $0xffff, v1  }
0x54: {  	[tilespmem:v28+s17+$0x0] =	vst.idx.msk $0xffff, v1  }
0x55: {  	[tilespmem:v29+s17+$0x0] =	vst.idx.msk $0xffff, v1  }
0x56: {  	[tilespmem:v30+s17+$0x0] =	vst.idx.msk $0xffff, v1  }
0x57: {  	[tilespmem:v31+s17+$0x0] =	vst.idx.msk $0xffff, v1  }
0x58: {  	[tilespmem:v32+s17+$0x0] =	vst.idx.msk $0xffff, v1  }
0x59: {  	s9 =	rddreg [dreg:$0x2];
	[tilespmem:v33+s17+$0x0] =	vst.idx.msk $0xffff, v1  }
0x5a: {  	[tilespmem:s18], [sflag:$0x4] =	stream.linear.gather [hbm4b:s9+s6], $0x40, $0x38;
	[tilespmem:$0x1D2D0] =	vst v63  }
0x5b: {  	_ =	swait.ge [sflag:s19], $0x40  }
0x5c: {  	[sflag:s19] =	ssyncset.done $0x0  }
0x5d: {  	[sflag:s19] =	ssyncadd.s32 $0xFFFFFFC0  }
0x5e: {  	s10 =	simm.s32 $0x1CFA0;
	s12 =	rddreg [dreg:$0x3]  }
0x5f: {  	[tilespmem:s10], [sflag:$0x4] =	stream.linear.gather [hbm4b:s12+s6], $0x40, $0x38;
	[tilespmem:$0x1D2D0] =	vst v63  }
0x60: {  	_ =	swait.ge [sflag:s19], $0x40  }
0x61: {  	[sflag:s19] =	ssyncset.done $0x0  }
0x62: {  	[sflag:s19] =	ssyncadd.s32 $0xFFFFFFC0  }
0x63: {  	v45 =	vld [tilespmem:$0x1CF60]  }
0x64: {  	v46 =	vld [tilespmem:$0x1CFA0];
	_ =	sdelay $0x4  }
0x65: {  	v45 =	vadd.s32 v45, v46;
	_ =	sdelay $0x3  }
0x66: {  	[tilespmem:$0x1CF60] =	vst v45  }
0x67: {  	[tilespmem:v45+s6+$0x0] =	vst.idx.msk $0xffff, v0  }
0x68: {  	v45 =	vld [tilespmem:$0x1CF70]  }
0x69: {  	v61 =	vld [tilespmem:$0x1CFB0];
	_ =	sdelay $0x4  }
0x6a: {  	v45 =	vadd.s32 v45, v61;
	_ =	sdelay $0x3  }
0x6b: {  	[tilespmem:$0x1CF70] =	vst v45  }
0x6c: {  	[tilespmem:v45+s6+$0x0] =	vst.idx.msk $0xffff, v2  }
0x6d: {  	v45 =	vld [tilespmem:$0x1CF80]  }
0x6e: {  	v62 =	vld [tilespmem:$0x1CFC0];
	_ =	sdelay $0x4  }
0x6f: {  	v45 =	vadd.s32 v45, v62;
	_ =	sdelay $0x3  }
0x70: {  	[tilespmem:$0x1CF80] =	vst v45  }
0x71: {  	[tilespmem:v45+s6+$0x0] =	vst.idx.msk $0xffff, v3  }
0x72: {  	v45 =	vld [tilespmem:$0x1CF90]  }
0x73: {  	v63 =	vld [tilespmem:$0x1CFD0];
	_ =	sdelay $0x4  }
0x74: {  	v45 =	vadd.s32 v45, v63;
	_ =	sdelay $0x3  }
0x75: {  	[tilespmem:$0x1CF90] =	vst v45  }
0x76: {  	s16 =	simm.s32 $0x186A0;
	s15 =	rddreg [dreg:$0x8];
	[tilespmem:v45+s6+$0x0] =	vst.idx.msk $0xffff, v4  }
0x77: {  	[tilespmem:s16], [sflag:$0x1] =	stream.linear.gather [hbm4b:s15+s6], $0x7D0, $0x38;
	[tilespmem:$0x1D2D0] =	vst v63  }
.Ltmp2:
0x78: {  	s21 =	simm.s32 $0x18E70;
	s20 =	rddreg [dreg:$0x7];
	(pc) =	sbr.rel .LBB2_2-.Ltmp2, $4  }
0x79: {  	[tilespmem:s21], [sflag:$0x1] =	stream.linear.gather [hbm4b:s20+s6], $0x7D0, $0x38;
	[tilespmem:$0x1D2D0] =	vst v63  }
0x7a: {  	s23 =	simm.s32 $0x19640;
	s22 =	rddreg [dreg:$0x9]  }
0x7b: {  	[tilespmem:s23], [sflag:$0x1] =	stream.linear.gather [hbm4b:s22+s6], $0x7D0, $0x38;
	[tilespmem:$0x1D2D0] =	vst v63  }
0x7c: {  	[smem:$0x0] =	sst s6;
	s20 =	simm.s32 $0x0;
	s22 =	simm.s32 $0x0  }
.LBB2_18:
0x7d: {  	s20 =	sadd.s32 $0x1, s20  }
0x7e: {  	p1 =	sne.s32 s20, $0x19  }
.Ltmp3:
0x7f: {  	_ = 	snop;
	(pc) =	sbr.rel @!p1 .LBB2_19-.Ltmp3, $1  }
0x80: {  	_ =	sdelay $0x3  }
.LBB2_2:
0x81: {  	s23 =	smul.u32 $0xFA0, s20;
	_ =	sdelay $0x1  }
0x82: {  	s9 =	sadd.s32 s23, s13  }
0x83: {  	s11 =	sshrl.u32 s9, $0x3  }
0x84: {  	s12 =	sadd.s32 s7, s11  }
0x85: {  	s9 =	simm.s32 $0x0;
	s15 =	sadd.s32 $0x61A80, s12  }
0x86: {  	[tilespmem:s24], [sflag:$0x2] =	stream.linear.gather [hbm4b:s15+s9], $0x7D0, $0x38;
	[tilespmem:$0x1D2D0] =	vst v63  }
0x87: {  	_ = 	snop  }
0x88: {  	[tilespmem:s25], [sflag:$0x2] =	stream.linear.gather [hbm4b:s12+s9], $0x7D0, $0x38;
	[tilespmem:$0x1D2D0] =	vst v63  }
0x89: {  	s11 =	sadd.s32 s1, s11  }
0x8a: {  	[tilespmem:s26], [sflag:$0x2] =	stream.linear.gather [hbm4b:s11+s9], $0x7D0, $0x38;
	[tilespmem:$0x1D2D0] =	vst v63  }
0x8b: {  	_ =	swait.ge [sflag:s28], $0x7D0  }
0x8c: {  	[sflag:s28] =	ssyncset.done $0x0  }
0x8d: {  	[sflag:s28] =	ssyncadd.s32 $0xFFFFF830  }
0x8e: {  	_ =	swait.ge [sflag:s28], $0x7D0  }
.Ltmp4:
0x8f: {  	[sflag:s28] =	ssyncset.done $0x0;
	(pc) =	sbr.rel .LBB2_3-.Ltmp4, $4  }
0x90: {  	[sflag:s28] =	ssyncadd.s32 $0xFFFFF830  }
0x91: {  	_ =	swait.ge [sflag:s28], $0x7D0  }
0x92: {  	[sflag:s28] =	ssyncset.done $0x0  }
0x93: {  	s21 =	smov.u32 s22;
	[sflag:s28] =	ssyncadd.s32 $0xFFFFF830  }
.LBB2_5:
0x94: {  	s9 =	sadd.s32 $0x140, s9  }
0x95: {  	p1 =	sne.s32 s9, $0x1F40  }
.Ltmp5:
0x96: {  	_ = 	snop;
	(pc) =	sbr.rel @!p1 .LBB2_6-.Ltmp5, $1  }
0x97: {  	_ =	sdelay $0x3  }
.LBB2_3:
0x98: {  	s11 =	sshra.s32 s9, $0x2  }
0x99: {  	v57 =	vld [tilespmem:s11+$0x186A0]  }
0x9a: {  	v55 =	vld [tilespmem:s11+$0x186B0]  }
0x9b: {  	v53 =	vld [tilespmem:s11+$0x186C0]  }
0x9c: {  	v52 =	vld [tilespmem:s11+$0x186D0]  }
0x9d: {  	v48 =	vld [tilespmem:s11+$0x186E0];
	_ =	sdelay $0x3  }
0x9e: {  	v45 =	vld.idx.msk [tilespmem:v57+s6+$0x0], $0xffff  }
0x9f: {  	v46 =	vld.idx.msk [tilespmem:v55+s6+$0x0], $0xffff  }
0xa0: {  	v47 =	vld.idx.msk [tilespmem:v53+s6+$0x0], $0xffff  }
0xa1: {  	v50 =	vld.idx.msk [tilespmem:v52+s6+$0x0], $0xffff  }
0xa2: {  	v54 =	vld.idx.msk [tilespmem:v48+s6+$0x0], $0xffff  }
0xa3: {  	v51 =	vand.u32 $0x3F, v45  }
0xa4: {  	v49 =	vand.u32 $0x3F, v46  }
0xa5: {  	v47 =	vand.u32 $0x3F, v47  }
0xa6: {  	v46 =	vand.u32 $0x3F, v50  }
0xa7: {  	v45 =	vand.u32 $0x3F, v54  }
0xa8: {  	v59 =	vld.idx.msk [tilespmem:v51+s18+$0x0], $0xffff  }
0xa9: {  	v58 =	vld.idx.msk [tilespmem:v49+s18+$0x0], $0xffff  }
0xaa: {  	v56 =	vld.idx.msk [tilespmem:v47+s18+$0x0], $0xffff  }
0xab: {  	v54 =	vld.idx.msk [tilespmem:v46+s18+$0x0], $0xffff  }
0xac: {  	v50 =	vld.idx.msk [tilespmem:v45+s18+$0x0], $0xffff;
	_ =	sdelay $0x1  }
0xad: {  	vm3 =	veq.s32 v59, v57;
	vm2 =	veq.s32 v58, v55  }
0xae: {  	vm4 =	veq.s32 v56, v53;
	vm1 =	vmor vm3, vm2  }
0xaf: {  	vm5 =	veq.s32 v54, v52;
	vm6 =	vmor vm1, vm4  }
0xb0: {  	vm1 =	veq.s32 v50, v48;
	vm6 =	vmor vm6, vm5  }
0xb1: {  	vm6 =	vmor vm6, vm1  }
0xb2: {  	v60 =	vsel vm6, $0x3F800000, v1  }
0xb3: {  	(xrf0) =	vmax.scan.msk.f32 $0xffff, v60;
	_ =	sdelay $0x5  }
0xb4: {  	v60, _, _ =	vpop (xrf0)  }
0xb5: {  	(v2sf) =	vpush v60, $0xF;
	_ =	sdelay $0xe  }
0xb6: {  	s16 =	spop (v2sf)  }
0xb7: {  	p1 =	sgt.f32 s16, $0.0e+00  }
.Ltmp6:
0xb8: {  	_ = 	snop;
	(pc) =	sbr.rel @!p1 .LBB2_5-.Ltmp6, $1  }
0xb9: {  	_ =	sdelay $0x3  }
0xba: {  	v60 =	vsel vm3, $0x3F800000, v1  }
0xbb: {  	(xrf0) =	vmax.scan.msk.f32 $0xffff, v60;
	_ =	sdelay $0x5  }
0xbc: {  	v60, _, _ =	vpop (xrf0)  }
0xbd: {  	(v2sf) =	vpush v60, $0xF;
	_ =	sdelay $0xe  }
0xbe: {  	s11 =	spop (v2sf)  }
0xbf: {  	p1 =	sgt.f32 s11, $0.0e+00;
	_ =	sdelay $0x1  }
0xc0: {  	vm3 =	veq.s32 @p1 v59, v57;
	v57 =	vimm.s32 @p1 $0x0  }
0xc1: {  	v57 =	vsel @p1 vm3, $0x1, v57  }
0xc2: {  	v62 =	vsel vm2, $0x3F800000, v1;
	(xrf0) =	vadd.scan.msk.s32 @p1 $0xffff, v57  }
0xc3: {  	(xrf0) =	vmax.scan.msk.f32 $0xffff, v62;
	_ =	sdelay $0x4  }
0xc4: {  	v57, _, _ =	vpop @p1 (xrf0)  }
0xc5: {  	(v2sf) =	vpush @p1 v57, $0xF;
	v63, _, _ =	vpop (xrf0)  }
0xc6: {  	(v2sf) =	vpush v63, $0xF;
	_ =	sdelay $0xd  }
0xc7: {  	s11 =	spop @p1 (v2sf)  }
0xc8: {  	s12 =	spop (v2sf)  }
0xc9: {  	p2 =	sgt.f32 s12, $0.0e+00;
	_ =	sdelay $0x1  }
0xca: {  	vm2 =	veq.s32 @p2 v58, v55;
	v55 =	vimm.s32 @p2 $0x0  }
0xcb: {  	v55 =	vsel @p2 vm2, $0x1, v55  }
0xcc: {  	v58 =	vsel vm4, $0x3F800000, v1;
	(xrf0) =	vadd.scan.msk.s32 @p2 $0xffff, v55  }
0xcd: {  	(xrf0) =	vmax.scan.msk.f32 $0xffff, v58;
	_ =	sdelay $0x4  }
0xce: {  	v55, _, _ =	vpop @p2 (xrf0)  }
0xcf: {  	(v2sf) =	vpush @p2 v55, $0xF;
	v59, _, _ =	vpop (xrf0)  }
0xd0: {  	(v2sf) =	vpush v59, $0xF;
	_ =	sdelay $0xd  }
0xd1: {  	s12 =	spop @p2 (v2sf)  }
0xd2: {  	s15 =	spop (v2sf)  }
0xd3: {  	p3 =	sgt.f32 s15, $0.0e+00;
	_ =	sdelay $0x1  }
0xd4: {  	vm4 =	veq.s32 @p3 v56, v53;
	v53 =	vimm.s32 @p3 $0x0  }
0xd5: {  	v53 =	vsel @p3 vm4, $0x1, v53  }
0xd6: {  	v60 =	vsel vm5, $0x3F800000, v1;
	(xrf0) =	vadd.scan.msk.s32 @p3 $0xffff, v53  }
0xd7: {  	(xrf0) =	vmax.scan.msk.f32 $0xffff, v60;
	_ =	sdelay $0x4  }
0xd8: {  	v53, _, _ =	vpop @p3 (xrf0)  }
0xd9: {  	(v2sf) =	vpush @p3 v53, $0xF;
	v61, _, _ =	vpop (xrf0)  }
0xda: {  	(v2sf) =	vpush v61, $0xF;
	_ =	sdelay $0xd  }
0xdb: {  	s15 =	spop @p3 (v2sf)  }
0xdc: {  	s16 =	spop (v2sf)  }
0xdd: {  	p4 =	sgt.f32 s16, $0.0e+00;
	_ =	sdelay $0x1  }
0xde: {  	vm5 =	veq.s32 @p4 v54, v52;
	v52 =	vimm.s32 @p4 $0x0  }
0xdf: {  	v52 =	vsel @p4 vm5, $0x1, v52  }
0xe0: {  	v62 =	vsel vm1, $0x3F800000, v1;
	(xrf0) =	vadd.scan.msk.s32 @p4 $0xffff, v52  }
0xe1: {  	(xrf0) =	vmax.scan.msk.f32 $0xffff, v62;
	_ =	sdelay $0x4  }
0xe2: {  	v52, _, _ =	vpop @p4 (xrf0)  }
0xe3: {  	(v2sf) =	vpush @p4 v52, $0xF;
	v63, _, _ =	vpop (xrf0)  }
0xe4: {  	(v2sf) =	vpush v63, $0xF;
	_ =	sdelay $0x3  }
0xe5: {  	s16 =	sshra.s32 @p1 s9, $0x2  }
0xe6: {  	v52 =	vld @p1 [tilespmem:s16+$0x18E70]  }
0xe7: {  	v53 =	vld @p1 [tilespmem:s16+$0x19640];
	_ =	sdelay $0x3  }
0xe8: {  	[tilespmem:s21+$0x1B580] =	vst.msk @p1 vm3, v52  }
0xe9: {  	[tilespmem:s21+$0x1BD70] =	vst.msk @p1 vm3, v53  }
0xea: {  	s16 =	sshra.s32 @p2 s9, $0x2;
	[tilespmem:s21+$0x1C560] =	vst.msk @p1 vm3, v51  }
0xeb: {  	v51 =	vld @p2 [tilespmem:s16+$0x18E80]  }
0xec: {  	v52 =	vld @p2 [tilespmem:s16+$0x19650];
	s10 =	spop @p4 (v2sf)  }
0xed: {  	s16 =	spop (v2sf)  }
0xee: {  	s11 =	sadd.s32 @p1 s11, s21;
	p5 =	sgt.f32 s16, $0.0e+00  }
0xef: {  	s21 =	smov.u32 @p1 s11  }
0xf0: {  	[tilespmem:s21+$0x1B580] =	vst.msk @p2 vm2, v51;
	vm1 =	veq.s32 @p5 v50, v48;
	v48 =	vimm.s32 @p5 $0x0  }
0xf1: {  	[tilespmem:s21+$0x1BD70] =	vst.msk @p2 vm2, v52;
	v48 =	vsel @p5 vm1, $0x1, v48  }
0xf2: {  	[tilespmem:s21+$0x1C560] =	vst.msk @p2 vm2, v49;
	s16 =	sshra.s32 @p3 s9, $0x2;
	(xrf0) =	vadd.scan.msk.s32 @p5 $0xffff, v48  }
0xf3: {  	v48 =	vld @p3 [tilespmem:s16+$0x18E90]  }
0xf4: {  	v49 =	vld @p3 [tilespmem:s16+$0x19660];
	_ =	sdelay $0x1  }
0xf5: {  	s12 =	sadd.s32 @p2 s12, s21  }
0xf6: {  	s21 =	smov.u32 @p2 s12  }
0xf7: {  	[tilespmem:s21+$0x1B580] =	vst.msk @p3 vm4, v48;
	v48, _, _ =	vpop @p5 (xrf0)  }
0xf8: {  	[tilespmem:s21+$0x1BD70] =	vst.msk @p3 vm4, v49;
	(v2sf) =	vpush @p5 v48, $0xF  }
0xf9: {  	s16 =	sshra.s32 @p4 s9, $0x2;
	[tilespmem:s21+$0x1C560] =	vst.msk @p3 vm4, v47  }
0xfa: {  	v47 =	vld @p4 [tilespmem:s16+$0x18EA0]  }
0xfb: {  	v48 =	vld @p4 [tilespmem:s16+$0x19670];
	_ =	sdelay $0x1  }
0xfc: {  	s15 =	sadd.s32 @p3 s15, s21  }
0xfd: {  	s21 =	smov.u32 @p3 s15  }
0xfe: {  	[tilespmem:s21+$0x1B580] =	vst.msk @p4 vm5, v47  }
0xff: {  	[tilespmem:s21+$0x1BD70] =	vst.msk @p4 vm5, v48  }
0x100: {  	s16 =	sshra.s32 @p5 s9, $0x2;
	[tilespmem:s21+$0x1C560] =	vst.msk @p4 vm5, v46  }
0x101: {  	v46 =	vld @p5 [tilespmem:s16+$0x18EB0]  }
0x102: {  	v47 =	vld @p5 [tilespmem:s16+$0x19680]  }
0x103: {  	[smem:$0x0] =	sst @p1 s11  }
.Ltmp7:
0x104: {  	s22 =	smov.u32 @p1 s11;
	s10 =	sadd.s32 @p4 s10, s21;
	(pc) =	sbr.rel .LBB2_5-.Ltmp7, $4  }
0x105: {  	[smem:$0x0] =	sst @p2 s12;
	s22 =	smov.u32 @p2 s12;
	s21 =	smov.u32 @p4 s10  }
0x106: {  	[smem:$0x0] =	sst @p3 s15;
	s22 =	smov.u32 @p3 s15;
	[tilespmem:s21+$0x1B580] =	vst.msk @p5 vm1, v46;
	s11 =	spop @p5 (v2sf)  }
0x107: {  	[smem:$0x0] =	sst @p4 s10;
	s22 =	smov.u32 @p4 s10;
	[tilespmem:s21+$0x1BD70] =	vst.msk @p5 vm1, v47;
	s11 =	sadd.s32 @p5 s11, s21  }
0x108: {  	[tilespmem:s21+$0x1C560] =	vst.msk @p5 vm1, v45;
	[smem:$0x0] =	sst @p5 s11;
	s22 =	smov.u32 @p5 s11;
	s21 =	smov.u32 @p5 s11  }
.LBB2_6:
0x109: {  	s9 =	sand.u32 $0xF, s21  }
0x10a: {  	s10 =	sshra.s32 s21, $0x1F;
	p1 =	slt.s32 s21, $0x1;
	p2 =	sne.s32 s9, $0x0  }
0x10b: {  	s16 =	sshrl.u32 s10, $0x1C;
	p1 =	por !p1, !p2  }
0x10c: {  	s10 =	simm.s32 $0x1;
	s9 =	sadd.s32 s16, s21;
	p1 =	por !p1, !p1  }
0x10d: {  	s9 =	sshra.s32 s9, $0x4;
	s10 =	simm.s32 @!p1 $0x0  }
0x10e: {  	s15 =	ssub.s32 s9, s10  }
0x10f: {  	p1 =	slt.s32 s15, $0x1  }
.Ltmp8:
0x110: {  	_ = 	snop;
	(pc) =	sbr.rel @p1 .LBB2_10-.Ltmp8, $1  }
0x111: {  	_ =	sdelay $0x3  }
0x112: {  	s22 =	simm.s32 $0x1B580  }
0x113: {  	s11 =	simm.s32 $0x1BD70;
	s12 =	simm.s32 $0x1C560;
	s9 =	smov.u32 s15  }
.LBB2_8:
0x114: {  	v45 =	vld [tilespmem:s22+$0x0];
	_ =	sdelay $0x4  }
0x115: {  	[tilespmem:$0x1CFE0] =	vst v45  }
0x116: {  	v45 =	vld [tilespmem:s11+$0x0]  }
0x117: {  	v46 =	vld [tilespmem:s12+$0x0];
	_ =	sdelay $0x3  }
0x118: {  	[tilespmem:$0x1CFF0] =	vst v45  }
0x119: {  	[tilespmem:$0x1D000] =	vst v46  }
0x11a: {  	[tilespmem:s31], [sflag:$0x3] =	stream.indirect.gather [hbm4b:s8+s29], $0x8, s30, s29, $0xb8;
	[tilespmem:$0x1D2D0] =	vst v63  }
0x11b: {  	_ =	swait.ge [sflag:s4], $0x80  }
0x11c: {  	[sflag:s4] =	ssyncset.done $0x0  }
0x11d: {  	[sflag:s4] =	ssyncadd.s32 $0xFFFFFF80  }
0x11e: {  	v55 =	vld.idx.msk [tilespmem:v34+s2+$0x0], $0xffff;
	_ =	sdelay $0x2  }
0x11f: {  	v56 =	vld.idx.msk [tilespmem:v34+s0+$0x0], $0xffff  }
0x120: {  	v47 =	vld.idx.msk [tilespmem:v0+s31+$0x0], $0xffff  }
0x121: {  	v45 =	vshll.u32 v55, $0x3  }
0x122: {  	v45 =	vor.u32 v35, v45;
	_ =	sdelay $0x2  }
0x123: {  	v46 =	vmul.f32 v47, v56;
	_ =	sdelay $0x1  }
0x124: {  	[tilespmem:v45+s17+$0x0] =	vst.idx.add.f32.msk $0xff, v46  }
0x125: {  	[tilespmem:v45+s17+$0x0] =	vst.idx.add.f32.msk vm0, v46  }
0x126: {  	v45 =	vld.idx.msk [tilespmem:v36+s2+$0x0], $0xffff;
	_ =	sdelay $0x2  }
0x127: {  	v46 =	vld.idx.msk [tilespmem:v36+s0+$0x0], $0xffff  }
0x128: {  	v57 =	vld.idx.msk [tilespmem:v2+s31+$0x0], $0xffff  }
0x129: {  	v45 =	vshll.u32 v45, $0x3  }
0x12a: {  	v45 =	vor.u32 v35, v45;
	_ =	sdelay $0x2  }
0x12b: {  	v46 =	vmul.f32 v57, v46;
	_ =	sdelay $0x1  }
0x12c: {  	[tilespmem:v45+s17+$0x0] =	vst.idx.add.f32.msk $0xff, v46  }
0x12d: {  	[tilespmem:v45+s17+$0x0] =	vst.idx.add.f32.msk vm0, v46  }
0x12e: {  	v45 =	vld.idx.msk [tilespmem:v37+s2+$0x0], $0xffff;
	_ =	sdelay $0x2  }
0x12f: {  	v46 =	vld.idx.msk [tilespmem:v37+s0+$0x0], $0xffff  }
0x130: {  	v58 =	vld.idx.msk [tilespmem:v3+s31+$0x0], $0xffff  }
0x131: {  	v45 =	vshll.u32 v45, $0x3  }
0x132: {  	v45 =	vor.u32 v35, v45;
	_ =	sdelay $0x2  }
0x133: {  	v46 =	vmul.f32 v58, v46;
	_ =	sdelay $0x1  }
0x134: {  	[tilespmem:v45+s17+$0x0] =	vst.idx.add.f32.msk $0xff, v46  }
0x135: {  	[tilespmem:v45+s17+$0x0] =	vst.idx.add.f32.msk vm0, v46  }
0x136: {  	v45 =	vld.idx.msk [tilespmem:v38+s2+$0x0], $0xffff;
	_ =	sdelay $0x2  }
0x137: {  	v46 =	vld.idx.msk [tilespmem:v38+s0+$0x0], $0xffff  }
0x138: {  	v59 =	vld.idx.msk [tilespmem:v4+s31+$0x0], $0xffff  }
0x139: {  	v45 =	vshll.u32 v45, $0x3  }
0x13a: {  	v45 =	vor.u32 v35, v45;
	_ =	sdelay $0x2  }
0x13b: {  	v46 =	vmul.f32 v59, v46;
	_ =	sdelay $0x1  }
0x13c: {  	[tilespmem:v45+s17+$0x0] =	vst.idx.add.f32.msk $0xff, v46  }
0x13d: {  	[tilespmem:v45+s17+$0x0] =	vst.idx.add.f32.msk vm0, v46  }
0x13e: {  	v45 =	vld.idx.msk [tilespmem:v39+s2+$0x0], $0xffff;
	_ =	sdelay $0x2  }
0x13f: {  	v46 =	vld.idx.msk [tilespmem:v39+s0+$0x0], $0xffff  }
0x140: {  	v60 =	vld.idx.msk [tilespmem:v5+s31+$0x0], $0xffff  }
0x141: {  	v45 =	vshll.u32 v45, $0x3  }
0x142: {  	v45 =	vor.u32 v35, v45;
	_ =	sdelay $0x2  }
0x143: {  	v46 =	vmul.f32 v60, v46;
	_ =	sdelay $0x1  }
0x144: {  	[tilespmem:v45+s17+$0x0] =	vst.idx.add.f32.msk $0xff, v46  }
0x145: {  	[tilespmem:v45+s17+$0x0] =	vst.idx.add.f32.msk vm0, v46  }
0x146: {  	v45 =	vld.idx.msk [tilespmem:v40+s2+$0x0], $0xffff;
	_ =	sdelay $0x2  }
0x147: {  	v46 =	vld.idx.msk [tilespmem:v40+s0+$0x0], $0xffff  }
0x148: {  	v61 =	vld.idx.msk [tilespmem:v6+s31+$0x0], $0xffff  }
0x149: {  	v45 =	vshll.u32 v45, $0x3  }
0x14a: {  	v45 =	vor.u32 v35, v45;
	_ =	sdelay $0x2  }
0x14b: {  	v46 =	vmul.f32 v61, v46;
	_ =	sdelay $0x1  }
0x14c: {  	[tilespmem:v45+s17+$0x0] =	vst.idx.add.f32.msk $0xff, v46  }
0x14d: {  	[tilespmem:v45+s17+$0x0] =	vst.idx.add.f32.msk vm0, v46  }
0x14e: {  	v45 =	vld.idx.msk [tilespmem:v41+s2+$0x0], $0xffff;
	_ =	sdelay $0x2  }
0x14f: {  	v46 =	vld.idx.msk [tilespmem:v41+s0+$0x0], $0xffff  }
0x150: {  	v62 =	vld.idx.msk [tilespmem:v7+s31+$0x0], $0xffff  }
0x151: {  	v45 =	vshll.u32 v45, $0x3  }
0x152: {  	v45 =	vor.u32 v35, v45;
	_ =	sdelay $0x2  }
0x153: {  	v46 =	vmul.f32 v62, v46;
	_ =	sdelay $0x1  }
0x154: {  	[tilespmem:v45+s17+$0x0] =	vst.idx.add.f32.msk $0xff, v46  }
0x155: {  	[tilespmem:v45+s17+$0x0] =	vst.idx.add.f32.msk vm0, v46  }
0x156: {  	v45 =	vld.idx.msk [tilespmem:v42+s2+$0x0], $0xffff;
	_ =	sdelay $0x2  }
0x157: {  	v46 =	vld.idx.msk [tilespmem:v42+s0+$0x0], $0xffff  }
0x158: {  	v63 =	vld.idx.msk [tilespmem:v8+s31+$0x0], $0xffff  }
0x159: {  	v45 =	vshll.u32 v45, $0x3  }
0x15a: {  	v45 =	vor.u32 v35, v45  }
0x15b: {  	p1 =	sne.s32 s9, $0x1  }
.Ltmp9:
0x15c: {  	_ = 	snop;
	(pc) =	sbr.rel @p1 .LBB2_8-.Ltmp9, $3  }
0x15d: {  	v46 =	vmul.f32 v63, v46;
	_ =	sdelay $0x1  }
0x15e: {  	s22 =	sadd.s32 $0x10, s22;
	[tilespmem:v45+s17+$0x0] =	vst.idx.add.f32.msk $0xff, v46  }
0x15f: {  	s9 =	sadd.s32 $0xFFFFFFFF, s9;
	s11 =	sadd.s32 $0x10, s11;
	s12 =	sadd.s32 $0x10, s12;
	[tilespmem:v45+s17+$0x0] =	vst.idx.add.f32.msk vm0, v46  }
0x160: {  	s9 =	sshll.u32 s15, $0x4  }
0x161: {  	v45 =	vld [tilespmem:s9+$0x1B580];
	_ =	sdelay $0x4  }
0x162: {  	[tilespmem:$0x1B580] =	vst v45  }
0x163: {  	v45 =	vld [tilespmem:s9+$0x1BD70];
	_ =	sdelay $0x4  }
0x164: {  	[tilespmem:$0x1BD70] =	vst v45  }
0x165: {  	v45 =	vld [tilespmem:s9+$0x1C560];
	_ =	sdelay $0x3  }
0x166: {  	s22 =	ssub.s32 s21, s9  }
0x167: {  	[smem:$0x0] =	sst s22;
	s21 =	smov.u32 s22;
	[tilespmem:$0x1C560] =	vst v45  }
.LBB2_10:
0x168: {  	p1 =	seq.s32 s20, $0x18  }
0x169: {  	s9 =	sadd.s32 @!p1 s23, s14  }
0x16a: {  	s9 =	sshrl.u32 @!p1 s9, $0x3  }
0x16b: {  	s10 =	sadd.s32 @!p1 s7, s9  }
0x16c: {  	s12 =	simm.s32 @!p1 $0x0;
	s15 =	simm.s32 @!p1 $0x186A0;
	s11 =	sadd.s32 @!p1 $0x61A80, s10  }
0x16d: {  	[tilespmem:s15], [sflag:$0x1] =	stream.linear.gather @!p1 [hbm4b:s11+s12], $0x7D0, $0x38;
	[tilespmem:$0x1D2D0] =	vst v63  }
0x16e: {  	s11 =	simm.s32 @!p1 $0x18E70  }
0x16f: {  	[tilespmem:s11], [sflag:$0x1] =	stream.linear.gather @!p1 [hbm4b:s10+s12], $0x7D0, $0x38;
	[tilespmem:$0x1D2D0] =	vst v63  }
0x170: {  	s9 =	sadd.s32 @!p1 s1, s9;
	s10 =	simm.s32 @!p1 $0x19640  }
0x171: {  	[tilespmem:s10], [sflag:$0x1] =	stream.linear.gather @!p1 [hbm4b:s9+s12], $0x7D0, $0x38;
	[tilespmem:$0x1D2D0] =	vst v63  }
0x172: {  	_ =	swait.ge [sflag:s3], $0x7D0  }
0x173: {  	[sflag:s3] =	ssyncset.done $0x0  }
0x174: {  	[sflag:s3] =	ssyncadd.s32 $0xFFFFF830  }
0x175: {  	_ =	swait.ge [sflag:s3], $0x7D0  }
.Ltmp10:
0x176: {  	[sflag:s3] =	ssyncset.done $0x0;
	(pc) =	sbr.rel .LBB2_11-.Ltmp10, $4  }
0x177: {  	[sflag:s3] =	ssyncadd.s32 $0xFFFFF830  }
0x178: {  	_ =	swait.ge [sflag:s3], $0x7D0  }
0x179: {  	[sflag:s3] =	ssyncset.done $0x0  }
0x17a: {  	s9 =	simm.s32 $0x0;
	[sflag:s3] =	ssyncadd.s32 $0xFFFFF830  }
.LBB2_13:
0x17b: {  	s9 =	sadd.s32 $0x140, s9  }
0x17c: {  	p1 =	sne.s32 s9, $0x1F40  }
.Ltmp11:
0x17d: {  	_ = 	snop;
	(pc) =	sbr.rel @!p1 .LBB2_14-.Ltmp11, $1  }
0x17e: {  	_ =	sdelay $0x3  }
.LBB2_11:
0x17f: {  	s10 =	sshra.s32 s9, $0x2  }
0x180: {  	v57 =	vld [tilespmem:s10+$0x19E10]  }
0x181: {  	v55 =	vld [tilespmem:s10+$0x19E20]  }
0x182: {  	v53 =	vld [tilespmem:s10+$0x19E30]  }
0x183: {  	v52 =	vld [tilespmem:s10+$0x19E40]  }
0x184: {  	v48 =	vld [tilespmem:s10+$0x19E50];
	_ =	sdelay $0x3  }
0x185: {  	v45 =	vld.idx.msk [tilespmem:v57+s6+$0x0], $0xffff  }
0x186: {  	v46 =	vld.idx.msk [tilespmem:v55+s6+$0x0], $0xffff  }
0x187: {  	v47 =	vld.idx.msk [tilespmem:v53+s6+$0x0], $0xffff  }
0x188: {  	v50 =	vld.idx.msk [tilespmem:v52+s6+$0x0], $0xffff  }
0x189: {  	v54 =	vld.idx.msk [tilespmem:v48+s6+$0x0], $0xffff  }
0x18a: {  	v51 =	vand.u32 $0x3F, v45  }
0x18b: {  	v49 =	vand.u32 $0x3F, v46  }
0x18c: {  	v47 =	vand.u32 $0x3F, v47  }
0x18d: {  	v46 =	vand.u32 $0x3F, v50  }
0x18e: {  	v45 =	vand.u32 $0x3F, v54  }
0x18f: {  	v59 =	vld.idx.msk [tilespmem:v51+s18+$0x0], $0xffff  }
0x190: {  	v58 =	vld.idx.msk [tilespmem:v49+s18+$0x0], $0xffff  }
0x191: {  	v56 =	vld.idx.msk [tilespmem:v47+s18+$0x0], $0xffff  }
0x192: {  	v54 =	vld.idx.msk [tilespmem:v46+s18+$0x0], $0xffff  }
0x193: {  	v50 =	vld.idx.msk [tilespmem:v45+s18+$0x0], $0xffff;
	_ =	sdelay $0x1  }
0x194: {  	vm3 =	veq.s32 v59, v57;
	vm2 =	veq.s32 v58, v55  }
0x195: {  	vm4 =	veq.s32 v56, v53;
	vm1 =	vmor vm3, vm2  }
0x196: {  	vm5 =	veq.s32 v54, v52;
	vm6 =	vmor vm1, vm4  }
0x197: {  	vm1 =	veq.s32 v50, v48;
	vm6 =	vmor vm6, vm5  }
0x198: {  	vm6 =	vmor vm6, vm1  }
0x199: {  	v60 =	vsel vm6, $0x3F800000, v1  }
0x19a: {  	(xrf0) =	vmax.scan.msk.f32 $0xffff, v60;
	_ =	sdelay $0x5  }
0x19b: {  	v60, _, _ =	vpop (xrf0)  }
0x19c: {  	(v2sf) =	vpush v60, $0xF;
	_ =	sdelay $0xe  }
0x19d: {  	s23 =	spop (v2sf)  }
0x19e: {  	p1 =	sgt.f32 s23, $0.0e+00  }
.Ltmp12:
0x19f: {  	_ = 	snop;
	(pc) =	sbr.rel @!p1 .LBB2_13-.Ltmp12, $1  }
0x1a0: {  	_ =	sdelay $0x3  }
0x1a1: {  	v60 =	vsel vm3, $0x3F800000, v1  }
0x1a2: {  	(xrf0) =	vmax.scan.msk.f32 $0xffff, v60;
	_ =	sdelay $0x5  }
0x1a3: {  	v60, _, _ =	vpop (xrf0)  }
0x1a4: {  	(v2sf) =	vpush v60, $0xF;
	_ =	sdelay $0xe  }
0x1a5: {  	s10 =	spop (v2sf)  }
0x1a6: {  	p1 =	sgt.f32 s10, $0.0e+00;
	_ =	sdelay $0x1  }
0x1a7: {  	vm3 =	veq.s32 @p1 v59, v57;
	v57 =	vimm.s32 @p1 $0x0  }
0x1a8: {  	v57 =	vsel @p1 vm3, $0x1, v57  }
0x1a9: {  	v62 =	vsel vm2, $0x3F800000, v1;
	(xrf0) =	vadd.scan.msk.s32 @p1 $0xffff, v57  }
0x1aa: {  	(xrf0) =	vmax.scan.msk.f32 $0xffff, v62;
	_ =	sdelay $0x4  }
0x1ab: {  	v57, _, _ =	vpop @p1 (xrf0)  }
0x1ac: {  	(v2sf) =	vpush @p1 v57, $0xF;
	v63, _, _ =	vpop (xrf0)  }
0x1ad: {  	(v2sf) =	vpush v63, $0xF;
	_ =	sdelay $0xd  }
0x1ae: {  	s10 =	spop @p1 (v2sf)  }
0x1af: {  	s11 =	spop (v2sf)  }
0x1b0: {  	p2 =	sgt.f32 s11, $0.0e+00;
	_ =	sdelay $0x1  }
0x1b1: {  	vm2 =	veq.s32 @p2 v58, v55;
	v55 =	vimm.s32 @p2 $0x0  }
0x1b2: {  	v55 =	vsel @p2 vm2, $0x1, v55  }
0x1b3: {  	v58 =	vsel vm4, $0x3F800000, v1;
	(xrf0) =	vadd.scan.msk.s32 @p2 $0xffff, v55  }
0x1b4: {  	(xrf0) =	vmax.scan.msk.f32 $0xffff, v58;
	_ =	sdelay $0x4  }
0x1b5: {  	v55, _, _ =	vpop @p2 (xrf0)  }
0x1b6: {  	(v2sf) =	vpush @p2 v55, $0xF;
	v59, _, _ =	vpop (xrf0)  }
0x1b7: {  	(v2sf) =	vpush v59, $0xF;
	_ =	sdelay $0xd  }
0x1b8: {  	s11 =	spop @p2 (v2sf)  }
0x1b9: {  	s12 =	spop (v2sf)  }
0x1ba: {  	p3 =	sgt.f32 s12, $0.0e+00;
	_ =	sdelay $0x1  }
0x1bb: {  	vm4 =	veq.s32 @p3 v56, v53;
	v53 =	vimm.s32 @p3 $0x0  }
0x1bc: {  	v53 =	vsel @p3 vm4, $0x1, v53  }
0x1bd: {  	v60 =	vsel vm5, $0x3F800000, v1;
	(xrf0) =	vadd.scan.msk.s32 @p3 $0xffff, v53  }
0x1be: {  	(xrf0) =	vmax.scan.msk.f32 $0xffff, v60;
	_ =	sdelay $0x4  }
0x1bf: {  	v53, _, _ =	vpop @p3 (xrf0)  }
0x1c0: {  	(v2sf) =	vpush @p3 v53, $0xF;
	v61, _, _ =	vpop (xrf0)  }
0x1c1: {  	(v2sf) =	vpush v61, $0xF;
	_ =	sdelay $0xd  }
0x1c2: {  	s12 =	spop @p3 (v2sf)  }
0x1c3: {  	s15 =	spop (v2sf)  }
0x1c4: {  	p4 =	sgt.f32 s15, $0.0e+00;
	_ =	sdelay $0x1  }
0x1c5: {  	vm5 =	veq.s32 @p4 v54, v52;
	v52 =	vimm.s32 @p4 $0x0  }
0x1c6: {  	v52 =	vsel @p4 vm5, $0x1, v52  }
0x1c7: {  	v62 =	vsel vm1, $0x3F800000, v1;
	(xrf0) =	vadd.scan.msk.s32 @p4 $0xffff, v52  }
0x1c8: {  	(xrf0) =	vmax.scan.msk.f32 $0xffff, v62;
	_ =	sdelay $0x4  }
0x1c9: {  	v52, _, _ =	vpop @p4 (xrf0)  }
0x1ca: {  	(v2sf) =	vpush @p4 v52, $0xF;
	v63, _, _ =	vpop (xrf0)  }
0x1cb: {  	(v2sf) =	vpush v63, $0xF;
	_ =	sdelay $0x3  }
0x1cc: {  	s15 =	sshra.s32 @p1 s9, $0x2  }
0x1cd: {  	v52 =	vld @p1 [tilespmem:s15+$0x1A5E0]  }
0x1ce: {  	v53 =	vld @p1 [tilespmem:s15+$0x1ADB0];
	_ =	sdelay $0x3  }
0x1cf: {  	[tilespmem:s21+$0x1B580] =	vst.msk @p1 vm3, v52  }
0x1d0: {  	[tilespmem:s21+$0x1BD70] =	vst.msk @p1 vm3, v53  }
0x1d1: {  	s15 =	sshra.s32 @p2 s9, $0x2;
	[tilespmem:s21+$0x1C560] =	vst.msk @p1 vm3, v51  }
0x1d2: {  	v51 =	vld @p2 [tilespmem:s15+$0x1A5F0]  }
0x1d3: {  	v52 =	vld @p2 [tilespmem:s15+$0x1ADC0];
	s16 =	spop @p4 (v2sf)  }
0x1d4: {  	s23 =	spop (v2sf)  }
0x1d5: {  	s10 =	sadd.s32 @p1 s10, s21;
	p5 =	sgt.f32 s23, $0.0e+00  }
0x1d6: {  	s21 =	smov.u32 @p1 s10  }
0x1d7: {  	[tilespmem:s21+$0x1B580] =	vst.msk @p2 vm2, v51;
	vm1 =	veq.s32 @p5 v50, v48;
	v48 =	vimm.s32 @p5 $0x0  }
0x1d8: {  	[tilespmem:s21+$0x1BD70] =	vst.msk @p2 vm2, v52;
	v48 =	vsel @p5 vm1, $0x1, v48  }
0x1d9: {  	s15 =	sshra.s32 @p3 s9, $0x2;
	[tilespmem:s21+$0x1C560] =	vst.msk @p2 vm2, v49;
	(xrf0) =	vadd.scan.msk.s32 @p5 $0xffff, v48  }
0x1da: {  	v48 =	vld @p3 [tilespmem:s15+$0x1A600]  }
0x1db: {  	v49 =	vld @p3 [tilespmem:s15+$0x1ADD0];
	_ =	sdelay $0x1  }
0x1dc: {  	s11 =	sadd.s32 @p2 s11, s21  }
0x1dd: {  	s21 =	smov.u32 @p2 s11  }
0x1de: {  	[tilespmem:s21+$0x1B580] =	vst.msk @p3 vm4, v48;
	v48, _, _ =	vpop @p5 (xrf0)  }
0x1df: {  	[tilespmem:s21+$0x1BD70] =	vst.msk @p3 vm4, v49;
	(v2sf) =	vpush @p5 v48, $0xF  }
0x1e0: {  	s15 =	sshra.s32 @p4 s9, $0x2;
	[tilespmem:s21+$0x1C560] =	vst.msk @p3 vm4, v47  }
0x1e1: {  	v47 =	vld @p4 [tilespmem:s15+$0x1A610]  }
0x1e2: {  	v48 =	vld @p4 [tilespmem:s15+$0x1ADE0];
	_ =	sdelay $0x1  }
0x1e3: {  	s12 =	sadd.s32 @p3 s12, s21  }
0x1e4: {  	s21 =	smov.u32 @p3 s12  }
0x1e5: {  	[tilespmem:s21+$0x1B580] =	vst.msk @p4 vm5, v47  }
0x1e6: {  	[tilespmem:s21+$0x1BD70] =	vst.msk @p4 vm5, v48  }
0x1e7: {  	s15 =	sshra.s32 @p5 s9, $0x2;
	[tilespmem:s21+$0x1C560] =	vst.msk @p4 vm5, v46  }
0x1e8: {  	v46 =	vld @p5 [tilespmem:s15+$0x1A620]  }
0x1e9: {  	v47 =	vld @p5 [tilespmem:s15+$0x1ADF0]  }
0x1ea: {  	[smem:$0x0] =	sst @p1 s10  }
.Ltmp13:
0x1eb: {  	s22 =	smov.u32 @p1 s10;
	s10 =	sadd.s32 @p4 s16, s21;
	(pc) =	sbr.rel .LBB2_13-.Ltmp13, $4  }
0x1ec: {  	[smem:$0x0] =	sst @p2 s11;
	s22 =	smov.u32 @p2 s11;
	s21 =	smov.u32 @p4 s10  }
0x1ed: {  	[smem:$0x0] =	sst @p3 s12;
	s22 =	smov.u32 @p3 s12;
	[tilespmem:s21+$0x1B580] =	vst.msk @p5 vm1, v46;
	s11 =	spop @p5 (v2sf)  }
0x1ee: {  	[smem:$0x0] =	sst @p4 s10;
	s22 =	smov.u32 @p4 s10;
	[tilespmem:s21+$0x1BD70] =	vst.msk @p5 vm1, v47;
	s11 =	sadd.s32 @p5 s11, s21  }
0x1ef: {  	[tilespmem:s21+$0x1C560] =	vst.msk @p5 vm1, v45;
	[smem:$0x0] =	sst @p5 s11;
	s22 =	smov.u32 @p5 s11;
	s21 =	smov.u32 @p5 s11  }
.LBB2_14:
0x1f0: {  	s9 =	sand.u32 $0xF, s22  }
0x1f1: {  	s10 =	sshra.s32 s22, $0x1F;
	p1 =	slt.s32 s22, $0x1;
	p2 =	sne.s32 s9, $0x0  }
0x1f2: {  	s23 =	sshrl.u32 s10, $0x1C;
	p1 =	por !p1, !p2  }
0x1f3: {  	s10 =	simm.s32 $0x1;
	s9 =	sadd.s32 s23, s22;
	p1 =	por !p1, !p1  }
0x1f4: {  	s9 =	sshra.s32 s9, $0x4;
	s10 =	simm.s32 @!p1 $0x0  }
0x1f5: {  	s9 =	ssub.s32 s9, s10  }
0x1f6: {  	p1 =	slt.s32 s9, $0x1  }
.Ltmp14:
0x1f7: {  	_ = 	snop;
	(pc) =	sbr.rel @p1 .LBB2_18-.Ltmp14, $1  }
0x1f8: {  	_ =	sdelay $0x3  }
0x1f9: {  	s21 =	simm.s32 $0x1B580  }
0x1fa: {  	s11 =	simm.s32 $0x1BD70;
	s12 =	simm.s32 $0x1C560;
	s15 =	smov.u32 s9  }
.LBB2_16:
0x1fb: {  	v45 =	vld [tilespmem:s21+$0x0];
	_ =	sdelay $0x4  }
0x1fc: {  	[tilespmem:$0x1CFE0] =	vst v45  }
0x1fd: {  	v45 =	vld [tilespmem:s11+$0x0]  }
0x1fe: {  	v46 =	vld [tilespmem:s12+$0x0];
	_ =	sdelay $0x3  }
0x1ff: {  	[tilespmem:$0x1CFF0] =	vst v45  }
0x200: {  	[tilespmem:$0x1D000] =	vst v46  }
0x201: {  	[tilespmem:s31], [sflag:$0x3] =	stream.indirect.gather [hbm4b:s8+s29], $0x8, s30, s29, $0xb8;
	[tilespmem:$0x1D2D0] =	vst v63  }
0x202: {  	_ =	swait.ge [sflag:s4], $0x80  }
0x203: {  	[sflag:s4] =	ssyncset.done $0x0  }
0x204: {  	[sflag:s4] =	ssyncadd.s32 $0xFFFFFF80  }
0x205: {  	v55 =	vld.idx.msk [tilespmem:v34+s2+$0x0], $0xffff;
	_ =	sdelay $0x2  }
0x206: {  	v56 =	vld.idx.msk [tilespmem:v34+s0+$0x0], $0xffff  }
0x207: {  	v47 =	vld.idx.msk [tilespmem:v0+s31+$0x0], $0xffff  }
0x208: {  	v45 =	vshll.u32 v55, $0x3  }
0x209: {  	v45 =	vor.u32 v35, v45;
	_ =	sdelay $0x2  }
0x20a: {  	v46 =	vmul.f32 v47, v56;
	_ =	sdelay $0x1  }
0x20b: {  	[tilespmem:v45+s17+$0x0] =	vst.idx.add.f32.msk $0xff, v46  }
0x20c: {  	[tilespmem:v45+s17+$0x0] =	vst.idx.add.f32.msk vm0, v46  }
0x20d: {  	v45 =	vld.idx.msk [tilespmem:v36+s2+$0x0], $0xffff;
	_ =	sdelay $0x2  }
0x20e: {  	v46 =	vld.idx.msk [tilespmem:v36+s0+$0x0], $0xffff  }
0x20f: {  	v57 =	vld.idx.msk [tilespmem:v2+s31+$0x0], $0xffff  }
0x210: {  	v45 =	vshll.u32 v45, $0x3  }
0x211: {  	v45 =	vor.u32 v35, v45;
	_ =	sdelay $0x2  }
0x212: {  	v46 =	vmul.f32 v57, v46;
	_ =	sdelay $0x1  }
0x213: {  	[tilespmem:v45+s17+$0x0] =	vst.idx.add.f32.msk $0xff, v46  }
0x214: {  	[tilespmem:v45+s17+$0x0] =	vst.idx.add.f32.msk vm0, v46  }
0x215: {  	v45 =	vld.idx.msk [tilespmem:v37+s2+$0x0], $0xffff;
	_ =	sdelay $0x2  }
0x216: {  	v46 =	vld.idx.msk [tilespmem:v37+s0+$0x0], $0xffff  }
0x217: {  	v58 =	vld.idx.msk [tilespmem:v3+s31+$0x0], $0xffff  }
0x218: {  	v45 =	vshll.u32 v45, $0x3  }
0x219: {  	v45 =	vor.u32 v35, v45;
	_ =	sdelay $0x2  }
0x21a: {  	v46 =	vmul.f32 v58, v46;
	_ =	sdelay $0x1  }
0x21b: {  	[tilespmem:v45+s17+$0x0] =	vst.idx.add.f32.msk $0xff, v46  }
0x21c: {  	[tilespmem:v45+s17+$0x0] =	vst.idx.add.f32.msk vm0, v46  }
0x21d: {  	v45 =	vld.idx.msk [tilespmem:v38+s2+$0x0], $0xffff;
	_ =	sdelay $0x2  }
0x21e: {  	v46 =	vld.idx.msk [tilespmem:v38+s0+$0x0], $0xffff  }
0x21f: {  	v59 =	vld.idx.msk [tilespmem:v4+s31+$0x0], $0xffff  }
0x220: {  	v45 =	vshll.u32 v45, $0x3  }
0x221: {  	v45 =	vor.u32 v35, v45;
	_ =	sdelay $0x2  }
0x222: {  	v46 =	vmul.f32 v59, v46;
	_ =	sdelay $0x1  }
0x223: {  	[tilespmem:v45+s17+$0x0] =	vst.idx.add.f32.msk $0xff, v46  }
0x224: {  	[tilespmem:v45+s17+$0x0] =	vst.idx.add.f32.msk vm0, v46  }
0x225: {  	v45 =	vld.idx.msk [tilespmem:v39+s2+$0x0], $0xffff;
	_ =	sdelay $0x2  }
0x226: {  	v46 =	vld.idx.msk [tilespmem:v39+s0+$0x0], $0xffff  }
0x227: {  	v60 =	vld.idx.msk [tilespmem:v5+s31+$0x0], $0xffff  }
0x228: {  	v45 =	vshll.u32 v45, $0x3  }
0x229: {  	v45 =	vor.u32 v35, v45;
	_ =	sdelay $0x2  }
0x22a: {  	v46 =	vmul.f32 v60, v46;
	_ =	sdelay $0x1  }
0x22b: {  	[tilespmem:v45+s17+$0x0] =	vst.idx.add.f32.msk $0xff, v46  }
0x22c: {  	[tilespmem:v45+s17+$0x0] =	vst.idx.add.f32.msk vm0, v46  }
0x22d: {  	v45 =	vld.idx.msk [tilespmem:v40+s2+$0x0], $0xffff;
	_ =	sdelay $0x2  }
0x22e: {  	v46 =	vld.idx.msk [tilespmem:v40+s0+$0x0], $0xffff  }
0x22f: {  	v61 =	vld.idx.msk [tilespmem:v6+s31+$0x0], $0xffff  }
0x230: {  	v45 =	vshll.u32 v45, $0x3  }
0x231: {  	v45 =	vor.u32 v35, v45;
	_ =	sdelay $0x2  }
0x232: {  	v46 =	vmul.f32 v61, v46;
	_ =	sdelay $0x1  }
0x233: {  	[tilespmem:v45+s17+$0x0] =	vst.idx.add.f32.msk $0xff, v46  }
0x234: {  	[tilespmem:v45+s17+$0x0] =	vst.idx.add.f32.msk vm0, v46  }
0x235: {  	v45 =	vld.idx.msk [tilespmem:v41+s2+$0x0], $0xffff;
	_ =	sdelay $0x2  }
0x236: {  	v46 =	vld.idx.msk [tilespmem:v41+s0+$0x0], $0xffff  }
0x237: {  	v62 =	vld.idx.msk [tilespmem:v7+s31+$0x0], $0xffff  }
0x238: {  	v45 =	vshll.u32 v45, $0x3  }
0x239: {  	v45 =	vor.u32 v35, v45;
	_ =	sdelay $0x2  }
0x23a: {  	v46 =	vmul.f32 v62, v46;
	_ =	sdelay $0x1  }
0x23b: {  	[tilespmem:v45+s17+$0x0] =	vst.idx.add.f32.msk $0xff, v46  }
0x23c: {  	[tilespmem:v45+s17+$0x0] =	vst.idx.add.f32.msk vm0, v46  }
0x23d: {  	v45 =	vld.idx.msk [tilespmem:v42+s2+$0x0], $0xffff;
	_ =	sdelay $0x2  }
0x23e: {  	v46 =	vld.idx.msk [tilespmem:v42+s0+$0x0], $0xffff  }
0x23f: {  	v63 =	vld.idx.msk [tilespmem:v8+s31+$0x0], $0xffff  }
0x240: {  	v45 =	vshll.u32 v45, $0x3  }
0x241: {  	v45 =	vor.u32 v35, v45  }
0x242: {  	p1 =	sne.s32 s15, $0x1  }
.Ltmp15:
0x243: {  	_ = 	snop;
	(pc) =	sbr.rel @p1 .LBB2_16-.Ltmp15, $3  }
0x244: {  	v46 =	vmul.f32 v63, v46;
	_ =	sdelay $0x1  }
0x245: {  	s21 =	sadd.s32 $0x10, s21;
	[tilespmem:v45+s17+$0x0] =	vst.idx.add.f32.msk $0xff, v46  }
0x246: {  	s15 =	sadd.s32 $0xFFFFFFFF, s15;
	s11 =	sadd.s32 $0x10, s11;
	s12 =	sadd.s32 $0x10, s12;
	[tilespmem:v45+s17+$0x0] =	vst.idx.add.f32.msk vm0, v46  }
0x247: {  	s9 =	sshll.u32 s9, $0x4  }
0x248: {  	v45 =	vld [tilespmem:s9+$0x1B580];
	_ =	sdelay $0x4  }
0x249: {  	[tilespmem:$0x1B580] =	vst v45  }
0x24a: {  	v45 =	vld [tilespmem:s9+$0x1BD70];
	_ =	sdelay $0x4  }
0x24b: {  	[tilespmem:$0x1BD70] =	vst v45  }
0x24c: {  	v45 =	vld [tilespmem:s9+$0x1C560]  }
.Ltmp16:
0x24d: {  	_ = 	snop;
	(pc) =	sbr.rel .LBB2_18-.Ltmp16, $3  }
0x24e: {  	_ =	sdelay $0x1  }
0x24f: {  	s22 =	ssub.s32 s22, s9  }
0x250: {  	[smem:$0x0] =	sst s22;
	[tilespmem:$0x1C560] =	vst v45  }
.LBB2_19:
0x251: {  	s9 =	sadd.s32 $0xF, s22  }
0x252: {  	s10 =	sand.u32 $0xF, s9  }
0x253: {  	s23 =	sshra.s32 s9, $0x1F;
	p2 =	slt.s32 s9, $0x1;
	p1 =	sne.s32 s10, $0x0  }
0x254: {  	s10 =	sshrl.u32 s23, $0x1C;
	p1 =	por !p2, !p1  }
0x255: {  	s9 =	sadd.s32 s10, s9;
	s10 =	simm.s32 $0x1;
	p1 =	por !p1, !p1  }
0x256: {  	s9 =	sshra.s32 s9, $0x4;
	s10 =	simm.s32 @!p1 $0x0  }
0x257: {  	s9 =	ssub.s32 s9, s10  }
0x258: {  	p1 =	slt.s32 s9, $0x1  }
.Ltmp17:
0x259: {  	_ = 	snop;
	(pc) =	sbr.rel @p1 .LBB2_22-.Ltmp17, $4  }
0x25a: {  	_ = 	snop  }
0x25b: {  	[tilespmem:s22+$0x1B580] =	vst v43  }
0x25c: {  	[tilespmem:s22+$0x1BD70] =	vst v1  }
0x25d: {  	[tilespmem:s22+$0x1C560] =	vst v44  }
0x25e: {  	s11 =	simm.s32 $0x1B580;
	s12 =	simm.s32 $0x1BD70;
	s15 =	simm.s32 $0x1C560  }
.LBB2_21:
0x25f: {  	v45 =	vld [tilespmem:s11+$0x0];
	_ =	sdelay $0x4  }
0x260: {  	[tilespmem:$0x1CFE0] =	vst v45  }
0x261: {  	v45 =	vld [tilespmem:s12+$0x0]  }
0x262: {  	v46 =	vld [tilespmem:s15+$0x0];
	_ =	sdelay $0x3  }
0x263: {  	[tilespmem:$0x1CFF0] =	vst v45  }
0x264: {  	[tilespmem:$0x1D000] =	vst v46  }
0x265: {  	[tilespmem:s31], [sflag:$0x3] =	stream.indirect.gather [hbm4b:s8+s29], $0x8, s30, s29, $0xb8;
	[tilespmem:$0x1D2D0] =	vst v63  }
0x266: {  	_ =	swait.ge [sflag:s4], $0x80  }
0x267: {  	[sflag:s4] =	ssyncset.done $0x0  }
0x268: {  	[sflag:s4] =	ssyncadd.s32 $0xFFFFFF80  }
0x269: {  	v55 =	vld.idx.msk [tilespmem:v34+s2+$0x0], $0xffff;
	_ =	sdelay $0x2  }
0x26a: {  	v56 =	vld.idx.msk [tilespmem:v34+s0+$0x0], $0xffff  }
0x26b: {  	v47 =	vld.idx.msk [tilespmem:v0+s31+$0x0], $0xffff  }
0x26c: {  	v45 =	vshll.u32 v55, $0x3  }
0x26d: {  	v45 =	vor.u32 v35, v45;
	_ =	sdelay $0x2  }
0x26e: {  	v46 =	vmul.f32 v47, v56;
	_ =	sdelay $0x1  }
0x26f: {  	[tilespmem:v45+s17+$0x0] =	vst.idx.add.f32.msk $0xff, v46  }
0x270: {  	[tilespmem:v45+s17+$0x0] =	vst.idx.add.f32.msk vm0, v46  }
0x271: {  	v45 =	vld.idx.msk [tilespmem:v36+s2+$0x0], $0xffff;
	_ =	sdelay $0x2  }
0x272: {  	v46 =	vld.idx.msk [tilespmem:v36+s0+$0x0], $0xffff  }
0x273: {  	v57 =	vld.idx.msk [tilespmem:v2+s31+$0x0], $0xffff  }
0x274: {  	v45 =	vshll.u32 v45, $0x3  }
0x275: {  	v45 =	vor.u32 v35, v45;
	_ =	sdelay $0x2  }
0x276: {  	v46 =	vmul.f32 v57, v46;
	_ =	sdelay $0x1  }
0x277: {  	[tilespmem:v45+s17+$0x0] =	vst.idx.add.f32.msk $0xff, v46  }
0x278: {  	[tilespmem:v45+s17+$0x0] =	vst.idx.add.f32.msk vm0, v46  }
0x279: {  	v45 =	vld.idx.msk [tilespmem:v37+s2+$0x0], $0xffff;
	_ =	sdelay $0x2  }
0x27a: {  	v46 =	vld.idx.msk [tilespmem:v37+s0+$0x0], $0xffff  }
0x27b: {  	v58 =	vld.idx.msk [tilespmem:v3+s31+$0x0], $0xffff  }
0x27c: {  	v45 =	vshll.u32 v45, $0x3  }
0x27d: {  	v45 =	vor.u32 v35, v45;
	_ =	sdelay $0x2  }
0x27e: {  	v46 =	vmul.f32 v58, v46;
	_ =	sdelay $0x1  }
0x27f: {  	[tilespmem:v45+s17+$0x0] =	vst.idx.add.f32.msk $0xff, v46  }
0x280: {  	[tilespmem:v45+s17+$0x0] =	vst.idx.add.f32.msk vm0, v46  }
0x281: {  	v45 =	vld.idx.msk [tilespmem:v38+s2+$0x0], $0xffff;
	_ =	sdelay $0x2  }
0x282: {  	v46 =	vld.idx.msk [tilespmem:v38+s0+$0x0], $0xffff  }
0x283: {  	v59 =	vld.idx.msk [tilespmem:v4+s31+$0x0], $0xffff  }
0x284: {  	v45 =	vshll.u32 v45, $0x3  }
0x285: {  	v45 =	vor.u32 v35, v45;
	_ =	sdelay $0x2  }
0x286: {  	v46 =	vmul.f32 v59, v46;
	_ =	sdelay $0x1  }
0x287: {  	[tilespmem:v45+s17+$0x0] =	vst.idx.add.f32.msk $0xff, v46  }
0x288: {  	[tilespmem:v45+s17+$0x0] =	vst.idx.add.f32.msk vm0, v46  }
0x289: {  	v45 =	vld.idx.msk [tilespmem:v39+s2+$0x0], $0xffff;
	_ =	sdelay $0x2  }
0x28a: {  	v46 =	vld.idx.msk [tilespmem:v39+s0+$0x0], $0xffff  }
0x28b: {  	v60 =	vld.idx.msk [tilespmem:v5+s31+$0x0], $0xffff  }
0x28c: {  	v45 =	vshll.u32 v45, $0x3  }
0x28d: {  	v45 =	vor.u32 v35, v45;
	_ =	sdelay $0x2  }
0x28e: {  	v46 =	vmul.f32 v60, v46;
	_ =	sdelay $0x1  }
0x28f: {  	[tilespmem:v45+s17+$0x0] =	vst.idx.add.f32.msk $0xff, v46  }
0x290: {  	[tilespmem:v45+s17+$0x0] =	vst.idx.add.f32.msk vm0, v46  }
0x291: {  	v45 =	vld.idx.msk [tilespmem:v40+s2+$0x0], $0xffff;
	_ =	sdelay $0x2  }
0x292: {  	v46 =	vld.idx.msk [tilespmem:v40+s0+$0x0], $0xffff  }
0x293: {  	v61 =	vld.idx.msk [tilespmem:v6+s31+$0x0], $0xffff  }
0x294: {  	v45 =	vshll.u32 v45, $0x3  }
0x295: {  	v45 =	vor.u32 v35, v45;
	_ =	sdelay $0x2  }
0x296: {  	v46 =	vmul.f32 v61, v46;
	_ =	sdelay $0x1  }
0x297: {  	[tilespmem:v45+s17+$0x0] =	vst.idx.add.f32.msk $0xff, v46  }
0x298: {  	[tilespmem:v45+s17+$0x0] =	vst.idx.add.f32.msk vm0, v46  }
0x299: {  	v45 =	vld.idx.msk [tilespmem:v41+s2+$0x0], $0xffff;
	_ =	sdelay $0x2  }
0x29a: {  	v46 =	vld.idx.msk [tilespmem:v41+s0+$0x0], $0xffff  }
0x29b: {  	v62 =	vld.idx.msk [tilespmem:v7+s31+$0x0], $0xffff  }
0x29c: {  	v45 =	vshll.u32 v45, $0x3  }
0x29d: {  	v45 =	vor.u32 v35, v45;
	_ =	sdelay $0x2  }
0x29e: {  	v46 =	vmul.f32 v62, v46;
	_ =	sdelay $0x1  }
0x29f: {  	[tilespmem:v45+s17+$0x0] =	vst.idx.add.f32.msk $0xff, v46  }
0x2a0: {  	[tilespmem:v45+s17+$0x0] =	vst.idx.add.f32.msk vm0, v46  }
0x2a1: {  	v45 =	vld.idx.msk [tilespmem:v42+s2+$0x0], $0xffff;
	_ =	sdelay $0x2  }
0x2a2: {  	v46 =	vld.idx.msk [tilespmem:v42+s0+$0x0], $0xffff  }
0x2a3: {  	v63 =	vld.idx.msk [tilespmem:v8+s31+$0x0], $0xffff  }
0x2a4: {  	v45 =	vshll.u32 v45, $0x3  }
0x2a5: {  	v45 =	vor.u32 v35, v45  }
0x2a6: {  	p1 =	sne.s32 s9, $0x1  }
.Ltmp18:
0x2a7: {  	_ = 	snop;
	(pc) =	sbr.rel @p1 .LBB2_21-.Ltmp18, $3  }
0x2a8: {  	v46 =	vmul.f32 v63, v46;
	_ =	sdelay $0x1  }
0x2a9: {  	s11 =	sadd.s32 $0x10, s11;
	[tilespmem:v45+s17+$0x0] =	vst.idx.add.f32.msk $0xff, v46  }
0x2aa: {  	s9 =	sadd.s32 $0xFFFFFFFF, s9;
	s12 =	sadd.s32 $0x10, s12;
	s15 =	sadd.s32 $0x10, s15;
	[tilespmem:v45+s17+$0x0] =	vst.idx.add.f32.msk vm0, v46  }
.Ltmp19:
0x2ab: {  	_ = 	snop;
	(pc) =	sbr.rel .LBB2_22-.Ltmp19, $1  }
0x2ac: {  	_ =	sdelay $0x3  }
.LBB2_23:
0x2ad: {  	_ =	sfence.sel $0x180000  }
0x2ae: {  	[bflag:$0x0] =	sbarrier.arrive $0xFFFF  }
0x2af: {  	_ =	strace $0x90000047  }
0x2b0: {  	s0 =	stileid.u32;
	[bflag:$0x2] =	sbarrier.arrive $0xFFFF  }
0x2b1: {  	p0 =	sne.s32 s0, $0x0;
	s0 =	rddreg [dreg:$0x5]  }
0x2b2: {  	s0 =	sadd.s32 @!p0 $0x100000, s0  }
0x2b3: {  	[sflag:s0] =	ssyncadd.tile.s32 @!p0 $0x1;
	_ =	shalt  }
.Lfunc_end2:
_tile_overlayer_lowered:
.L_overlay_start_2:
0x2b4: {  	(tag) =	ssettag $0x2  }
0x2b5: {  	s0 =	rddreg [dreg:$0x0];
	s2 =	stileid.u32  }
0x2b6: {  	s1 =	rddreg [dreg:$0x1];
	p0 =	sne.s32 s2, $0x0  }
0x2b7: {  	s3 =	rddreg [dreg:$0x2];
	[bflag:$0x3] =	sbarrier.arrive $0xFFFF;
	s2 =	simm.s32 @!p0 $0x1C04  }
0x2b8: {  	[timem:s3], [sflag:s2] =	dma.local @!p0 [hbm:s0], s1  }
0x2b9: {  	s0 =	simm.s32 @!p0 $0x4  }
0x2ba: {  	_ =	swait.ge @!p0 [sflag:s0], s1  }
0x2bb: {  	s1 =	ssub.s32 @!p0 $0x0, s1;
	[sflag:s0] =	ssyncset.done @!p0 $0x0  }
0x2bc: {  	[sflag:s0] =	ssyncadd.s32 @!p0 s1  }
0x2bd: {  	[bflag:$0x3] =	sbarrier.arrive $0xFFFF  }
0x2be: {  	_ =	shalt  }

</sc_bundles>
